<compile_context>
chip_gen: v7x
topology: tpu7x:2x2x1
jax: 0.10.2.dev20260603
libtpu: 0.0.44.dev20260713+nightly
codegen_flags: <defaults>
</compile_context>

<pallas_src>
import functools

import jax
import jax.numpy as jnp
from jax import lax
from jax.experimental import pallas as pl
from jax.experimental.pallas import tpu as pltpu
from jax.experimental.pallas import tpu_sc as plsc

N_NODES = 10000
N_EDGES = 320000
D_IN = 128
D_OUT = 128

DA = 160
NC = 2
NS = 16
NW = NC * NS
CHUNK = 128
N_CHUNKS = 80
GRP = 8
N_GRPS = N_CHUNKS // GRP
EDGES_PER_TILE = CHUNK * N_CHUNKS
E_PAD = EDGES_PER_TILE * NW
N_PAD = 10112
ROWS_PER_TILE = N_PAD // NS
PAD_DST = N_NODES


def _sc_scatter(xa, idx5, zeros):
    mesh = plsc.VectorSubcoreMesh(
        core_axis_name="c", subcore_axis_name="s", num_cores=NC, num_subcores=NS
    )

    @functools.partial(
        pl.kernel,
        out_type=jax.ShapeDtypeStruct((NC, N_PAD, DA), jnp.bfloat16),
        mesh=mesh,
        scratch_types=[
            pltpu.VMEM((2, GRP, CHUNK), jnp.int32),
            pltpu.VMEM((2, GRP, CHUNK), jnp.int32),
            pltpu.VMEM((CHUNK, DA), jnp.bfloat16),
            pltpu.VMEM((CHUNK, DA), jnp.bfloat16),
            pltpu.VMEM_SHARED((N_PAD, DA), jnp.bfloat16),
            pltpu.VMEM_SHARED((N_PAD, DA), jnp.bfloat16),
            pltpu.SemaphoreType.DMA,
            pltpu.SemaphoreType.DMA,
            pltpu.SemaphoreType.DMA,
        ],
        compiler_params=pltpu.CompilerParams(use_tc_tiling_on_sc=False),
    )
    def k(xa_hbm, idx_hbm, zeros_hbm, out_hbm,
          grp_a, grp_b, rows_a, rows_b,
          acc_sh, xa_sh, gsem_a, gsem_b, isem):
        c = lax.axis_index("c")
        s = lax.axis_index("s")
        w = c * NS + s
        row0 = s * ROWS_PER_TILE
        grp = (grp_a, grp_b)
        rows = (rows_a, rows_b)
        gsem = (gsem_a, gsem_b)

        def gather_start(p, j, x):
            pltpu.async_copy(xa_sh.at[grp[p].at[0, j]], rows[x], gsem[x])

        def gather_wait(p, j, x):
            pltpu.make_async_copy(xa_sh.at[grp[p].at[0, j]], rows[x], gsem[x]).wait()

        def scatter(p, j, x):
            pltpu.sync_copy(rows[x], acc_sh.at[grp[p].at[1, j]], add=True)

        def idx_start(g, p):
            pltpu.async_copy(idx_hbm.at[w, g], grp[p], isem)

        def idx_wait(g, p):
            pltpu.make_async_copy(idx_hbm.at[w, g], grp[p], isem).wait()

        pltpu.sync_copy(idx_hbm.at[w, 0], grp[0])
        pltpu.sync_copy(
            xa_hbm.at[pl.ds(row0, ROWS_PER_TILE)],
            xa_sh.at[pl.ds(row0, ROWS_PER_TILE)],
        )
        pltpu.sync_copy(
            zeros_hbm.at[pl.ds(row0, ROWS_PER_TILE)],
            acc_sh.at[pl.ds(row0, ROWS_PER_TILE)],
        )
        plsc.subcore_barrier()
        gather_start(0, 0, 0)

        def chunk_step(g, j, p, first, last, prefetch):
            x = j % 2
            o = 1 - x
            gather_wait(p, j, x)
            if not last:
                nj, np_ = (j + 1, p) if j + 1 < GRP else (0, 1 - p)
                if j + 1 == GRP:
                    idx_wait(g + 1, np_)
                gather_start(np_, nj, o)
            scatter(p, j, x)
            if j == 0 and prefetch:
                idx_start(g + 1, 1 - p)

        def group_pair(g0, first, last):
            for j in range(GRP):
                chunk_step(g0, j, 0, first and j == 0, False, j == 0)
            for j in range(GRP):
                chunk_step(g0 + 1, j, 1, False, last and j == GRP - 1,
                           j == 0 and not last)

        group_pair(0, True, False)

        def body(t, carry):
            group_pair(t * 2, False, False)
            return carry

        lax.fori_loop(1, N_GRPS // 2 - 1, body, 0)
        group_pair(N_GRPS - 2, False, True)

        plsc.subcore_barrier()
        pltpu.sync_copy(
            acc_sh.at[pl.ds(row0, ROWS_PER_TILE)],
            out_hbm.at[c, pl.ds(row0, ROWS_PER_TILE)],
        )

    return k(xa, idx5, zeros)


def _tc_body(x_ref, p_ref, ws_ref, wn_ref, b_ref, o_ref):
    p = sum(p_ref[h].astype(jnp.float32) for h in range(NC))
    deg = p[:, D_IN : D_IN + 1]
    mean = p[:, :D_IN] / jnp.maximum(deg, 1.0)
    o_ref[...] = (
        jnp.dot(x_ref[...], ws_ref[...], preferred_element_type=jnp.float32)
        + jnp.dot(mean, wn_ref[...], preferred_element_type=jnp.float32)
        + b_ref[...]
    )


def _tc_dense(x, parts, W_self, W_neigh, b2):
    bm = 1000
    grid = N_NODES // bm
    return pl.pallas_call(
        _tc_body,
        out_shape=jax.ShapeDtypeStruct((N_NODES, D_OUT), jnp.float32),
        grid=(grid,),
        in_specs=[
            pl.BlockSpec((bm, D_IN), lambda i: (i, 0)),
            pl.BlockSpec((NC, bm, DA), lambda i: (0, i, 0)),
            pl.BlockSpec((D_IN, D_OUT), lambda i: (0, 0)),
            pl.BlockSpec((D_IN, D_OUT), lambda i: (0, 0)),
            pl.BlockSpec((1, D_OUT), lambda i: (0, 0)),
        ],
        out_specs=pl.BlockSpec((bm, D_OUT), lambda i: (i, 0)),
    )(x, parts, W_self, W_neigh, b2)


def kernel(x, edge_index, W_self, W_neigh, b):
    src = edge_index[0].astype(jnp.int32)
    dst = edge_index[1].astype(jnp.int32)
    fill_per_tile = EDGES_PER_TILE - N_EDGES // NW
    fidx = jnp.arange(NW * fill_per_tile, dtype=jnp.int32).reshape(NW, fill_per_tile)
    fill_src = (fidx * 131) % N_NODES
    fill_dst = PAD_DST + fidx % (N_PAD - N_NODES)
    src_t = jnp.concatenate([src.reshape(NW, -1), fill_src], axis=1)
    dst_t = jnp.concatenate([dst.reshape(NW, -1), fill_dst], axis=1)
    idx5 = jnp.stack(
        [
            src_t.reshape(NW, N_GRPS, GRP, CHUNK),
            dst_t.reshape(NW, N_GRPS, GRP, CHUNK),
        ],
        axis=2,
    )
    xa = jnp.concatenate(
        [
            x.astype(jnp.bfloat16),
            jnp.ones((N_NODES, 1), jnp.bfloat16),
            jnp.zeros((N_NODES, DA - D_IN - 1), jnp.bfloat16),
        ],
        axis=1,
    )
    xa = jnp.concatenate([xa, jnp.zeros((N_PAD - N_NODES, DA), jnp.bfloat16)])
    zeros = jnp.zeros((N_PAD, DA), jnp.bfloat16)
    parts = _sc_scatter(xa, idx5, zeros)
    return _tc_dense(x, parts, W_self, W_neigh, b.reshape(1, D_OUT))

# --- scband reference (transcript-rebuilt; emitter-appended) ---
"""Pipeline reference for scband-net-39908836114629 (READ-ONLY COPY).

The authoritative reference and input builder live on the scoring server;
editing this copy changes nothing except your own understanding.
"""

import jax, jax.numpy as jnp
import numpy as np

N_NODES = 10000
N_EDGES = 320000
D_IN = 128
D_OUT = 128


def setup_inputs(seed: int = 0) -> dict:
    key = jax.random.key(seed)
    k1, k2, k3, k4, k5 = jax.random.split(key, 5)
    x = jax.random.normal(k1, (N_NODES, D_IN), dtype=jnp.float32)
    edge_index = jax.random.randint(k2, (2, N_EDGES), 0, N_NODES, dtype=jnp.int64)
    # SAGE-style parameters: self weight, neighbor weight, bias
    W_self = jax.random.normal(k3, (D_IN, D_OUT), dtype=jnp.float32) * (1.0 / np.sqrt(D_IN))
    W_neigh = jax.random.normal(k4, (D_IN, D_OUT), dtype=jnp.float32) * (1.0 / np.sqrt(D_IN))
    b = jnp.zeros((D_OUT,), dtype=jnp.float32)
    return {"x": x, "edge_index": edge_index, "W_self": W_self, "W_neigh": W_neigh, "b": b}


def reference(x, edge_index, W_self, W_neigh, b):
    # GraphSAGE-style mean-aggregation message passing layer.
    src = edge_index[0]
    dst = edge_index[1]
    # gather source node features along edges (SparseCore gather)
    msgs = jnp.take(x, src, axis=0)                                   # [E, D_IN]
    # scatter-add messages into destination nodes (SparseCore scatter-add)
    agg = jax.ops.segment_sum(msgs, dst, num_segments=N_NODES)        # [N, D_IN]
    deg = jax.ops.segment_sum(jnp.ones((N_EDGES,), dtype=jnp.float32), dst, num_segments=N_NODES)
    mean_agg = agg / jnp.maximum(deg, 1.0)[:, None]                   # [N, D_IN]
    out = x @ W_self + mean_agg @ W_neigh + b                         # [N, D_OUT]
    return out

if __name__ == "__main__":
    import jax
    _d = setup_inputs()
    print(jax.jit(kernel)(*tuple(_d.values())))

</pallas_src>

<mosaic_0001>
#map = affine_map<(d0, d1) -> (0, 0)>
#map1 = affine_map<(d0, d1) -> (0, 0, 0, 0, 0)>
#map2 = affine_map<(d0, d1) -> (0, 0, 0)>
module attributes {stable_mosaic.version = 14 : i64} {
  func.func @k(%arg0: i32, %arg1: i32, %arg2: memref<10112x160xbf16, #tpu.memory_space<hbm>>, %arg3: memref<32x10x2x8x128xi32, #tpu.memory_space<hbm>>, %arg4: memref<10112x160xbf16, #tpu.memory_space<hbm>>, %arg5: memref<2x10112x160xbf16, #tpu.memory_space<hbm>>, %arg6: memref<2x8x128xi32, #tpu.memory_space<vmem>>, %arg7: memref<2x8x128xi32, #tpu.memory_space<vmem>>, %arg8: memref<128x160xbf16, #tpu.memory_space<vmem>>, %arg9: memref<128x160xbf16, #tpu.memory_space<vmem>>, %arg10: memref<10112x160xbf16, #tpu.memory_space<vmem_shared>>, %arg11: memref<10112x160xbf16, #tpu.memory_space<vmem_shared>>, %arg12: memref<!tpu.dma_semaphore, #tpu.memory_space<semaphore_mem>>, %arg13: memref<!tpu.dma_semaphore, #tpu.memory_space<semaphore_mem>>, %arg14: memref<!tpu.dma_semaphore, #tpu.memory_space<semaphore_mem>>) attributes {dimension_semantics = [#tpu.dimension_semantics<core_parallel>, #tpu.dimension_semantics<subcore_parallel>], iteration_bounds = array<i64: 2, 16>, scalar_prefetch = 0 : i64, scratch_operands = 9 : i64, tpu.core_type = #tpu.core_type<sc_vector_subcore>, window_params = [{transform_indices = #map}, {transform_indices = #map1}, {transform_indices = #map}, {transform_indices = #map2}]} {
    %mul3A = arith.constant 16 : i32
    %mul3A_0 = arith.muli %arg0, %mul3A : i32
    %add3A = arith.addi %mul3A_0, %arg1 : i32
    %mul3A_1 = arith.constant 632 : i32
    %mul3A_2 = arith.muli %arg1, %mul3A_1 : i32
    %run_scoped3A = arith.constant 0 : i32
    "tpu.region"() ({
      %run_scoped3A_649 = tpu.sem_alloc : memref<!tpu.dma_semaphore, #tpu.memory_space<semaphore_mem>>
      %dma_start3A_650 = arith.constant 0 : i32
      %dma_start3A_651 = arith.constant 0 : i32
      %dma_start3A_652 = arith.constant 0 : i32
      %dma_start3A_653 = tpu.memref_slice %arg3[%add3A, %run_scoped3A, %dma_start3A_650, %dma_start3A_651, %dma_start3A_652] : memref<32x10x2x8x128xi32, #tpu.memory_space<hbm>> -> memref<1x1x2x8x128xi32, #tpu.memory_space<hbm>>
      %dma_start3A_654 = tpu.memref_squeeze %dma_start3A_653 : memref<1x1x2x8x128xi32, #tpu.memory_space<hbm>> -> memref<2x8x128xi32, #tpu.memory_space<hbm>>
      %dma_start3A_655 = arith.constant 0 : i32
      %dma_start3A_656 = arith.constant 0 : i32
      %dma_start3A_657 = arith.constant 0 : i32
      %dma_start3A_658 = tpu.memref_slice %arg3[%add3A, %run_scoped3A, %dma_start3A_655, %dma_start3A_656, %dma_start3A_657] : memref<32x10x2x8x128xi32, #tpu.memory_space<hbm>> -> memref<1x1x2x8x128xi32, #tpu.memory_space<hbm>>
      %dma_start3A_659 = tpu.memref_squeeze %dma_start3A_658 : memref<1x1x2x8x128xi32, #tpu.memory_space<hbm>> -> memref<2x8x128xi32, #tpu.memory_space<hbm>>
      tpu.enqueue_dma source(%dma_start3A_659 : memref<2x8x128xi32, #tpu.memory_space<hbm>>) target(%arg6 : memref<2x8x128xi32, #tpu.memory_space<vmem>>) target_semaphore(%run_scoped3A_649 : memref<!tpu.dma_semaphore, #tpu.memory_space<semaphore_mem>>)
      %dma_wait3A_660 = arith.constant 0 : i32
      %dma_wait3A_661 = arith.constant 0 : i32
      %dma_wait3A_662 = arith.constant 0 : i32
      %dma_wait3A_663 = tpu.memref_slice %arg3[%add3A, %run_scoped3A, %dma_wait3A_660, %dma_wait3A_661, %dma_wait3A_662] : memref<32x10x2x8x128xi32, #tpu.memory_space<hbm>> -> memref<1x1x2x8x128xi32, #tpu.memory_space<hbm>>
      %dma_wait3A_664 = tpu.memref_squeeze %dma_wait3A_663 : memref<1x1x2x8x128xi32, #tpu.memory_space<hbm>> -> memref<2x8x128xi32, #tpu.memory_space<hbm>>
      %dma_wait3A_665 = arith.constant 0 : i32
      %dma_wait3A_666 = arith.constant 0 : i32
      %dma_wait3A_667 = arith.constant 0 : i32
      %dma_wait3A_668 = tpu.memref_slice %arg3[%add3A, %run_scoped3A, %dma_wait3A_665, %dma_wait3A_666, %dma_wait3A_667] : memref<32x10x2x8x128xi32, #tpu.memory_space<hbm>> -> memref<1x1x2x8x128xi32, #tpu.memory_space<hbm>>
      %dma_wait3A_669 = tpu.memref_squeeze %dma_wait3A_668 : memref<1x1x2x8x128xi32, #tpu.memory_space<hbm>> -> memref<2x8x128xi32, #tpu.memory_space<hbm>>
      tpu.wait_dma2 semaphore(%run_scoped3A_649 : memref<!tpu.dma_semaphore, #tpu.memory_space<semaphore_mem>>) src(%dma_wait3A_669 : memref<2x8x128xi32, #tpu.memory_space<hbm>>) dst(%arg6 : memref<2x8x128xi32, #tpu.memory_space<vmem>>)
      tpu.yield
    }) : () -> ()
    "tpu.region"() ({
      %run_scoped3A_649 = tpu.sem_alloc : memref<!tpu.dma_semaphore, #tpu.memory_space<semaphore_mem>>
      %dma_start3A_650 = arith.constant 0 : i32
      %dma_start3A_651 = tpu.memref_slice %arg11[%mul3A_2, %dma_start3A_650] : memref<10112x160xbf16, #tpu.memory_space<vmem_shared>> -> memref<632x160xbf16, #tpu.memory_space<vmem_shared>>
      %dma_start3A_652 = arith.constant 0 : i32
      %dma_start3A_653 = tpu.memref_slice %arg2[%mul3A_2, %dma_start3A_652] : memref<10112x160xbf16, #tpu.memory_space<hbm>> -> memref<632x160xbf16, #tpu.memory_space<hbm>>
      tpu.enqueue_dma source(%dma_start3A_653 : memref<632x160xbf16, #tpu.memory_space<hbm>>) target(%dma_start3A_651 : memref<632x160xbf16, #tpu.memory_space<vmem_shared>>) target_semaphore(%run_scoped3A_649 : memref<!tpu.dma_semaphore, #tpu.memory_space<semaphore_mem>>)
      %dma_wait3A_654 = arith.constant 0 : i32
      %dma_wait3A_655 = tpu.memref_slice %arg11[%mul3A_2, %dma_wait3A_654] : memref<10112x160xbf16, #tpu.memory_space<vmem_shared>> -> memref<632x160xbf16, #tpu.memory_space<vmem_shared>>
      %dma_wait3A_656 = arith.constant 0 : i32
      %dma_wait3A_657 = tpu.memref_slice %arg2[%mul3A_2, %dma_wait3A_656] : memref<10112x160xbf16, #tpu.memory_space<hbm>> -> memref<632x160xbf16, #tpu.memory_space<hbm>>
      tpu.wait_dma2 semaphore(%run_scoped3A_649 : memref<!tpu.dma_semaphore, #tpu.memory_space<semaphore_mem>>) src(%dma_wait3A_657 : memref<632x160xbf16, #tpu.memory_space<hbm>>) dst(%dma_wait3A_655 : memref<632x160xbf16, #tpu.memory_space<vmem_shared>>)
      tpu.yield
    }) : () -> ()
    "tpu.region"() ({
      %run_scoped3A_649 = tpu.sem_alloc : memref<!tpu.dma_semaphore, #tpu.memory_space<semaphore_mem>>
      %dma_start3A_650 = arith.constant 0 : i32
      %dma_start3A_651 = tpu.memref_slice %arg10[%mul3A_2, %dma_start3A_650] : memref<10112x160xbf16, #tpu.memory_space<vmem_shared>> -> memref<632x160xbf16, #tpu.memory_space<vmem_shared>>
      %dma_start3A_652 = arith.constant 0 : i32
      %dma_start3A_653 = tpu.memref_slice %arg4[%mul3A_2, %dma_start3A_652] : memref<10112x160xbf16, #tpu.memory_space<hbm>> -> memref<632x160xbf16, #tpu.memory_space<hbm>>
      tpu.enqueue_dma source(%dma_start3A_653 : memref<632x160xbf16, #tpu.memory_space<hbm>>) target(%dma_start3A_651 : memref<632x160xbf16, #tpu.memory_space<vmem_shared>>) target_semaphore(%run_scoped3A_649 : memref<!tpu.dma_semaphore, #tpu.memory_space<semaphore_mem>>)
      %dma_wait3A_654 = arith.constant 0 : i32
      %dma_wait3A_655 = tpu.memref_slice %arg10[%mul3A_2, %dma_wait3A_654] : memref<10112x160xbf16, #tpu.memory_space<vmem_shared>> -> memref<632x160xbf16, #tpu.memory_space<vmem_shared>>
      %dma_wait3A_656 = arith.constant 0 : i32
      %dma_wait3A_657 = tpu.memref_slice %arg4[%mul3A_2, %dma_wait3A_656] : memref<10112x160xbf16, #tpu.memory_space<hbm>> -> memref<632x160xbf16, #tpu.memory_space<hbm>>
      tpu.wait_dma2 semaphore(%run_scoped3A_649 : memref<!tpu.dma_semaphore, #tpu.memory_space<semaphore_mem>>) src(%dma_wait3A_657 : memref<632x160xbf16, #tpu.memory_space<hbm>>) dst(%dma_wait3A_655 : memref<632x160xbf16, #tpu.memory_space<vmem_shared>>)
      tpu.yield
    }) : () -> ()
    %barrier3A = arith.constant 0 : index
    tpu.barrier barrier_id(%barrier3A)
    %dma_start3A = arith.constant 0 : i32
    %dma_start3A_3 = arith.constant 0 : i32
    %dma_start3A_4 = arith.constant 0 : i32
    %dma_start3A_5 = tpu.memref_slice %arg6[%dma_start3A, %dma_start3A_3, %dma_start3A_4] : memref<2x8x128xi32, #tpu.memory_space<vmem>> -> memref<1x1x128xi32, #tpu.memory_space<vmem>>
    %dma_start3A_6 = tpu.memref_squeeze %dma_start3A_5 : memref<1x1x128xi32, #tpu.memory_space<vmem>> -> memref<128xi32, #tpu.memory_space<vmem>>
    %dma_start3A_7 = arith.constant 0 : i32
    %dma_start3A_8 = arith.constant 0 : i32
    %dma_start3A_9 = tpu.memref_slice %arg11[%dma_start3A_7, %dma_start3A_8] : memref<10112x160xbf16, #tpu.memory_space<vmem_shared>> -> memref<10112x160xbf16, #tpu.memory_space<vmem_shared>>
    tpu.enqueue_indirect_dma source(%dma_start3A_9 : memref<10112x160xbf16, #tpu.memory_space<vmem_shared>>) target(%arg8 : memref<128x160xbf16, #tpu.memory_space<vmem>>) offsets(%dma_start3A_6 : memref<128xi32, #tpu.memory_space<vmem>>) semaphore(%arg12 : memref<!tpu.dma_semaphore, #tpu.memory_space<semaphore_mem>>)
    %dma_wait3A = arith.constant 0 : i32
    %dma_wait3A_10 = arith.constant 0 : i32
    %dma_wait3A_11 = arith.constant 0 : i32
    %dma_wait3A_12 = tpu.memref_slice %arg6[%dma_wait3A, %dma_wait3A_10, %dma_wait3A_11] : memref<2x8x128xi32, #tpu.memory_space<vmem>> -> memref<1x1x128xi32, #tpu.memory_space<vmem>>
    %dma_wait3A_13 = tpu.memref_squeeze %dma_wait3A_12 : memref<1x1x128xi32, #tpu.memory_space<vmem>> -> memref<128xi32, #tpu.memory_space<vmem>>
    %dma_wait3A_14 = arith.constant 0 : i32
    %dma_wait3A_15 = arith.constant 0 : i32
    %dma_wait3A_16 = tpu.memref_slice %arg11[%dma_wait3A_14, %dma_wait3A_15] : memref<10112x160xbf16, #tpu.memory_space<vmem_shared>> -> memref<10112x160xbf16, #tpu.memory_space<vmem_shared>>
    tpu.wait_indirect_dma semaphore(%arg12 : memref<!tpu.dma_semaphore, #tpu.memory_space<semaphore_mem>>) src(%dma_wait3A_16 : memref<10112x160xbf16, #tpu.memory_space<vmem_shared>>) dst(%arg8 : memref<128x160xbf16, #tpu.memory_space<vmem>>)
    %dma_start3A_17 = arith.constant 0 : i32
    %dma_start3A_18 = arith.constant 1 : i32
    %dma_start3A_19 = arith.constant 0 : i32
    %dma_start3A_20 = tpu.memref_slice %arg6[%dma_start3A_17, %dma_start3A_18, %dma_start3A_19] : memref<2x8x128xi32, #tpu.memory_space<vmem>> -> memref<1x1x128xi32, #tpu.memory_space<vmem>>
    %dma_start3A_21 = tpu.memref_squeeze %dma_start3A_20 : memref<1x1x128xi32, #tpu.memory_space<vmem>> -> memref<128xi32, #tpu.memory_space<vmem>>
    %dma_start3A_22 = arith.constant 0 : i32
    %dma_start3A_23 = arith.constant 0 : i32
    %dma_start3A_24 = tpu.memref_slice %arg11[%dma_start3A_22, %dma_start3A_23] : memref<10112x160xbf16, #tpu.memory_space<vmem_shared>> -> memref<10112x160xbf16, #tpu.memory_space<vmem_shared>>
    tpu.enqueue_indirect_dma source(%dma_start3A_24 : memref<10112x160xbf16, #tpu.memory_space<vmem_shared>>) target(%arg9 : memref<128x160xbf16, #tpu.memory_space<vmem>>) offsets(%dma_start3A_21 : memref<128xi32, #tpu.memory_space<vmem>>) semaphore(%arg13 : memref<!tpu.dma_semaphore, #tpu.memory_space<semaphore_mem>>)
    %run_scoped3A_25 = arith.constant 1 : i32
    %run_scoped3A_26 = arith.constant 0 : i32
    "tpu.region"() ({
      %run_scoped3A_649 = tpu.sem_alloc : memref<!tpu.dma_semaphore, #tpu.memory_space<semaphore_mem>>
      %dma_start3A_650 = arith.constant 0 : i32
      %dma_start3A_651 = tpu.memref_slice %arg6[%run_scoped3A_25, %run_scoped3A_26, %dma_start3A_650] : memref<2x8x128xi32, #tpu.memory_space<vmem>> -> memref<1x1x128xi32, #tpu.memory_space<vmem>>
      %dma_start3A_652 = tpu.memref_squeeze %dma_start3A_651 : memref<1x1x128xi32, #tpu.memory_space<vmem>> -> memref<128xi32, #tpu.memory_space<vmem>>
      %dma_start3A_653 = arith.constant 0 : i32
      %dma_start3A_654 = arith.constant 0 : i32
      %dma_start3A_655 = tpu.memref_slice %arg10[%dma_start3A_653, %dma_start3A_654] : memref<10112x160xbf16, #tpu.memory_space<vmem_shared>> -> memref<10112x160xbf16, #tpu.memory_space<vmem_shared>>
      tpu.enqueue_indirect_dma source(%arg8 : memref<128x160xbf16, #tpu.memory_space<vmem>>) target(%dma_start3A_655 : memref<10112x160xbf16, #tpu.memory_space<vmem_shared>>) offsets(%dma_start3A_652 : memref<128xi32, #tpu.memory_space<vmem>>) semaphore(%run_scoped3A_649 : memref<!tpu.dma_semaphore, #tpu.memory_space<semaphore_mem>>) {add = true}
      %dma_wait3A_656 = arith.constant 0 : i32
      %dma_wait3A_657 = tpu.memref_slice %arg6[%run_scoped3A_25, %run_scoped3A_26, %dma_wait3A_656] : memref<2x8x128xi32, #tpu.memory_space<vmem>> -> memref<1x1x128xi32, #tpu.memory_space<vmem>>
      %dma_wait3A_658 = tpu.memref_squeeze %dma_wait3A_657 : memref<1x1x128xi32, #tpu.memory_space<vmem>> -> memref<128xi32, #tpu.memory_space<vmem>>
      %dma_wait3A_659 = arith.constant 0 : i32
      %dma_wait3A_660 = arith.constant 0 : i32
      %dma_wait3A_661 = tpu.memref_slice %arg10[%dma_wait3A_659, %dma_wait3A_660] : memref<10112x160xbf16, #tpu.memory_space<vmem_shared>> -> memref<10112x160xbf16, #tpu.memory_space<vmem_shared>>
      tpu.wait_indirect_dma semaphore(%run_scoped3A_649 : memref<!tpu.dma_semaphore, #tpu.memory_space<semaphore_mem>>) src(%arg8 : memref<128x160xbf16, #tpu.memory_space<vmem>>) dst(%dma_wait3A_661 : memref<10112x160xbf16, #tpu.memory_space<vmem_shared>>)
      tpu.yield
    }) : () -> ()
    %dma_start3A_27 = arith.constant 1 : i32
    %dma_start3A_28 = arith.constant 0 : i32
    %dma_start3A_29 = arith.constant 0 : i32
    %dma_start3A_30 = arith.constant 0 : i32
    %dma_start3A_31 = tpu.memref_slice %arg3[%add3A, %dma_start3A_27, %dma_start3A_28, %dma_start3A_29, %dma_start3A_30] : memref<32x10x2x8x128xi32, #tpu.memory_space<hbm>> -> memref<1x1x2x8x128xi32, #tpu.memory_space<hbm>>
    %dma_start3A_32 = tpu.memref_squeeze %dma_start3A_31 : memref<1x1x2x8x128xi32, #tpu.memory_space<hbm>> -> memref<2x8x128xi32, #tpu.memory_space<hbm>>
    %dma_start3A_33 = arith.constant 0 : i32
    %dma_start3A_34 = arith.constant 0 : i32
    %dma_start3A_35 = arith.constant 0 : i32
    %dma_start3A_36 = tpu.memref_slice %arg3[%add3A, %dma_start3A_27, %dma_start3A_33, %dma_start3A_34, %dma_start3A_35] : memref<32x10x2x8x128xi32, #tpu.memory_space<hbm>> -> memref<1x1x2x8x128xi32, #tpu.memory_space<hbm>>
    %dma_start3A_37 = tpu.memref_squeeze %dma_start3A_36 : memref<1x1x2x8x128xi32, #tpu.memory_space<hbm>> -> memref<2x8x128xi32, #tpu.memory_space<hbm>>
    tpu.enqueue_dma source(%dma_start3A_37 : memref<2x8x128xi32, #tpu.memory_space<hbm>>) target(%arg7 : memref<2x8x128xi32, #tpu.memory_space<vmem>>) target_semaphore(%arg14 : memref<!tpu.dma_semaphore, #tpu.memory_space<semaphore_mem>>)
    %dma_wait3A_38 = arith.constant 0 : i32
    %dma_wait3A_39 = arith.constant 1 : i32
    %dma_wait3A_40 = arith.constant 0 : i32
    %dma_wait3A_41 = tpu.memref_slice %arg6[%dma_wait3A_38, %dma_wait3A_39, %dma_wait3A_40] : memref<2x8x128xi32, #tpu.memory_space<vmem>> -> memref<1x1x128xi32, #tpu.memory_space<vmem>>
    %dma_wait3A_42 = tpu.memref_squeeze %dma_wait3A_41 : memref<1x1x128xi32, #tpu.memory_space<vmem>> -> memref<128xi32, #tpu.memory_space<vmem>>
    %dma_wait3A_43 = arith.constant 0 : i32
    %dma_wait3A_44 = arith.constant 0 : i32
    %dma_wait3A_45 = tpu.memref_slice %arg11[%dma_wait3A_43, %dma_wait3A_44] : memref<10112x160xbf16, #tpu.memory_space<vmem_shared>> -> memref<10112x160xbf16, #tpu.memory_space<vmem_shared>>
    tpu.wait_indirect_dma semaphore(%arg13 : memref<!tpu.dma_semaphore, #tpu.memory_space<semaphore_mem>>) src(%dma_wait3A_45 : memref<10112x160xbf16, #tpu.memory_space<vmem_shared>>) dst(%arg9 : memref<128x160xbf16, #tpu.memory_space<vmem>>)
    %dma_start3A_46 = arith.constant 0 : i32
    %dma_start3A_47 = arith.constant 2 : i32
    %dma_start3A_48 = arith.constant 0 : i32
    %dma_start3A_49 = tpu.memref_slice %arg6[%dma_start3A_46, %dma_start3A_47, %dma_start3A_48] : memref<2x8x128xi32, #tpu.memory_space<vmem>> -> memref<1x1x128xi32, #tpu.memory_space<vmem>>
    %dma_start3A_50 = tpu.memref_squeeze %dma_start3A_49 : memref<1x1x128xi32, #tpu.memory_space<vmem>> -> memref<128xi32, #tpu.memory_space<vmem>>
    %dma_start3A_51 = arith.constant 0 : i32
    %dma_start3A_52 = arith.constant 0 : i32
    %dma_start3A_53 = tpu.memref_slice %arg11[%dma_start3A_51, %dma_start3A_52] : memref<10112x160xbf16, #tpu.memory_space<vmem_shared>> -> memref<10112x160xbf16, #tpu.memory_space<vmem_shared>>
    tpu.enqueue_indirect_dma source(%dma_start3A_53 : memref<10112x160xbf16, #tpu.memory_space<vmem_shared>>) target(%arg8 : memref<128x160xbf16, #tpu.memory_space<vmem>>) offsets(%dma_start3A_50 : memref<128xi32, #tpu.memory_space<vmem>>) semaphore(%arg12 : memref<!tpu.dma_semaphore, #tpu.memory_space<semaphore_mem>>)
    %run_scoped3A_54 = arith.constant 1 : i32
    %run_scoped3A_55 = arith.constant 1 : i32
    "tpu.region"() ({
      %run_scoped3A_649 = tpu.sem_alloc : memref<!tpu.dma_semaphore, #tpu.memory_space<semaphore_mem>>
      %dma_start3A_650 = arith.constant 0 : i32
      %dma_start3A_651 = tpu.memref_slice %arg6[%run_scoped3A_54, %run_scoped3A_55, %dma_start3A_650] : memref<2x8x128xi32, #tpu.memory_space<vmem>> -> memref<1x1x128xi32, #tpu.memory_space<vmem>>
      %dma_start3A_652 = tpu.memref_squeeze %dma_start3A_651 : memref<1x1x128xi32, #tpu.memory_space<vmem>> -> memref<128xi32, #tpu.memory_space<vmem>>
      %dma_start3A_653 = arith.constant 0 : i32
      %dma_start3A_654 = arith.constant 0 : i32
      %dma_start3A_655 = tpu.memref_slice %arg10[%dma_start3A_653, %dma_start3A_654] : memref<10112x160xbf16, #tpu.memory_space<vmem_shared>> -> memref<10112x160xbf16, #tpu.memory_space<vmem_shared>>
      tpu.enqueue_indirect_dma source(%arg9 : memref<128x160xbf16, #tpu.memory_space<vmem>>) target(%dma_start3A_655 : memref<10112x160xbf16, #tpu.memory_space<vmem_shared>>) offsets(%dma_start3A_652 : memref<128xi32, #tpu.memory_space<vmem>>) semaphore(%run_scoped3A_649 : memref<!tpu.dma_semaphore, #tpu.memory_space<semaphore_mem>>) {add = true}
      %dma_wait3A_656 = arith.constant 0 : i32
      %dma_wait3A_657 = tpu.memref_slice %arg6[%run_scoped3A_54, %run_scoped3A_55, %dma_wait3A_656] : memref<2x8x128xi32, #tpu.memory_space<vmem>> -> memref<1x1x128xi32, #tpu.memory_space<vmem>>
      %dma_wait3A_658 = tpu.memref_squeeze %dma_wait3A_657 : memref<1x1x128xi32, #tpu.memory_space<vmem>> -> memref<128xi32, #tpu.memory_space<vmem>>
      %dma_wait3A_659 = arith.constant 0 : i32
      %dma_wait3A_660 = arith.constant 0 : i32
      %dma_wait3A_661 = tpu.memref_slice %arg10[%dma_wait3A_659, %dma_wait3A_660] : memref<10112x160xbf16, #tpu.memory_space<vmem_shared>> -> memref<10112x160xbf16, #tpu.memory_space<vmem_shared>>
      tpu.wait_indirect_dma semaphore(%run_scoped3A_649 : memref<!tpu.dma_semaphore, #tpu.memory_space<semaphore_mem>>) src(%arg9 : memref<128x160xbf16, #tpu.memory_space<vmem>>) dst(%dma_wait3A_661 : memref<10112x160xbf16, #tpu.memory_space<vmem_shared>>)
      tpu.yield
    }) : () -> ()
    %dma_wait3A_56 = arith.constant 0 : i32
    %dma_wait3A_57 = arith.constant 2 : i32
    %dma_wait3A_58 = arith.constant 0 : i32
    %dma_wait3A_59 = tpu.memref_slice %arg6[%dma_wait3A_56, %dma_wait3A_57, %dma_wait3A_58] : memref<2x8x128xi32, #tpu.memory_space<vmem>> -> memref<1x1x128xi32, #tpu.memory_space<vmem>>
    %dma_wait3A_60 = tpu.memref_squeeze %dma_wait3A_59 : memref<1x1x128xi32, #tpu.memory_space<vmem>> -> memref<128xi32, #tpu.memory_space<vmem>>
    %dma_wait3A_61 = arith.constant 0 : i32
    %dma_wait3A_62 = arith.constant 0 : i32
    %dma_wait3A_63 = tpu.memref_slice %arg11[%dma_wait3A_61, %dma_wait3A_62] : memref<10112x160xbf16, #tpu.memory_space<vmem_shared>> -> memref<10112x160xbf16, #tpu.memory_space<vmem_shared>>
    tpu.wait_indirect_dma semaphore(%arg12 : memref<!tpu.dma_semaphore, #tpu.memory_space<semaphore_mem>>) src(%dma_wait3A_63 : memref<10112x160xbf16, #tpu.memory_space<vmem_shared>>) dst(%arg8 : memref<128x160xbf16, #tpu.memory_space<vmem>>)
    %dma_start3A_64 = arith.constant 0 : i32
    %dma_start3A_65 = arith.constant 3 : i32
    %dma_start3A_66 = arith.constant 0 : i32
    %dma_start3A_67 = tpu.memref_slice %arg6[%dma_start3A_64, %dma_start3A_65, %dma_start3A_66] : memref<2x8x128xi32, #tpu.memory_space<vmem>> -> memref<1x1x128xi32, #tpu.memory_space<vmem>>
    %dma_start3A_68 = tpu.memref_squeeze %dma_start3A_67 : memref<1x1x128xi32, #tpu.memory_space<vmem>> -> memref<128xi32, #tpu.memory_space<vmem>>
    %dma_start3A_69 = arith.constant 0 : i32
    %dma_start3A_70 = arith.constant 0 : i32
    %dma_start3A_71 = tpu.memref_slice %arg11[%dma_start3A_69, %dma_start3A_70] : memref<10112x160xbf16, #tpu.memory_space<vmem_shared>> -> memref<10112x160xbf16, #tpu.memory_space<vmem_shared>>
    tpu.enqueue_indirect_dma source(%dma_start3A_71 : memref<10112x160xbf16, #tpu.memory_space<vmem_shared>>) target(%arg9 : memref<128x160xbf16, #tpu.memory_space<vmem>>) offsets(%dma_start3A_68 : memref<128xi32, #tpu.memory_space<vmem>>) semaphore(%arg13 : memref<!tpu.dma_semaphore, #tpu.memory_space<semaphore_mem>>)
    %run_scoped3A_72 = arith.constant 1 : i32
    %run_scoped3A_73 = arith.constant 2 : i32
    "tpu.region"() ({
      %run_scoped3A_649 = tpu.sem_alloc : memref<!tpu.dma_semaphore, #tpu.memory_space<semaphore_mem>>
      %dma_start3A_650 = arith.constant 0 : i32
      %dma_start3A_651 = tpu.memref_slice %arg6[%run_scoped3A_72, %run_scoped3A_73, %dma_start3A_650] : memref<2x8x128xi32, #tpu.memory_space<vmem>> -> memref<1x1x128xi32, #tpu.memory_space<vmem>>
      %dma_start3A_652 = tpu.memref_squeeze %dma_start3A_651 : memref<1x1x128xi32, #tpu.memory_space<vmem>> -> memref<128xi32, #tpu.memory_space<vmem>>
      %dma_start3A_653 = arith.constant 0 : i32
      %dma_start3A_654 = arith.constant 0 : i32
      %dma_start3A_655 = tpu.memref_slice %arg10[%dma_start3A_653, %dma_start3A_654] : memref<10112x160xbf16, #tpu.memory_space<vmem_shared>> -> memref<10112x160xbf16, #tpu.memory_space<vmem_shared>>
      tpu.enqueue_indirect_dma source(%arg8 : memref<128x160xbf16, #tpu.memory_space<vmem>>) target(%dma_start3A_655 : memref<10112x160xbf16, #tpu.memory_space<vmem_shared>>) offsets(%dma_start3A_652 : memref<128xi32, #tpu.memory_space<vmem>>) semaphore(%run_scoped3A_649 : memref<!tpu.dma_semaphore, #tpu.memory_space<semaphore_mem>>) {add = true}
      %dma_wait3A_656 = arith.constant 0 : i32
      %dma_wait3A_657 = tpu.memref_slice %arg6[%run_scoped3A_72, %run_scoped3A_73, %dma_wait3A_656] : memref<2x8x128xi32, #tpu.memory_space<vmem>> -> memref<1x1x128xi32, #tpu.memory_space<vmem>>
      %dma_wait3A_658 = tpu.memref_squeeze %dma_wait3A_657 : memref<1x1x128xi32, #tpu.memory_space<vmem>> -> memref<128xi32, #tpu.memory_space<vmem>>
      %dma_wait3A_659 = arith.constant 0 : i32
      %dma_wait3A_660 = arith.constant 0 : i32
      %dma_wait3A_661 = tpu.memref_slice %arg10[%dma_wait3A_659, %dma_wait3A_660] : memref<10112x160xbf16, #tpu.memory_space<vmem_shared>> -> memref<10112x160xbf16, #tpu.memory_space<vmem_shared>>
      tpu.wait_indirect_dma semaphore(%run_scoped3A_649 : memref<!tpu.dma_semaphore, #tpu.memory_space<semaphore_mem>>) src(%arg8 : memref<128x160xbf16, #tpu.memory_space<vmem>>) dst(%dma_wait3A_661 : memref<10112x160xbf16, #tpu.memory_space<vmem_shared>>)
      tpu.yield
    }) : () -> ()
    %dma_wait3A_74 = arith.constant 0 : i32
    %dma_wait3A_75 = arith.constant 3 : i32
    %dma_wait3A_76 = arith.constant 0 : i32
    %dma_wait3A_77 = tpu.memref_slice %arg6[%dma_wait3A_74, %dma_wait3A_75, %dma_wait3A_76] : memref<2x8x128xi32, #tpu.memory_space<vmem>> -> memref<1x1x128xi32, #tpu.memory_space<vmem>>
    %dma_wait3A_78 = tpu.memref_squeeze %dma_wait3A_77 : memref<1x1x128xi32, #tpu.memory_space<vmem>> -> memref<128xi32, #tpu.memory_space<vmem>>
    %dma_wait3A_79 = arith.constant 0 : i32
    %dma_wait3A_80 = arith.constant 0 : i32
    %dma_wait3A_81 = tpu.memref_slice %arg11[%dma_wait3A_79, %dma_wait3A_80] : memref<10112x160xbf16, #tpu.memory_space<vmem_shared>> -> memref<10112x160xbf16, #tpu.memory_space<vmem_shared>>
    tpu.wait_indirect_dma semaphore(%arg13 : memref<!tpu.dma_semaphore, #tpu.memory_space<semaphore_mem>>) src(%dma_wait3A_81 : memref<10112x160xbf16, #tpu.memory_space<vmem_shared>>) dst(%arg9 : memref<128x160xbf16, #tpu.memory_space<vmem>>)
    %dma_start3A_82 = arith.constant 0 : i32
    %dma_start3A_83 = arith.constant 4 : i32
    %dma_start3A_84 = arith.constant 0 : i32
    %dma_start3A_85 = tpu.memref_slice %arg6[%dma_start3A_82, %dma_start3A_83, %dma_start3A_84] : memref<2x8x128xi32, #tpu.memory_space<vmem>> -> memref<1x1x128xi32, #tpu.memory_space<vmem>>
    %dma_start3A_86 = tpu.memref_squeeze %dma_start3A_85 : memref<1x1x128xi32, #tpu.memory_space<vmem>> -> memref<128xi32, #tpu.memory_space<vmem>>
    %dma_start3A_87 = arith.constant 0 : i32
    %dma_start3A_88 = arith.constant 0 : i32
    %dma_start3A_89 = tpu.memref_slice %arg11[%dma_start3A_87, %dma_start3A_88] : memref<10112x160xbf16, #tpu.memory_space<vmem_shared>> -> memref<10112x160xbf16, #tpu.memory_space<vmem_shared>>
    tpu.enqueue_indirect_dma source(%dma_start3A_89 : memref<10112x160xbf16, #tpu.memory_space<vmem_shared>>) target(%arg8 : memref<128x160xbf16, #tpu.memory_space<vmem>>) offsets(%dma_start3A_86 : memref<128xi32, #tpu.memory_space<vmem>>) semaphore(%arg12 : memref<!tpu.dma_semaphore, #tpu.memory_space<semaphore_mem>>)
    %run_scoped3A_90 = arith.constant 1 : i32
    %run_scoped3A_91 = arith.constant 3 : i32
    "tpu.region"() ({
      %run_scoped3A_649 = tpu.sem_alloc : memref<!tpu.dma_semaphore, #tpu.memory_space<semaphore_mem>>
      %dma_start3A_650 = arith.constant 0 : i32
      %dma_start3A_651 = tpu.memref_slice %arg6[%run_scoped3A_90, %run_scoped3A_91, %dma_start3A_650] : memref<2x8x128xi32, #tpu.memory_space<vmem>> -> memref<1x1x128xi32, #tpu.memory_space<vmem>>
      %dma_start3A_652 = tpu.memref_squeeze %dma_start3A_651 : memref<1x1x128xi32, #tpu.memory_space<vmem>> -> memref<128xi32, #tpu.memory_space<vmem>>
      %dma_start3A_653 = arith.constant 0 : i32
      %dma_start3A_654 = arith.constant 0 : i32
      %dma_start3A_655 = tpu.memref_slice %arg10[%dma_start3A_653, %dma_start3A_654] : memref<10112x160xbf16, #tpu.memory_space<vmem_shared>> -> memref<10112x160xbf16, #tpu.memory_space<vmem_shared>>
      tpu.enqueue_indirect_dma source(%arg9 : memref<128x160xbf16, #tpu.memory_space<vmem>>) target(%dma_start3A_655 : memref<10112x160xbf16, #tpu.memory_space<vmem_shared>>) offsets(%dma_start3A_652 : memref<128xi32, #tpu.memory_space<vmem>>) semaphore(%run_scoped3A_649 : memref<!tpu.dma_semaphore, #tpu.memory_space<semaphore_mem>>) {add = true}
      %dma_wait3A_656 = arith.constant 0 : i32
      %dma_wait3A_657 = tpu.memref_slice %arg6[%run_scoped3A_90, %run_scoped3A_91, %dma_wait3A_656] : memref<2x8x128xi32, #tpu.memory_space<vmem>> -> memref<1x1x128xi32, #tpu.memory_space<vmem>>
      %dma_wait3A_658 = tpu.memref_squeeze %dma_wait3A_657 : memref<1x1x128xi32, #tpu.memory_space<vmem>> -> memref<128xi32, #tpu.memory_space<vmem>>
      %dma_wait3A_659 = arith.constant 0 : i32
      %dma_wait3A_660 = arith.constant 0 : i32
      %dma_wait3A_661 = tpu.memref_slice %arg10[%dma_wait3A_659, %dma_wait3A_660] : memref<10112x160xbf16, #tpu.memory_space<vmem_shared>> -> memref<10112x160xbf16, #tpu.memory_space<vmem_shared>>
      tpu.wait_indirect_dma semaphore(%run_scoped3A_649 : memref<!tpu.dma_semaphore, #tpu.memory_space<semaphore_mem>>) src(%arg9 : memref<128x160xbf16, #tpu.memory_space<vmem>>) dst(%dma_wait3A_661 : memref<10112x160xbf16, #tpu.memory_space<vmem_shared>>)
      tpu.yield
    }) : () -> ()
    %dma_wait3A_92 = arith.constant 0 : i32
    %dma_wait3A_93 = arith.constant 4 : i32
    %dma_wait3A_94 = arith.constant 0 : i32
    %dma_wait3A_95 = tpu.memref_slice %arg6[%dma_wait3A_92, %dma_wait3A_93, %dma_wait3A_94] : memref<2x8x128xi32, #tpu.memory_space<vmem>> -> memref<1x1x128xi32, #tpu.memory_space<vmem>>
    %dma_wait3A_96 = tpu.memref_squeeze %dma_wait3A_95 : memref<1x1x128xi32, #tpu.memory_space<vmem>> -> memref<128xi32, #tpu.memory_space<vmem>>
    %dma_wait3A_97 = arith.constant 0 : i32
    %dma_wait3A_98 = arith.constant 0 : i32
    %dma_wait3A_99 = tpu.memref_slice %arg11[%dma_wait3A_97, %dma_wait3A_98] : memref<10112x160xbf16, #tpu.memory_space<vmem_shared>> -> memref<10112x160xbf16, #tpu.memory_space<vmem_shared>>
    tpu.wait_indirect_dma semaphore(%arg12 : memref<!tpu.dma_semaphore, #tpu.memory_space<semaphore_mem>>) src(%dma_wait3A_99 : memref<10112x160xbf16, #tpu.memory_space<vmem_shared>>) dst(%arg8 : memref<128x160xbf16, #tpu.memory_space<vmem>>)
    %dma_start3A_100 = arith.constant 0 : i32
    %dma_start3A_101 = arith.constant 5 : i32
    %dma_start3A_102 = arith.constant 0 : i32
    %dma_start3A_103 = tpu.memref_slice %arg6[%dma_start3A_100, %dma_start3A_101, %dma_start3A_102] : memref<2x8x128xi32, #tpu.memory_space<vmem>> -> memref<1x1x128xi32, #tpu.memory_space<vmem>>
    %dma_start3A_104 = tpu.memref_squeeze %dma_start3A_103 : memref<1x1x128xi32, #tpu.memory_space<vmem>> -> memref<128xi32, #tpu.memory_space<vmem>>
    %dma_start3A_105 = arith.constant 0 : i32
    %dma_start3A_106 = arith.constant 0 : i32
    %dma_start3A_107 = tpu.memref_slice %arg11[%dma_start3A_105, %dma_start3A_106] : memref<10112x160xbf16, #tpu.memory_space<vmem_shared>> -> memref<10112x160xbf16, #tpu.memory_space<vmem_shared>>
    tpu.enqueue_indirect_dma source(%dma_start3A_107 : memref<10112x160xbf16, #tpu.memory_space<vmem_shared>>) target(%arg9 : memref<128x160xbf16, #tpu.memory_space<vmem>>) offsets(%dma_start3A_104 : memref<128xi32, #tpu.memory_space<vmem>>) semaphore(%arg13 : memref<!tpu.dma_semaphore, #tpu.memory_space<semaphore_mem>>)
    %run_scoped3A_108 = arith.constant 1 : i32
    %run_scoped3A_109 = arith.constant 4 : i32
    "tpu.region"() ({
      %run_scoped3A_649 = tpu.sem_alloc : memref<!tpu.dma_semaphore, #tpu.memory_space<semaphore_mem>>
      %dma_start3A_650 = arith.constant 0 : i32
      %dma_start3A_651 = tpu.memref_slice %arg6[%run_scoped3A_108, %run_scoped3A_109, %dma_start3A_650] : memref<2x8x128xi32, #tpu.memory_space<vmem>> -> memref<1x1x128xi32, #tpu.memory_space<vmem>>
      %dma_start3A_652 = tpu.memref_squeeze %dma_start3A_651 : memref<1x1x128xi32, #tpu.memory_space<vmem>> -> memref<128xi32, #tpu.memory_space<vmem>>
      %dma_start3A_653 = arith.constant 0 : i32
      %dma_start3A_654 = arith.constant 0 : i32
      %dma_start3A_655 = tpu.memref_slice %arg10[%dma_start3A_653, %dma_start3A_654] : memref<10112x160xbf16, #tpu.memory_space<vmem_shared>> -> memref<10112x160xbf16, #tpu.memory_space<vmem_shared>>
      tpu.enqueue_indirect_dma source(%arg8 : memref<128x160xbf16, #tpu.memory_space<vmem>>) target(%dma_start3A_655 : memref<10112x160xbf16, #tpu.memory_space<vmem_shared>>) offsets(%dma_start3A_652 : memref<128xi32, #tpu.memory_space<vmem>>) semaphore(%run_scoped3A_649 : memref<!tpu.dma_semaphore, #tpu.memory_space<semaphore_mem>>) {add = true}
      %dma_wait3A_656 = arith.constant 0 : i32
      %dma_wait3A_657 = tpu.memref_slice %arg6[%run_scoped3A_108, %run_scoped3A_109, %dma_wait3A_656] : memref<2x8x128xi32, #tpu.memory_space<vmem>> -> memref<1x1x128xi32, #tpu.memory_space<vmem>>
      %dma_wait3A_658 = tpu.memref_squeeze %dma_wait3A_657 : memref<1x1x128xi32, #tpu.memory_space<vmem>> -> memref<128xi32, #tpu.memory_space<vmem>>
      %dma_wait3A_659 = arith.constant 0 : i32
      %dma_wait3A_660 = arith.constant 0 : i32
      %dma_wait3A_661 = tpu.memref_slice %arg10[%dma_wait3A_659, %dma_wait3A_660] : memref<10112x160xbf16, #tpu.memory_space<vmem_shared>> -> memref<10112x160xbf16, #tpu.memory_space<vmem_shared>>
      tpu.wait_indirect_dma semaphore(%run_scoped3A_649 : memref<!tpu.dma_semaphore, #tpu.memory_space<semaphore_mem>>) src(%arg8 : memref<128x160xbf16, #tpu.memory_space<vmem>>) dst(%dma_wait3A_661 : memref<10112x160xbf16, #tpu.memory_space<vmem_shared>>)
      tpu.yield
    }) : () -> ()
    %dma_wait3A_110 = arith.constant 0 : i32
    %dma_wait3A_111 = arith.constant 5 : i32
    %dma_wait3A_112 = arith.constant 0 : i32
    %dma_wait3A_113 = tpu.memref_slice %arg6[%dma_wait3A_110, %dma_wait3A_111, %dma_wait3A_112] : memref<2x8x128xi32, #tpu.memory_space<vmem>> -> memref<1x1x128xi32, #tpu.memory_space<vmem>>
    %dma_wait3A_114 = tpu.memref_squeeze %dma_wait3A_113 : memref<1x1x128xi32, #tpu.memory_space<vmem>> -> memref<128xi32, #tpu.memory_space<vmem>>
    %dma_wait3A_115 = arith.constant 0 : i32
    %dma_wait3A_116 = arith.constant 0 : i32
    %dma_wait3A_117 = tpu.memref_slice %arg11[%dma_wait3A_115, %dma_wait3A_116] : memref<10112x160xbf16, #tpu.memory_space<vmem_shared>> -> memref<10112x160xbf16, #tpu.memory_space<vmem_shared>>
    tpu.wait_indirect_dma semaphore(%arg13 : memref<!tpu.dma_semaphore, #tpu.memory_space<semaphore_mem>>) src(%dma_wait3A_117 : memref<10112x160xbf16, #tpu.memory_space<vmem_shared>>) dst(%arg9 : memref<128x160xbf16, #tpu.memory_space<vmem>>)
    %dma_start3A_118 = arith.constant 0 : i32
    %dma_start3A_119 = arith.constant 6 : i32
    %dma_start3A_120 = arith.constant 0 : i32
    %dma_start3A_121 = tpu.memref_slice %arg6[%dma_start3A_118, %dma_start3A_119, %dma_start3A_120] : memref<2x8x128xi32, #tpu.memory_space<vmem>> -> memref<1x1x128xi32, #tpu.memory_space<vmem>>
    %dma_start3A_122 = tpu.memref_squeeze %dma_start3A_121 : memref<1x1x128xi32, #tpu.memory_space<vmem>> -> memref<128xi32, #tpu.memory_space<vmem>>
    %dma_start3A_123 = arith.constant 0 : i32
    %dma_start3A_124 = arith.constant 0 : i32
    %dma_start3A_125 = tpu.memref_slice %arg11[%dma_start3A_123, %dma_start3A_124] : memref<10112x160xbf16, #tpu.memory_space<vmem_shared>> -> memref<10112x160xbf16, #tpu.memory_space<vmem_shared>>
    tpu.enqueue_indirect_dma source(%dma_start3A_125 : memref<10112x160xbf16, #tpu.memory_space<vmem_shared>>) target(%arg8 : memref<128x160xbf16, #tpu.memory_space<vmem>>) offsets(%dma_start3A_122 : memref<128xi32, #tpu.memory_space<vmem>>) semaphore(%arg12 : memref<!tpu.dma_semaphore, #tpu.memory_space<semaphore_mem>>)
    %run_scoped3A_126 = arith.constant 1 : i32
    %run_scoped3A_127 = arith.constant 5 : i32
    "tpu.region"() ({
      %run_scoped3A_649 = tpu.sem_alloc : memref<!tpu.dma_semaphore, #tpu.memory_space<semaphore_mem>>
      %dma_start3A_650 = arith.constant 0 : i32
      %dma_start3A_651 = tpu.memref_slice %arg6[%run_scoped3A_126, %run_scoped3A_127, %dma_start3A_650] : memref<2x8x128xi32, #tpu.memory_space<vmem>> -> memref<1x1x128xi32, #tpu.memory_space<vmem>>
      %dma_start3A_652 = tpu.memref_squeeze %dma_start3A_651 : memref<1x1x128xi32, #tpu.memory_space<vmem>> -> memref<128xi32, #tpu.memory_space<vmem>>
      %dma_start3A_653 = arith.constant 0 : i32
      %dma_start3A_654 = arith.constant 0 : i32
      %dma_start3A_655 = tpu.memref_slice %arg10[%dma_start3A_653, %dma_start3A_654] : memref<10112x160xbf16, #tpu.memory_space<vmem_shared>> -> memref<10112x160xbf16, #tpu.memory_space<vmem_shared>>
      tpu.enqueue_indirect_dma source(%arg9 : memref<128x160xbf16, #tpu.memory_space<vmem>>) target(%dma_start3A_655 : memref<10112x160xbf16, #tpu.memory_space<vmem_shared>>) offsets(%dma_start3A_652 : memref<128xi32, #tpu.memory_space<vmem>>) semaphore(%run_scoped3A_649 : memref<!tpu.dma_semaphore, #tpu.memory_space<semaphore_mem>>) {add = true}
      %dma_wait3A_656 = arith.constant 0 : i32
      %dma_wait3A_657 = tpu.memref_slice %arg6[%run_scoped3A_126, %run_scoped3A_127, %dma_wait3A_656] : memref<2x8x128xi32, #tpu.memory_space<vmem>> -> memref<1x1x128xi32, #tpu.memory_space<vmem>>
      %dma_wait3A_658 = tpu.memref_squeeze %dma_wait3A_657 : memref<1x1x128xi32, #tpu.memory_space<vmem>> -> memref<128xi32, #tpu.memory_space<vmem>>
      %dma_wait3A_659 = arith.constant 0 : i32
      %dma_wait3A_660 = arith.constant 0 : i32
      %dma_wait3A_661 = tpu.memref_slice %arg10[%dma_wait3A_659, %dma_wait3A_660] : memref<10112x160xbf16, #tpu.memory_space<vmem_shared>> -> memref<10112x160xbf16, #tpu.memory_space<vmem_shared>>
      tpu.wait_indirect_dma semaphore(%run_scoped3A_649 : memref<!tpu.dma_semaphore, #tpu.memory_space<semaphore_mem>>) src(%arg9 : memref<128x160xbf16, #tpu.memory_space<vmem>>) dst(%dma_wait3A_661 : memref<10112x160xbf16, #tpu.memory_space<vmem_shared>>)
      tpu.yield
    }) : () -> ()
    %dma_wait3A_128 = arith.constant 0 : i32
    %dma_wait3A_129 = arith.constant 6 : i32
    %dma_wait3A_130 = arith.constant 0 : i32
    %dma_wait3A_131 = tpu.memref_slice %arg6[%dma_wait3A_128, %dma_wait3A_129, %dma_wait3A_130] : memref<2x8x128xi32, #tpu.memory_space<vmem>> -> memref<1x1x128xi32, #tpu.memory_space<vmem>>
    %dma_wait3A_132 = tpu.memref_squeeze %dma_wait3A_131 : memref<1x1x128xi32, #tpu.memory_space<vmem>> -> memref<128xi32, #tpu.memory_space<vmem>>
    %dma_wait3A_133 = arith.constant 0 : i32
    %dma_wait3A_134 = arith.constant 0 : i32
    %dma_wait3A_135 = tpu.memref_slice %arg11[%dma_wait3A_133, %dma_wait3A_134] : memref<10112x160xbf16, #tpu.memory_space<vmem_shared>> -> memref<10112x160xbf16, #tpu.memory_space<vmem_shared>>
    tpu.wait_indirect_dma semaphore(%arg12 : memref<!tpu.dma_semaphore, #tpu.memory_space<semaphore_mem>>) src(%dma_wait3A_135 : memref<10112x160xbf16, #tpu.memory_space<vmem_shared>>) dst(%arg8 : memref<128x160xbf16, #tpu.memory_space<vmem>>)
    %dma_start3A_136 = arith.constant 0 : i32
    %dma_start3A_137 = arith.constant 7 : i32
    %dma_start3A_138 = arith.constant 0 : i32
    %dma_start3A_139 = tpu.memref_slice %arg6[%dma_start3A_136, %dma_start3A_137, %dma_start3A_138] : memref<2x8x128xi32, #tpu.memory_space<vmem>> -> memref<1x1x128xi32, #tpu.memory_space<vmem>>
    %dma_start3A_140 = tpu.memref_squeeze %dma_start3A_139 : memref<1x1x128xi32, #tpu.memory_space<vmem>> -> memref<128xi32, #tpu.memory_space<vmem>>
    %dma_start3A_141 = arith.constant 0 : i32
    %dma_start3A_142 = arith.constant 0 : i32
    %dma_start3A_143 = tpu.memref_slice %arg11[%dma_start3A_141, %dma_start3A_142] : memref<10112x160xbf16, #tpu.memory_space<vmem_shared>> -> memref<10112x160xbf16, #tpu.memory_space<vmem_shared>>
    tpu.enqueue_indirect_dma source(%dma_start3A_143 : memref<10112x160xbf16, #tpu.memory_space<vmem_shared>>) target(%arg9 : memref<128x160xbf16, #tpu.memory_space<vmem>>) offsets(%dma_start3A_140 : memref<128xi32, #tpu.memory_space<vmem>>) semaphore(%arg13 : memref<!tpu.dma_semaphore, #tpu.memory_space<semaphore_mem>>)
    %run_scoped3A_144 = arith.constant 1 : i32
    %run_scoped3A_145 = arith.constant 6 : i32
    "tpu.region"() ({
      %run_scoped3A_649 = tpu.sem_alloc : memref<!tpu.dma_semaphore, #tpu.memory_space<semaphore_mem>>
      %dma_start3A_650 = arith.constant 0 : i32
      %dma_start3A_651 = tpu.memref_slice %arg6[%run_scoped3A_144, %run_scoped3A_145, %dma_start3A_650] : memref<2x8x128xi32, #tpu.memory_space<vmem>> -> memref<1x1x128xi32, #tpu.memory_space<vmem>>
      %dma_start3A_652 = tpu.memref_squeeze %dma_start3A_651 : memref<1x1x128xi32, #tpu.memory_space<vmem>> -> memref<128xi32, #tpu.memory_space<vmem>>
      %dma_start3A_653 = arith.constant 0 : i32
      %dma_start3A_654 = arith.constant 0 : i32
      %dma_start3A_655 = tpu.memref_slice %arg10[%dma_start3A_653, %dma_start3A_654] : memref<10112x160xbf16, #tpu.memory_space<vmem_shared>> -> memref<10112x160xbf16, #tpu.memory_space<vmem_shared>>
      tpu.enqueue_indirect_dma source(%arg8 : memref<128x160xbf16, #tpu.memory_space<vmem>>) target(%dma_start3A_655 : memref<10112x160xbf16, #tpu.memory_space<vmem_shared>>) offsets(%dma_start3A_652 : memref<128xi32, #tpu.memory_space<vmem>>) semaphore(%run_scoped3A_649 : memref<!tpu.dma_semaphore, #tpu.memory_space<semaphore_mem>>) {add = true}
      %dma_wait3A_656 = arith.constant 0 : i32
      %dma_wait3A_657 = tpu.memref_slice %arg6[%run_scoped3A_144, %run_scoped3A_145, %dma_wait3A_656] : memref<2x8x128xi32, #tpu.memory_space<vmem>> -> memref<1x1x128xi32, #tpu.memory_space<vmem>>
      %dma_wait3A_658 = tpu.memref_squeeze %dma_wait3A_657 : memref<1x1x128xi32, #tpu.memory_space<vmem>> -> memref<128xi32, #tpu.memory_space<vmem>>
      %dma_wait3A_659 = arith.constant 0 : i32
      %dma_wait3A_660 = arith.constant 0 : i32
      %dma_wait3A_661 = tpu.memref_slice %arg10[%dma_wait3A_659, %dma_wait3A_660] : memref<10112x160xbf16, #tpu.memory_space<vmem_shared>> -> memref<10112x160xbf16, #tpu.memory_space<vmem_shared>>
      tpu.wait_indirect_dma semaphore(%run_scoped3A_649 : memref<!tpu.dma_semaphore, #tpu.memory_space<semaphore_mem>>) src(%arg8 : memref<128x160xbf16, #tpu.memory_space<vmem>>) dst(%dma_wait3A_661 : memref<10112x160xbf16, #tpu.memory_space<vmem_shared>>)
      tpu.yield
    }) : () -> ()
    %dma_wait3A_146 = arith.constant 0 : i32
    %dma_wait3A_147 = arith.constant 7 : i32
    %dma_wait3A_148 = arith.constant 0 : i32
    %dma_wait3A_149 = tpu.memref_slice %arg6[%dma_wait3A_146, %dma_wait3A_147, %dma_wait3A_148] : memref<2x8x128xi32, #tpu.memory_space<vmem>> -> memref<1x1x128xi32, #tpu.memory_space<vmem>>
    %dma_wait3A_150 = tpu.memref_squeeze %dma_wait3A_149 : memref<1x1x128xi32, #tpu.memory_space<vmem>> -> memref<128xi32, #tpu.memory_space<vmem>>
    %dma_wait3A_151 = arith.constant 0 : i32
    %dma_wait3A_152 = arith.constant 0 : i32
    %dma_wait3A_153 = tpu.memref_slice %arg11[%dma_wait3A_151, %dma_wait3A_152] : memref<10112x160xbf16, #tpu.memory_space<vmem_shared>> -> memref<10112x160xbf16, #tpu.memory_space<vmem_shared>>
    tpu.wait_indirect_dma semaphore(%arg13 : memref<!tpu.dma_semaphore, #tpu.memory_space<semaphore_mem>>) src(%dma_wait3A_153 : memref<10112x160xbf16, #tpu.memory_space<vmem_shared>>) dst(%arg9 : memref<128x160xbf16, #tpu.memory_space<vmem>>)
    %dma_wait3A_154 = arith.constant 1 : i32
    %dma_wait3A_155 = arith.constant 0 : i32
    %dma_wait3A_156 = arith.constant 0 : i32
    %dma_wait3A_157 = arith.constant 0 : i32
    %dma_wait3A_158 = tpu.memref_slice %arg3[%add3A, %dma_wait3A_154, %dma_wait3A_155, %dma_wait3A_156, %dma_wait3A_157] : memref<32x10x2x8x128xi32, #tpu.memory_space<hbm>> -> memref<1x1x2x8x128xi32, #tpu.memory_space<hbm>>
    %dma_wait3A_159 = tpu.memref_squeeze %dma_wait3A_158 : memref<1x1x2x8x128xi32, #tpu.memory_space<hbm>> -> memref<2x8x128xi32, #tpu.memory_space<hbm>>
    %dma_wait3A_160 = arith.constant 0 : i32
    %dma_wait3A_161 = arith.constant 0 : i32
    %dma_wait3A_162 = arith.constant 0 : i32
    %dma_wait3A_163 = tpu.memref_slice %arg3[%add3A, %dma_wait3A_154, %dma_wait3A_160, %dma_wait3A_161, %dma_wait3A_162] : memref<32x10x2x8x128xi32, #tpu.memory_space<hbm>> -> memref<1x1x2x8x128xi32, #tpu.memory_space<hbm>>
    %dma_wait3A_164 = tpu.memref_squeeze %dma_wait3A_163 : memref<1x1x2x8x128xi32, #tpu.memory_space<hbm>> -> memref<2x8x128xi32, #tpu.memory_space<hbm>>
    tpu.wait_dma2 semaphore(%arg14 : memref<!tpu.dma_semaphore, #tpu.memory_space<semaphore_mem>>) src(%dma_wait3A_164 : memref<2x8x128xi32, #tpu.memory_space<hbm>>) dst(%arg7 : memref<2x8x128xi32, #tpu.memory_space<vmem>>)
    %dma_start3A_165 = arith.constant 0 : i32
    %dma_start3A_166 = arith.constant 0 : i32
    %dma_start3A_167 = arith.constant 0 : i32
    %dma_start3A_168 = tpu.memref_slice %arg7[%dma_start3A_165, %dma_start3A_166, %dma_start3A_167] : memref<2x8x128xi32, #tpu.memory_space<vmem>> -> memref<1x1x128xi32, #tpu.memory_space<vmem>>
    %dma_start3A_169 = tpu.memref_squeeze %dma_start3A_168 : memref<1x1x128xi32, #tpu.memory_space<vmem>> -> memref<128xi32, #tpu.memory_space<vmem>>
    %dma_start3A_170 = arith.constant 0 : i32
    %dma_start3A_171 = arith.constant 0 : i32
    %dma_start3A_172 = tpu.memref_slice %arg11[%dma_start3A_170, %dma_start3A_171] : memref<10112x160xbf16, #tpu.memory_space<vmem_shared>> -> memref<10112x160xbf16, #tpu.memory_space<vmem_shared>>
    tpu.enqueue_indirect_dma source(%dma_start3A_172 : memref<10112x160xbf16, #tpu.memory_space<vmem_shared>>) target(%arg8 : memref<128x160xbf16, #tpu.memory_space<vmem>>) offsets(%dma_start3A_169 : memref<128xi32, #tpu.memory_space<vmem>>) semaphore(%arg12 : memref<!tpu.dma_semaphore, #tpu.memory_space<semaphore_mem>>)
    %run_scoped3A_173 = arith.constant 1 : i32
    %run_scoped3A_174 = arith.constant 7 : i32
    "tpu.region"() ({
      %run_scoped3A_649 = tpu.sem_alloc : memref<!tpu.dma_semaphore, #tpu.memory_space<semaphore_mem>>
      %dma_start3A_650 = arith.constant 0 : i32
      %dma_start3A_651 = tpu.memref_slice %arg6[%run_scoped3A_173, %run_scoped3A_174, %dma_start3A_650] : memref<2x8x128xi32, #tpu.memory_space<vmem>> -> memref<1x1x128xi32, #tpu.memory_space<vmem>>
      %dma_start3A_652 = tpu.memref_squeeze %dma_start3A_651 : memref<1x1x128xi32, #tpu.memory_space<vmem>> -> memref<128xi32, #tpu.memory_space<vmem>>
      %dma_start3A_653 = arith.constant 0 : i32
      %dma_start3A_654 = arith.constant 0 : i32
      %dma_start3A_655 = tpu.memref_slice %arg10[%dma_start3A_653, %dma_start3A_654] : memref<10112x160xbf16, #tpu.memory_space<vmem_shared>> -> memref<10112x160xbf16, #tpu.memory_space<vmem_shared>>
      tpu.enqueue_indirect_dma source(%arg9 : memref<128x160xbf16, #tpu.memory_space<vmem>>) target(%dma_start3A_655 : memref<10112x160xbf16, #tpu.memory_space<vmem_shared>>) offsets(%dma_start3A_652 : memref<128xi32, #tpu.memory_space<vmem>>) semaphore(%run_scoped3A_649 : memref<!tpu.dma_semaphore, #tpu.memory_space<semaphore_mem>>) {add = true}
      %dma_wait3A_656 = arith.constant 0 : i32
      %dma_wait3A_657 = tpu.memref_slice %arg6[%run_scoped3A_173, %run_scoped3A_174, %dma_wait3A_656] : memref<2x8x128xi32, #tpu.memory_space<vmem>> -> memref<1x1x128xi32, #tpu.memory_space<vmem>>
      %dma_wait3A_658 = tpu.memref_squeeze %dma_wait3A_657 : memref<1x1x128xi32, #tpu.memory_space<vmem>> -> memref<128xi32, #tpu.memory_space<vmem>>
      %dma_wait3A_659 = arith.constant 0 : i32
      %dma_wait3A_660 = arith.constant 0 : i32
      %dma_wait3A_661 = tpu.memref_slice %arg10[%dma_wait3A_659, %dma_wait3A_660] : memref<10112x160xbf16, #tpu.memory_space<vmem_shared>> -> memref<10112x160xbf16, #tpu.memory_space<vmem_shared>>
      tpu.wait_indirect_dma semaphore(%run_scoped3A_649 : memref<!tpu.dma_semaphore, #tpu.memory_space<semaphore_mem>>) src(%arg9 : memref<128x160xbf16, #tpu.memory_space<vmem>>) dst(%dma_wait3A_661 : memref<10112x160xbf16, #tpu.memory_space<vmem_shared>>)
      tpu.yield
    }) : () -> ()
    %dma_wait3A_175 = arith.constant 0 : i32
    %dma_wait3A_176 = arith.constant 0 : i32
    %dma_wait3A_177 = arith.constant 0 : i32
    %dma_wait3A_178 = tpu.memref_slice %arg7[%dma_wait3A_175, %dma_wait3A_176, %dma_wait3A_177] : memref<2x8x128xi32, #tpu.memory_space<vmem>> -> memref<1x1x128xi32, #tpu.memory_space<vmem>>
    %dma_wait3A_179 = tpu.memref_squeeze %dma_wait3A_178 : memref<1x1x128xi32, #tpu.memory_space<vmem>> -> memref<128xi32, #tpu.memory_space<vmem>>
    %dma_wait3A_180 = arith.constant 0 : i32
    %dma_wait3A_181 = arith.constant 0 : i32
    %dma_wait3A_182 = tpu.memref_slice %arg11[%dma_wait3A_180, %dma_wait3A_181] : memref<10112x160xbf16, #tpu.memory_space<vmem_shared>> -> memref<10112x160xbf16, #tpu.memory_space<vmem_shared>>
    tpu.wait_indirect_dma semaphore(%arg12 : memref<!tpu.dma_semaphore, #tpu.memory_space<semaphore_mem>>) src(%dma_wait3A_182 : memref<10112x160xbf16, #tpu.memory_space<vmem_shared>>) dst(%arg8 : memref<128x160xbf16, #tpu.memory_space<vmem>>)
    %dma_start3A_183 = arith.constant 0 : i32
    %dma_start3A_184 = arith.constant 1 : i32
    %dma_start3A_185 = arith.constant 0 : i32
    %dma_start3A_186 = tpu.memref_slice %arg7[%dma_start3A_183, %dma_start3A_184, %dma_start3A_185] : memref<2x8x128xi32, #tpu.memory_space<vmem>> -> memref<1x1x128xi32, #tpu.memory_space<vmem>>
    %dma_start3A_187 = tpu.memref_squeeze %dma_start3A_186 : memref<1x1x128xi32, #tpu.memory_space<vmem>> -> memref<128xi32, #tpu.memory_space<vmem>>
    %dma_start3A_188 = arith.constant 0 : i32
    %dma_start3A_189 = arith.constant 0 : i32
    %dma_start3A_190 = tpu.memref_slice %arg11[%dma_start3A_188, %dma_start3A_189] : memref<10112x160xbf16, #tpu.memory_space<vmem_shared>> -> memref<10112x160xbf16, #tpu.memory_space<vmem_shared>>
    tpu.enqueue_indirect_dma source(%dma_start3A_190 : memref<10112x160xbf16, #tpu.memory_space<vmem_shared>>) target(%arg9 : memref<128x160xbf16, #tpu.memory_space<vmem>>) offsets(%dma_start3A_187 : memref<128xi32, #tpu.memory_space<vmem>>) semaphore(%arg13 : memref<!tpu.dma_semaphore, #tpu.memory_space<semaphore_mem>>)
    %run_scoped3A_191 = arith.constant 1 : i32
    %run_scoped3A_192 = arith.constant 0 : i32
    "tpu.region"() ({
      %run_scoped3A_649 = tpu.sem_alloc : memref<!tpu.dma_semaphore, #tpu.memory_space<semaphore_mem>>
      %dma_start3A_650 = arith.constant 0 : i32
      %dma_start3A_651 = tpu.memref_slice %arg7[%run_scoped3A_191, %run_scoped3A_192, %dma_start3A_650] : memref<2x8x128xi32, #tpu.memory_space<vmem>> -> memref<1x1x128xi32, #tpu.memory_space<vmem>>
      %dma_start3A_652 = tpu.memref_squeeze %dma_start3A_651 : memref<1x1x128xi32, #tpu.memory_space<vmem>> -> memref<128xi32, #tpu.memory_space<vmem>>
      %dma_start3A_653 = arith.constant 0 : i32
      %dma_start3A_654 = arith.constant 0 : i32
      %dma_start3A_655 = tpu.memref_slice %arg10[%dma_start3A_653, %dma_start3A_654] : memref<10112x160xbf16, #tpu.memory_space<vmem_shared>> -> memref<10112x160xbf16, #tpu.memory_space<vmem_shared>>
      tpu.enqueue_indirect_dma source(%arg8 : memref<128x160xbf16, #tpu.memory_space<vmem>>) target(%dma_start3A_655 : memref<10112x160xbf16, #tpu.memory_space<vmem_shared>>) offsets(%dma_start3A_652 : memref<128xi32, #tpu.memory_space<vmem>>) semaphore(%run_scoped3A_649 : memref<!tpu.dma_semaphore, #tpu.memory_space<semaphore_mem>>) {add = true}
      %dma_wait3A_656 = arith.constant 0 : i32
      %dma_wait3A_657 = tpu.memref_slice %arg7[%run_scoped3A_191, %run_scoped3A_192, %dma_wait3A_656] : memref<2x8x128xi32, #tpu.memory_space<vmem>> -> memref<1x1x128xi32, #tpu.memory_space<vmem>>
      %dma_wait3A_658 = tpu.memref_squeeze %dma_wait3A_657 : memref<1x1x128xi32, #tpu.memory_space<vmem>> -> memref<128xi32, #tpu.memory_space<vmem>>
      %dma_wait3A_659 = arith.constant 0 : i32
      %dma_wait3A_660 = arith.constant 0 : i32
      %dma_wait3A_661 = tpu.memref_slice %arg10[%dma_wait3A_659, %dma_wait3A_660] : memref<10112x160xbf16, #tpu.memory_space<vmem_shared>> -> memref<10112x160xbf16, #tpu.memory_space<vmem_shared>>
      tpu.wait_indirect_dma semaphore(%run_scoped3A_649 : memref<!tpu.dma_semaphore, #tpu.memory_space<semaphore_mem>>) src(%arg8 : memref<128x160xbf16, #tpu.memory_space<vmem>>) dst(%dma_wait3A_661 : memref<10112x160xbf16, #tpu.memory_space<vmem_shared>>)
      tpu.yield
    }) : () -> ()
    %dma_start3A_193 = arith.constant 2 : i32
    %dma_start3A_194 = arith.constant 0 : i32
    %dma_start3A_195 = arith.constant 0 : i32
    %dma_start3A_196 = arith.constant 0 : i32
    %dma_start3A_197 = tpu.memref_slice %arg3[%add3A, %dma_start3A_193, %dma_start3A_194, %dma_start3A_195, %dma_start3A_196] : memref<32x10x2x8x128xi32, #tpu.memory_space<hbm>> -> memref<1x1x2x8x128xi32, #tpu.memory_space<hbm>>
    %dma_start3A_198 = tpu.memref_squeeze %dma_start3A_197 : memref<1x1x2x8x128xi32, #tpu.memory_space<hbm>> -> memref<2x8x128xi32, #tpu.memory_space<hbm>>
    %dma_start3A_199 = arith.constant 0 : i32
    %dma_start3A_200 = arith.constant 0 : i32
    %dma_start3A_201 = arith.constant 0 : i32
    %dma_start3A_202 = tpu.memref_slice %arg3[%add3A, %dma_start3A_193, %dma_start3A_199, %dma_start3A_200, %dma_start3A_201] : memref<32x10x2x8x128xi32, #tpu.memory_space<hbm>> -> memref<1x1x2x8x128xi32, #tpu.memory_space<hbm>>
    %dma_start3A_203 = tpu.memref_squeeze %dma_start3A_202 : memref<1x1x2x8x128xi32, #tpu.memory_space<hbm>> -> memref<2x8x128xi32, #tpu.memory_space<hbm>>
    tpu.enqueue_dma source(%dma_start3A_203 : memref<2x8x128xi32, #tpu.memory_space<hbm>>) target(%arg6 : memref<2x8x128xi32, #tpu.memory_space<vmem>>) target_semaphore(%arg14 : memref<!tpu.dma_semaphore, #tpu.memory_space<semaphore_mem>>)
    %dma_wait3A_204 = arith.constant 0 : i32
    %dma_wait3A_205 = arith.constant 1 : i32
    %dma_wait3A_206 = arith.constant 0 : i32
    %dma_wait3A_207 = tpu.memref_slice %arg7[%dma_wait3A_204, %dma_wait3A_205, %dma_wait3A_206] : memref<2x8x128xi32, #tpu.memory_space<vmem>> -> memref<1x1x128xi32, #tpu.memory_space<vmem>>
    %dma_wait3A_208 = tpu.memref_squeeze %dma_wait3A_207 : memref<1x1x128xi32, #tpu.memory_space<vmem>> -> memref<128xi32, #tpu.memory_space<vmem>>
    %dma_wait3A_209 = arith.constant 0 : i32
    %dma_wait3A_210 = arith.constant 0 : i32
    %dma_wait3A_211 = tpu.memref_slice %arg11[%dma_wait3A_209, %dma_wait3A_210] : memref<10112x160xbf16, #tpu.memory_space<vmem_shared>> -> memref<10112x160xbf16, #tpu.memory_space<vmem_shared>>
    tpu.wait_indirect_dma semaphore(%arg13 : memref<!tpu.dma_semaphore, #tpu.memory_space<semaphore_mem>>) src(%dma_wait3A_211 : memref<10112x160xbf16, #tpu.memory_space<vmem_shared>>) dst(%arg9 : memref<128x160xbf16, #tpu.memory_space<vmem>>)
    %dma_start3A_212 = arith.constant 0 : i32
    %dma_start3A_213 = arith.constant 2 : i32
    %dma_start3A_214 = arith.constant 0 : i32
    %dma_start3A_215 = tpu.memref_slice %arg7[%dma_start3A_212, %dma_start3A_213, %dma_start3A_214] : memref<2x8x128xi32, #tpu.memory_space<vmem>> -> memref<1x1x128xi32, #tpu.memory_space<vmem>>
    %dma_start3A_216 = tpu.memref_squeeze %dma_start3A_215 : memref<1x1x128xi32, #tpu.memory_space<vmem>> -> memref<128xi32, #tpu.memory_space<vmem>>
    %dma_start3A_217 = arith.constant 0 : i32
    %dma_start3A_218 = arith.constant 0 : i32
    %dma_start3A_219 = tpu.memref_slice %arg11[%dma_start3A_217, %dma_start3A_218] : memref<10112x160xbf16, #tpu.memory_space<vmem_shared>> -> memref<10112x160xbf16, #tpu.memory_space<vmem_shared>>
    tpu.enqueue_indirect_dma source(%dma_start3A_219 : memref<10112x160xbf16, #tpu.memory_space<vmem_shared>>) target(%arg8 : memref<128x160xbf16, #tpu.memory_space<vmem>>) offsets(%dma_start3A_216 : memref<128xi32, #tpu.memory_space<vmem>>) semaphore(%arg12 : memref<!tpu.dma_semaphore, #tpu.memory_space<semaphore_mem>>)
    %run_scoped3A_220 = arith.constant 1 : i32
    %run_scoped3A_221 = arith.constant 1 : i32
    "tpu.region"() ({
      %run_scoped3A_649 = tpu.sem_alloc : memref<!tpu.dma_semaphore, #tpu.memory_space<semaphore_mem>>
      %dma_start3A_650 = arith.constant 0 : i32
      %dma_start3A_651 = tpu.memref_slice %arg7[%run_scoped3A_220, %run_scoped3A_221, %dma_start3A_650] : memref<2x8x128xi32, #tpu.memory_space<vmem>> -> memref<1x1x128xi32, #tpu.memory_space<vmem>>
      %dma_start3A_652 = tpu.memref_squeeze %dma_start3A_651 : memref<1x1x128xi32, #tpu.memory_space<vmem>> -> memref<128xi32, #tpu.memory_space<vmem>>
      %dma_start3A_653 = arith.constant 0 : i32
      %dma_start3A_654 = arith.constant 0 : i32
      %dma_start3A_655 = tpu.memref_slice %arg10[%dma_start3A_653, %dma_start3A_654] : memref<10112x160xbf16, #tpu.memory_space<vmem_shared>> -> memref<10112x160xbf16, #tpu.memory_space<vmem_shared>>
      tpu.enqueue_indirect_dma source(%arg9 : memref<128x160xbf16, #tpu.memory_space<vmem>>) target(%dma_start3A_655 : memref<10112x160xbf16, #tpu.memory_space<vmem_shared>>) offsets(%dma_start3A_652 : memref<128xi32, #tpu.memory_space<vmem>>) semaphore(%run_scoped3A_649 : memref<!tpu.dma_semaphore, #tpu.memory_space<semaphore_mem>>) {add = true}
      %dma_wait3A_656 = arith.constant 0 : i32
      %dma_wait3A_657 = tpu.memref_slice %arg7[%run_scoped3A_220, %run_scoped3A_221, %dma_wait3A_656] : memref<2x8x128xi32, #tpu.memory_space<vmem>> -> memref<1x1x128xi32, #tpu.memory_space<vmem>>
      %dma_wait3A_658 = tpu.memref_squeeze %dma_wait3A_657 : memref<1x1x128xi32, #tpu.memory_space<vmem>> -> memref<128xi32, #tpu.memory_space<vmem>>
      %dma_wait3A_659 = arith.constant 0 : i32
      %dma_wait3A_660 = arith.constant 0 : i32
      %dma_wait3A_661 = tpu.memref_slice %arg10[%dma_wait3A_659, %dma_wait3A_660] : memref<10112x160xbf16, #tpu.memory_space<vmem_shared>> -> memref<10112x160xbf16, #tpu.memory_space<vmem_shared>>
      tpu.wait_indirect_dma semaphore(%run_scoped3A_649 : memref<!tpu.dma_semaphore, #tpu.memory_space<semaphore_mem>>) src(%arg9 : memref<128x160xbf16, #tpu.memory_space<vmem>>) dst(%dma_wait3A_661 : memref<10112x160xbf16, #tpu.memory_space<vmem_shared>>)
      tpu.yield
    }) : () -> ()
    %dma_wait3A_222 = arith.constant 0 : i32
    %dma_wait3A_223 = arith.constant 2 : i32
    %dma_wait3A_224 = arith.constant 0 : i32
    %dma_wait3A_225 = tpu.memref_slice %arg7[%dma_wait3A_222, %dma_wait3A_223, %dma_wait3A_224] : memref<2x8x128xi32, #tpu.memory_space<vmem>> -> memref<1x1x128xi32, #tpu.memory_space<vmem>>
    %dma_wait3A_226 = tpu.memref_squeeze %dma_wait3A_225 : memref<1x1x128xi32, #tpu.memory_space<vmem>> -> memref<128xi32, #tpu.memory_space<vmem>>
    %dma_wait3A_227 = arith.constant 0 : i32
    %dma_wait3A_228 = arith.constant 0 : i32
    %dma_wait3A_229 = tpu.memref_slice %arg11[%dma_wait3A_227, %dma_wait3A_228] : memref<10112x160xbf16, #tpu.memory_space<vmem_shared>> -> memref<10112x160xbf16, #tpu.memory_space<vmem_shared>>
    tpu.wait_indirect_dma semaphore(%arg12 : memref<!tpu.dma_semaphore, #tpu.memory_space<semaphore_mem>>) src(%dma_wait3A_229 : memref<10112x160xbf16, #tpu.memory_space<vmem_shared>>) dst(%arg8 : memref<128x160xbf16, #tpu.memory_space<vmem>>)
    %dma_start3A_230 = arith.constant 0 : i32
    %dma_start3A_231 = arith.constant 3 : i32
    %dma_start3A_232 = arith.constant 0 : i32
    %dma_start3A_233 = tpu.memref_slice %arg7[%dma_start3A_230, %dma_start3A_231, %dma_start3A_232] : memref<2x8x128xi32, #tpu.memory_space<vmem>> -> memref<1x1x128xi32, #tpu.memory_space<vmem>>
    %dma_start3A_234 = tpu.memref_squeeze %dma_start3A_233 : memref<1x1x128xi32, #tpu.memory_space<vmem>> -> memref<128xi32, #tpu.memory_space<vmem>>
    %dma_start3A_235 = arith.constant 0 : i32
    %dma_start3A_236 = arith.constant 0 : i32
    %dma_start3A_237 = tpu.memref_slice %arg11[%dma_start3A_235, %dma_start3A_236] : memref<10112x160xbf16, #tpu.memory_space<vmem_shared>> -> memref<10112x160xbf16, #tpu.memory_space<vmem_shared>>
    tpu.enqueue_indirect_dma source(%dma_start3A_237 : memref<10112x160xbf16, #tpu.memory_space<vmem_shared>>) target(%arg9 : memref<128x160xbf16, #tpu.memory_space<vmem>>) offsets(%dma_start3A_234 : memref<128xi32, #tpu.memory_space<vmem>>) semaphore(%arg13 : memref<!tpu.dma_semaphore, #tpu.memory_space<semaphore_mem>>)
    %run_scoped3A_238 = arith.constant 1 : i32
    %run_scoped3A_239 = arith.constant 2 : i32
    "tpu.region"() ({
      %run_scoped3A_649 = tpu.sem_alloc : memref<!tpu.dma_semaphore, #tpu.memory_space<semaphore_mem>>
      %dma_start3A_650 = arith.constant 0 : i32
      %dma_start3A_651 = tpu.memref_slice %arg7[%run_scoped3A_238, %run_scoped3A_239, %dma_start3A_650] : memref<2x8x128xi32, #tpu.memory_space<vmem>> -> memref<1x1x128xi32, #tpu.memory_space<vmem>>
      %dma_start3A_652 = tpu.memref_squeeze %dma_start3A_651 : memref<1x1x128xi32, #tpu.memory_space<vmem>> -> memref<128xi32, #tpu.memory_space<vmem>>
      %dma_start3A_653 = arith.constant 0 : i32
      %dma_start3A_654 = arith.constant 0 : i32
      %dma_start3A_655 = tpu.memref_slice %arg10[%dma_start3A_653, %dma_start3A_654] : memref<10112x160xbf16, #tpu.memory_space<vmem_shared>> -> memref<10112x160xbf16, #tpu.memory_space<vmem_shared>>
      tpu.enqueue_indirect_dma source(%arg8 : memref<128x160xbf16, #tpu.memory_space<vmem>>) target(%dma_start3A_655 : memref<10112x160xbf16, #tpu.memory_space<vmem_shared>>) offsets(%dma_start3A_652 : memref<128xi32, #tpu.memory_space<vmem>>) semaphore(%run_scoped3A_649 : memref<!tpu.dma_semaphore, #tpu.memory_space<semaphore_mem>>) {add = true}
      %dma_wait3A_656 = arith.constant 0 : i32
      %dma_wait3A_657 = tpu.memref_slice %arg7[%run_scoped3A_238, %run_scoped3A_239, %dma_wait3A_656] : memref<2x8x128xi32, #tpu.memory_space<vmem>> -> memref<1x1x128xi32, #tpu.memory_space<vmem>>
      %dma_wait3A_658 = tpu.memref_squeeze %dma_wait3A_657 : memref<1x1x128xi32, #tpu.memory_space<vmem>> -> memref<128xi32, #tpu.memory_space<vmem>>
      %dma_wait3A_659 = arith.constant 0 : i32
      %dma_wait3A_660 = arith.constant 0 : i32
      %dma_wait3A_661 = tpu.memref_slice %arg10[%dma_wait3A_659, %dma_wait3A_660] : memref<10112x160xbf16, #tpu.memory_space<vmem_shared>> -> memref<10112x160xbf16, #tpu.memory_space<vmem_shared>>
      tpu.wait_indirect_dma semaphore(%run_scoped3A_649 : memref<!tpu.dma_semaphore, #tpu.memory_space<semaphore_mem>>) src(%arg8 : memref<128x160xbf16, #tpu.memory_space<vmem>>) dst(%dma_wait3A_661 : memref<10112x160xbf16, #tpu.memory_space<vmem_shared>>)
      tpu.yield
    }) : () -> ()
    %dma_wait3A_240 = arith.constant 0 : i32
    %dma_wait3A_241 = arith.constant 3 : i32
    %dma_wait3A_242 = arith.constant 0 : i32
    %dma_wait3A_243 = tpu.memref_slice %arg7[%dma_wait3A_240, %dma_wait3A_241, %dma_wait3A_242] : memref<2x8x128xi32, #tpu.memory_space<vmem>> -> memref<1x1x128xi32, #tpu.memory_space<vmem>>
    %dma_wait3A_244 = tpu.memref_squeeze %dma_wait3A_243 : memref<1x1x128xi32, #tpu.memory_space<vmem>> -> memref<128xi32, #tpu.memory_space<vmem>>
    %dma_wait3A_245 = arith.constant 0 : i32
    %dma_wait3A_246 = arith.constant 0 : i32
    %dma_wait3A_247 = tpu.memref_slice %arg11[%dma_wait3A_245, %dma_wait3A_246] : memref<10112x160xbf16, #tpu.memory_space<vmem_shared>> -> memref<10112x160xbf16, #tpu.memory_space<vmem_shared>>
    tpu.wait_indirect_dma semaphore(%arg13 : memref<!tpu.dma_semaphore, #tpu.memory_space<semaphore_mem>>) src(%dma_wait3A_247 : memref<10112x160xbf16, #tpu.memory_space<vmem_shared>>) dst(%arg9 : memref<128x160xbf16, #tpu.memory_space<vmem>>)
    %dma_start3A_248 = arith.constant 0 : i32
    %dma_start3A_249 = arith.constant 4 : i32
    %dma_start3A_250 = arith.constant 0 : i32
    %dma_start3A_251 = tpu.memref_slice %arg7[%dma_start3A_248, %dma_start3A_249, %dma_start3A_250] : memref<2x8x128xi32, #tpu.memory_space<vmem>> -> memref<1x1x128xi32, #tpu.memory_space<vmem>>
    %dma_start3A_252 = tpu.memref_squeeze %dma_start3A_251 : memref<1x1x128xi32, #tpu.memory_space<vmem>> -> memref<128xi32, #tpu.memory_space<vmem>>
    %dma_start3A_253 = arith.constant 0 : i32
    %dma_start3A_254 = arith.constant 0 : i32
    %dma_start3A_255 = tpu.memref_slice %arg11[%dma_start3A_253, %dma_start3A_254] : memref<10112x160xbf16, #tpu.memory_space<vmem_shared>> -> memref<10112x160xbf16, #tpu.memory_space<vmem_shared>>
    tpu.enqueue_indirect_dma source(%dma_start3A_255 : memref<10112x160xbf16, #tpu.memory_space<vmem_shared>>) target(%arg8 : memref<128x160xbf16, #tpu.memory_space<vmem>>) offsets(%dma_start3A_252 : memref<128xi32, #tpu.memory_space<vmem>>) semaphore(%arg12 : memref<!tpu.dma_semaphore, #tpu.memory_space<semaphore_mem>>)
    %run_scoped3A_256 = arith.constant 1 : i32
    %run_scoped3A_257 = arith.constant 3 : i32
    "tpu.region"() ({
      %run_scoped3A_649 = tpu.sem_alloc : memref<!tpu.dma_semaphore, #tpu.memory_space<semaphore_mem>>
      %dma_start3A_650 = arith.constant 0 : i32
      %dma_start3A_651 = tpu.memref_slice %arg7[%run_scoped3A_256, %run_scoped3A_257, %dma_start3A_650] : memref<2x8x128xi32, #tpu.memory_space<vmem>> -> memref<1x1x128xi32, #tpu.memory_space<vmem>>
      %dma_start3A_652 = tpu.memref_squeeze %dma_start3A_651 : memref<1x1x128xi32, #tpu.memory_space<vmem>> -> memref<128xi32, #tpu.memory_space<vmem>>
      %dma_start3A_653 = arith.constant 0 : i32
      %dma_start3A_654 = arith.constant 0 : i32
      %dma_start3A_655 = tpu.memref_slice %arg10[%dma_start3A_653, %dma_start3A_654] : memref<10112x160xbf16, #tpu.memory_space<vmem_shared>> -> memref<10112x160xbf16, #tpu.memory_space<vmem_shared>>
      tpu.enqueue_indirect_dma source(%arg9 : memref<128x160xbf16, #tpu.memory_space<vmem>>) target(%dma_start3A_655 : memref<10112x160xbf16, #tpu.memory_space<vmem_shared>>) offsets(%dma_start3A_652 : memref<128xi32, #tpu.memory_space<vmem>>) semaphore(%run_scoped3A_649 : memref<!tpu.dma_semaphore, #tpu.memory_space<semaphore_mem>>) {add = true}
      %dma_wait3A_656 = arith.constant 0 : i32
      %dma_wait3A_657 = tpu.memref_slice %arg7[%run_scoped3A_256, %run_scoped3A_257, %dma_wait3A_656] : memref<2x8x128xi32, #tpu.memory_space<vmem>> -> memref<1x1x128xi32, #tpu.memory_space<vmem>>
      %dma_wait3A_658 = tpu.memref_squeeze %dma_wait3A_657 : memref<1x1x128xi32, #tpu.memory_space<vmem>> -> memref<128xi32, #tpu.memory_space<vmem>>
      %dma_wait3A_659 = arith.constant 0 : i32
      %dma_wait3A_660 = arith.constant 0 : i32
      %dma_wait3A_661 = tpu.memref_slice %arg10[%dma_wait3A_659, %dma_wait3A_660] : memref<10112x160xbf16, #tpu.memory_space<vmem_shared>> -> memref<10112x160xbf16, #tpu.memory_space<vmem_shared>>
      tpu.wait_indirect_dma semaphore(%run_scoped3A_649 : memref<!tpu.dma_semaphore, #tpu.memory_space<semaphore_mem>>) src(%arg9 : memref<128x160xbf16, #tpu.memory_space<vmem>>) dst(%dma_wait3A_661 : memref<10112x160xbf16, #tpu.memory_space<vmem_shared>>)
      tpu.yield
    }) : () -> ()
    %dma_wait3A_258 = arith.constant 0 : i32
    %dma_wait3A_259 = arith.constant 4 : i32
    %dma_wait3A_260 = arith.constant 0 : i32
    %dma_wait3A_261 = tpu.memref_slice %arg7[%dma_wait3A_258, %dma_wait3A_259, %dma_wait3A_260] : memref<2x8x128xi32, #tpu.memory_space<vmem>> -> memref<1x1x128xi32, #tpu.memory_space<vmem>>
    %dma_wait3A_262 = tpu.memref_squeeze %dma_wait3A_261 : memref<1x1x128xi32, #tpu.memory_space<vmem>> -> memref<128xi32, #tpu.memory_space<vmem>>
    %dma_wait3A_263 = arith.constant 0 : i32
    %dma_wait3A_264 = arith.constant 0 : i32
    %dma_wait3A_265 = tpu.memref_slice %arg11[%dma_wait3A_263, %dma_wait3A_264] : memref<10112x160xbf16, #tpu.memory_space<vmem_shared>> -> memref<10112x160xbf16, #tpu.memory_space<vmem_shared>>
    tpu.wait_indirect_dma semaphore(%arg12 : memref<!tpu.dma_semaphore, #tpu.memory_space<semaphore_mem>>) src(%dma_wait3A_265 : memref<10112x160xbf16, #tpu.memory_space<vmem_shared>>) dst(%arg8 : memref<128x160xbf16, #tpu.memory_space<vmem>>)
    %dma_start3A_266 = arith.constant 0 : i32
    %dma_start3A_267 = arith.constant 5 : i32
    %dma_start3A_268 = arith.constant 0 : i32
    %dma_start3A_269 = tpu.memref_slice %arg7[%dma_start3A_266, %dma_start3A_267, %dma_start3A_268] : memref<2x8x128xi32, #tpu.memory_space<vmem>> -> memref<1x1x128xi32, #tpu.memory_space<vmem>>
    %dma_start3A_270 = tpu.memref_squeeze %dma_start3A_269 : memref<1x1x128xi32, #tpu.memory_space<vmem>> -> memref<128xi32, #tpu.memory_space<vmem>>
    %dma_start3A_271 = arith.constant 0 : i32
    %dma_start3A_272 = arith.constant 0 : i32
    %dma_start3A_273 = tpu.memref_slice %arg11[%dma_start3A_271, %dma_start3A_272] : memref<10112x160xbf16, #tpu.memory_space<vmem_shared>> -> memref<10112x160xbf16, #tpu.memory_space<vmem_shared>>
    tpu.enqueue_indirect_dma source(%dma_start3A_273 : memref<10112x160xbf16, #tpu.memory_space<vmem_shared>>) target(%arg9 : memref<128x160xbf16, #tpu.memory_space<vmem>>) offsets(%dma_start3A_270 : memref<128xi32, #tpu.memory_space<vmem>>) semaphore(%arg13 : memref<!tpu.dma_semaphore, #tpu.memory_space<semaphore_mem>>)
    %run_scoped3A_274 = arith.constant 1 : i32
    %run_scoped3A_275 = arith.constant 4 : i32
    "tpu.region"() ({
      %run_scoped3A_649 = tpu.sem_alloc : memref<!tpu.dma_semaphore, #tpu.memory_space<semaphore_mem>>
      %dma_start3A_650 = arith.constant 0 : i32
      %dma_start3A_651 = tpu.memref_slice %arg7[%run_scoped3A_274, %run_scoped3A_275, %dma_start3A_650] : memref<2x8x128xi32, #tpu.memory_space<vmem>> -> memref<1x1x128xi32, #tpu.memory_space<vmem>>
      %dma_start3A_652 = tpu.memref_squeeze %dma_start3A_651 : memref<1x1x128xi32, #tpu.memory_space<vmem>> -> memref<128xi32, #tpu.memory_space<vmem>>
      %dma_start3A_653 = arith.constant 0 : i32
      %dma_start3A_654 = arith.constant 0 : i32
      %dma_start3A_655 = tpu.memref_slice %arg10[%dma_start3A_653, %dma_start3A_654] : memref<10112x160xbf16, #tpu.memory_space<vmem_shared>> -> memref<10112x160xbf16, #tpu.memory_space<vmem_shared>>
      tpu.enqueue_indirect_dma source(%arg8 : memref<128x160xbf16, #tpu.memory_space<vmem>>) target(%dma_start3A_655 : memref<10112x160xbf16, #tpu.memory_space<vmem_shared>>) offsets(%dma_start3A_652 : memref<128xi32, #tpu.memory_space<vmem>>) semaphore(%run_scoped3A_649 : memref<!tpu.dma_semaphore, #tpu.memory_space<semaphore_mem>>) {add = true}
      %dma_wait3A_656 = arith.constant 0 : i32
      %dma_wait3A_657 = tpu.memref_slice %arg7[%run_scoped3A_274, %run_scoped3A_275, %dma_wait3A_656] : memref<2x8x128xi32, #tpu.memory_space<vmem>> -> memref<1x1x128xi32, #tpu.memory_space<vmem>>
      %dma_wait3A_658 = tpu.memref_squeeze %dma_wait3A_657 : memref<1x1x128xi32, #tpu.memory_space<vmem>> -> memref<128xi32, #tpu.memory_space<vmem>>
      %dma_wait3A_659 = arith.constant 0 : i32
      %dma_wait3A_660 = arith.constant 0 : i32
      %dma_wait3A_661 = tpu.memref_slice %arg10[%dma_wait3A_659, %dma_wait3A_660] : memref<10112x160xbf16, #tpu.memory_space<vmem_shared>> -> memref<10112x160xbf16, #tpu.memory_space<vmem_shared>>
      tpu.wait_indirect_dma semaphore(%run_scoped3A_649 : memref<!tpu.dma_semaphore, #tpu.memory_space<semaphore_mem>>) src(%arg8 : memref<128x160xbf16, #tpu.memory_space<vmem>>) dst(%dma_wait3A_661 : memref<10112x160xbf16, #tpu.memory_space<vmem_shared>>)
      tpu.yield
    }) : () -> ()
    %dma_wait3A_276 = arith.constant 0 : i32
    %dma_wait3A_277 = arith.constant 5 : i32
    %dma_wait3A_278 = arith.constant 0 : i32
    %dma_wait3A_279 = tpu.memref_slice %arg7[%dma_wait3A_276, %dma_wait3A_277, %dma_wait3A_278] : memref<2x8x128xi32, #tpu.memory_space<vmem>> -> memref<1x1x128xi32, #tpu.memory_space<vmem>>
    %dma_wait3A_280 = tpu.memref_squeeze %dma_wait3A_279 : memref<1x1x128xi32, #tpu.memory_space<vmem>> -> memref<128xi32, #tpu.memory_space<vmem>>
    %dma_wait3A_281 = arith.constant 0 : i32
    %dma_wait3A_282 = arith.constant 0 : i32
    %dma_wait3A_283 = tpu.memref_slice %arg11[%dma_wait3A_281, %dma_wait3A_282] : memref<10112x160xbf16, #tpu.memory_space<vmem_shared>> -> memref<10112x160xbf16, #tpu.memory_space<vmem_shared>>
    tpu.wait_indirect_dma semaphore(%arg13 : memref<!tpu.dma_semaphore, #tpu.memory_space<semaphore_mem>>) src(%dma_wait3A_283 : memref<10112x160xbf16, #tpu.memory_space<vmem_shared>>) dst(%arg9 : memref<128x160xbf16, #tpu.memory_space<vmem>>)
    %dma_start3A_284 = arith.constant 0 : i32
    %dma_start3A_285 = arith.constant 6 : i32
    %dma_start3A_286 = arith.constant 0 : i32
    %dma_start3A_287 = tpu.memref_slice %arg7[%dma_start3A_284, %dma_start3A_285, %dma_start3A_286] : memref<2x8x128xi32, #tpu.memory_space<vmem>> -> memref<1x1x128xi32, #tpu.memory_space<vmem>>
    %dma_start3A_288 = tpu.memref_squeeze %dma_start3A_287 : memref<1x1x128xi32, #tpu.memory_space<vmem>> -> memref<128xi32, #tpu.memory_space<vmem>>
    %dma_start3A_289 = arith.constant 0 : i32
    %dma_start3A_290 = arith.constant 0 : i32
    %dma_start3A_291 = tpu.memref_slice %arg11[%dma_start3A_289, %dma_start3A_290] : memref<10112x160xbf16, #tpu.memory_space<vmem_shared>> -> memref<10112x160xbf16, #tpu.memory_space<vmem_shared>>
    tpu.enqueue_indirect_dma source(%dma_start3A_291 : memref<10112x160xbf16, #tpu.memory_space<vmem_shared>>) target(%arg8 : memref<128x160xbf16, #tpu.memory_space<vmem>>) offsets(%dma_start3A_288 : memref<128xi32, #tpu.memory_space<vmem>>) semaphore(%arg12 : memref<!tpu.dma_semaphore, #tpu.memory_space<semaphore_mem>>)
    %run_scoped3A_292 = arith.constant 1 : i32
    %run_scoped3A_293 = arith.constant 5 : i32
    "tpu.region"() ({
      %run_scoped3A_649 = tpu.sem_alloc : memref<!tpu.dma_semaphore, #tpu.memory_space<semaphore_mem>>
      %dma_start3A_650 = arith.constant 0 : i32
      %dma_start3A_651 = tpu.memref_slice %arg7[%run_scoped3A_292, %run_scoped3A_293, %dma_start3A_650] : memref<2x8x128xi32, #tpu.memory_space<vmem>> -> memref<1x1x128xi32, #tpu.memory_space<vmem>>
      %dma_start3A_652 = tpu.memref_squeeze %dma_start3A_651 : memref<1x1x128xi32, #tpu.memory_space<vmem>> -> memref<128xi32, #tpu.memory_space<vmem>>
      %dma_start3A_653 = arith.constant 0 : i32
      %dma_start3A_654 = arith.constant 0 : i32
      %dma_start3A_655 = tpu.memref_slice %arg10[%dma_start3A_653, %dma_start3A_654] : memref<10112x160xbf16, #tpu.memory_space<vmem_shared>> -> memref<10112x160xbf16, #tpu.memory_space<vmem_shared>>
      tpu.enqueue_indirect_dma source(%arg9 : memref<128x160xbf16, #tpu.memory_space<vmem>>) target(%dma_start3A_655 : memref<10112x160xbf16, #tpu.memory_space<vmem_shared>>) offsets(%dma_start3A_652 : memref<128xi32, #tpu.memory_space<vmem>>) semaphore(%run_scoped3A_649 : memref<!tpu.dma_semaphore, #tpu.memory_space<semaphore_mem>>) {add = true}
      %dma_wait3A_656 = arith.constant 0 : i32
      %dma_wait3A_657 = tpu.memref_slice %arg7[%run_scoped3A_292, %run_scoped3A_293, %dma_wait3A_656] : memref<2x8x128xi32, #tpu.memory_space<vmem>> -> memref<1x1x128xi32, #tpu.memory_space<vmem>>
      %dma_wait3A_658 = tpu.memref_squeeze %dma_wait3A_657 : memref<1x1x128xi32, #tpu.memory_space<vmem>> -> memref<128xi32, #tpu.memory_space<vmem>>
      %dma_wait3A_659 = arith.constant 0 : i32
      %dma_wait3A_660 = arith.constant 0 : i32
      %dma_wait3A_661 = tpu.memref_slice %arg10[%dma_wait3A_659, %dma_wait3A_660] : memref<10112x160xbf16, #tpu.memory_space<vmem_shared>> -> memref<10112x160xbf16, #tpu.memory_space<vmem_shared>>
      tpu.wait_indirect_dma semaphore(%run_scoped3A_649 : memref<!tpu.dma_semaphore, #tpu.memory_space<semaphore_mem>>) src(%arg9 : memref<128x160xbf16, #tpu.memory_space<vmem>>) dst(%dma_wait3A_661 : memref<10112x160xbf16, #tpu.memory_space<vmem_shared>>)
      tpu.yield
    }) : () -> ()
    %dma_wait3A_294 = arith.constant 0 : i32
    %dma_wait3A_295 = arith.constant 6 : i32
    %dma_wait3A_296 = arith.constant 0 : i32
    %dma_wait3A_297 = tpu.memref_slice %arg7[%dma_wait3A_294, %dma_wait3A_295, %dma_wait3A_296] : memref<2x8x128xi32, #tpu.memory_space<vmem>> -> memref<1x1x128xi32, #tpu.memory_space<vmem>>
    %dma_wait3A_298 = tpu.memref_squeeze %dma_wait3A_297 : memref<1x1x128xi32, #tpu.memory_space<vmem>> -> memref<128xi32, #tpu.memory_space<vmem>>
    %dma_wait3A_299 = arith.constant 0 : i32
    %dma_wait3A_300 = arith.constant 0 : i32
    %dma_wait3A_301 = tpu.memref_slice %arg11[%dma_wait3A_299, %dma_wait3A_300] : memref<10112x160xbf16, #tpu.memory_space<vmem_shared>> -> memref<10112x160xbf16, #tpu.memory_space<vmem_shared>>
    tpu.wait_indirect_dma semaphore(%arg12 : memref<!tpu.dma_semaphore, #tpu.memory_space<semaphore_mem>>) src(%dma_wait3A_301 : memref<10112x160xbf16, #tpu.memory_space<vmem_shared>>) dst(%arg8 : memref<128x160xbf16, #tpu.memory_space<vmem>>)
    %dma_start3A_302 = arith.constant 0 : i32
    %dma_start3A_303 = arith.constant 7 : i32
    %dma_start3A_304 = arith.constant 0 : i32
    %dma_start3A_305 = tpu.memref_slice %arg7[%dma_start3A_302, %dma_start3A_303, %dma_start3A_304] : memref<2x8x128xi32, #tpu.memory_space<vmem>> -> memref<1x1x128xi32, #tpu.memory_space<vmem>>
    %dma_start3A_306 = tpu.memref_squeeze %dma_start3A_305 : memref<1x1x128xi32, #tpu.memory_space<vmem>> -> memref<128xi32, #tpu.memory_space<vmem>>
    %dma_start3A_307 = arith.constant 0 : i32
    %dma_start3A_308 = arith.constant 0 : i32
    %dma_start3A_309 = tpu.memref_slice %arg11[%dma_start3A_307, %dma_start3A_308] : memref<10112x160xbf16, #tpu.memory_space<vmem_shared>> -> memref<10112x160xbf16, #tpu.memory_space<vmem_shared>>
    tpu.enqueue_indirect_dma source(%dma_start3A_309 : memref<10112x160xbf16, #tpu.memory_space<vmem_shared>>) target(%arg9 : memref<128x160xbf16, #tpu.memory_space<vmem>>) offsets(%dma_start3A_306 : memref<128xi32, #tpu.memory_space<vmem>>) semaphore(%arg13 : memref<!tpu.dma_semaphore, #tpu.memory_space<semaphore_mem>>)
    %run_scoped3A_310 = arith.constant 1 : i32
    %run_scoped3A_311 = arith.constant 6 : i32
    "tpu.region"() ({
      %run_scoped3A_649 = tpu.sem_alloc : memref<!tpu.dma_semaphore, #tpu.memory_space<semaphore_mem>>
      %dma_start3A_650 = arith.constant 0 : i32
      %dma_start3A_651 = tpu.memref_slice %arg7[%run_scoped3A_310, %run_scoped3A_311, %dma_start3A_650] : memref<2x8x128xi32, #tpu.memory_space<vmem>> -> memref<1x1x128xi32, #tpu.memory_space<vmem>>
      %dma_start3A_652 = tpu.memref_squeeze %dma_start3A_651 : memref<1x1x128xi32, #tpu.memory_space<vmem>> -> memref<128xi32, #tpu.memory_space<vmem>>
      %dma_start3A_653 = arith.constant 0 : i32
      %dma_start3A_654 = arith.constant 0 : i32
      %dma_start3A_655 = tpu.memref_slice %arg10[%dma_start3A_653, %dma_start3A_654] : memref<10112x160xbf16, #tpu.memory_space<vmem_shared>> -> memref<10112x160xbf16, #tpu.memory_space<vmem_shared>>
      tpu.enqueue_indirect_dma source(%arg8 : memref<128x160xbf16, #tpu.memory_space<vmem>>) target(%dma_start3A_655 : memref<10112x160xbf16, #tpu.memory_space<vmem_shared>>) offsets(%dma_start3A_652 : memref<128xi32, #tpu.memory_space<vmem>>) semaphore(%run_scoped3A_649 : memref<!tpu.dma_semaphore, #tpu.memory_space<semaphore_mem>>) {add = true}
      %dma_wait3A_656 = arith.constant 0 : i32
      %dma_wait3A_657 = tpu.memref_slice %arg7[%run_scoped3A_310, %run_scoped3A_311, %dma_wait3A_656] : memref<2x8x128xi32, #tpu.memory_space<vmem>> -> memref<1x1x128xi32, #tpu.memory_space<vmem>>
      %dma_wait3A_658 = tpu.memref_squeeze %dma_wait3A_657 : memref<1x1x128xi32, #tpu.memory_space<vmem>> -> memref<128xi32, #tpu.memory_space<vmem>>
      %dma_wait3A_659 = arith.constant 0 : i32
      %dma_wait3A_660 = arith.constant 0 : i32
      %dma_wait3A_661 = tpu.memref_slice %arg10[%dma_wait3A_659, %dma_wait3A_660] : memref<10112x160xbf16, #tpu.memory_space<vmem_shared>> -> memref<10112x160xbf16, #tpu.memory_space<vmem_shared>>
      tpu.wait_indirect_dma semaphore(%run_scoped3A_649 : memref<!tpu.dma_semaphore, #tpu.memory_space<semaphore_mem>>) src(%arg8 : memref<128x160xbf16, #tpu.memory_space<vmem>>) dst(%dma_wait3A_661 : memref<10112x160xbf16, #tpu.memory_space<vmem_shared>>)
      tpu.yield
    }) : () -> ()
    %dma_wait3A_312 = arith.constant 0 : i32
    %dma_wait3A_313 = arith.constant 7 : i32
    %dma_wait3A_314 = arith.constant 0 : i32
    %dma_wait3A_315 = tpu.memref_slice %arg7[%dma_wait3A_312, %dma_wait3A_313, %dma_wait3A_314] : memref<2x8x128xi32, #tpu.memory_space<vmem>> -> memref<1x1x128xi32, #tpu.memory_space<vmem>>
    %dma_wait3A_316 = tpu.memref_squeeze %dma_wait3A_315 : memref<1x1x128xi32, #tpu.memory_space<vmem>> -> memref<128xi32, #tpu.memory_space<vmem>>
    %dma_wait3A_317 = arith.constant 0 : i32
    %dma_wait3A_318 = arith.constant 0 : i32
    %dma_wait3A_319 = tpu.memref_slice %arg11[%dma_wait3A_317, %dma_wait3A_318] : memref<10112x160xbf16, #tpu.memory_space<vmem_shared>> -> memref<10112x160xbf16, #tpu.memory_space<vmem_shared>>
    tpu.wait_indirect_dma semaphore(%arg13 : memref<!tpu.dma_semaphore, #tpu.memory_space<semaphore_mem>>) src(%dma_wait3A_319 : memref<10112x160xbf16, #tpu.memory_space<vmem_shared>>) dst(%arg9 : memref<128x160xbf16, #tpu.memory_space<vmem>>)
    %dma_wait3A_320 = arith.constant 2 : i32
    %dma_wait3A_321 = arith.constant 0 : i32
    %dma_wait3A_322 = arith.constant 0 : i32
    %dma_wait3A_323 = arith.constant 0 : i32
    %dma_wait3A_324 = tpu.memref_slice %arg3[%add3A, %dma_wait3A_320, %dma_wait3A_321, %dma_wait3A_322, %dma_wait3A_323] : memref<32x10x2x8x128xi32, #tpu.memory_space<hbm>> -> memref<1x1x2x8x128xi32, #tpu.memory_space<hbm>>
    %dma_wait3A_325 = tpu.memref_squeeze %dma_wait3A_324 : memref<1x1x2x8x128xi32, #tpu.memory_space<hbm>> -> memref<2x8x128xi32, #tpu.memory_space<hbm>>
    %dma_wait3A_326 = arith.constant 0 : i32
    %dma_wait3A_327 = arith.constant 0 : i32
    %dma_wait3A_328 = arith.constant 0 : i32
    %dma_wait3A_329 = tpu.memref_slice %arg3[%add3A, %dma_wait3A_320, %dma_wait3A_326, %dma_wait3A_327, %dma_wait3A_328] : memref<32x10x2x8x128xi32, #tpu.memory_space<hbm>> -> memref<1x1x2x8x128xi32, #tpu.memory_space<hbm>>
    %dma_wait3A_330 = tpu.memref_squeeze %dma_wait3A_329 : memref<1x1x2x8x128xi32, #tpu.memory_space<hbm>> -> memref<2x8x128xi32, #tpu.memory_space<hbm>>
    tpu.wait_dma2 semaphore(%arg14 : memref<!tpu.dma_semaphore, #tpu.memory_space<semaphore_mem>>) src(%dma_wait3A_330 : memref<2x8x128xi32, #tpu.memory_space<hbm>>) dst(%arg6 : memref<2x8x128xi32, #tpu.memory_space<vmem>>)
    %dma_start3A_331 = arith.constant 0 : i32
    %dma_start3A_332 = arith.constant 0 : i32
    %dma_start3A_333 = arith.constant 0 : i32
    %dma_start3A_334 = tpu.memref_slice %arg6[%dma_start3A_331, %dma_start3A_332, %dma_start3A_333] : memref<2x8x128xi32, #tpu.memory_space<vmem>> -> memref<1x1x128xi32, #tpu.memory_space<vmem>>
    %dma_start3A_335 = tpu.memref_squeeze %dma_start3A_334 : memref<1x1x128xi32, #tpu.memory_space<vmem>> -> memref<128xi32, #tpu.memory_space<vmem>>
    %dma_start3A_336 = arith.constant 0 : i32
    %dma_start3A_337 = arith.constant 0 : i32
    %dma_start3A_338 = tpu.memref_slice %arg11[%dma_start3A_336, %dma_start3A_337] : memref<10112x160xbf16, #tpu.memory_space<vmem_shared>> -> memref<10112x160xbf16, #tpu.memory_space<vmem_shared>>
    tpu.enqueue_indirect_dma source(%dma_start3A_338 : memref<10112x160xbf16, #tpu.memory_space<vmem_shared>>) target(%arg8 : memref<128x160xbf16, #tpu.memory_space<vmem>>) offsets(%dma_start3A_335 : memref<128xi32, #tpu.memory_space<vmem>>) semaphore(%arg12 : memref<!tpu.dma_semaphore, #tpu.memory_space<semaphore_mem>>)
    %run_scoped3A_339 = arith.constant 1 : i32
    %run_scoped3A_340 = arith.constant 7 : i32
    "tpu.region"() ({
      %run_scoped3A_649 = tpu.sem_alloc : memref<!tpu.dma_semaphore, #tpu.memory_space<semaphore_mem>>
      %dma_start3A_650 = arith.constant 0 : i32
      %dma_start3A_651 = tpu.memref_slice %arg7[%run_scoped3A_339, %run_scoped3A_340, %dma_start3A_650] : memref<2x8x128xi32, #tpu.memory_space<vmem>> -> memref<1x1x128xi32, #tpu.memory_space<vmem>>
      %dma_start3A_652 = tpu.memref_squeeze %dma_start3A_651 : memref<1x1x128xi32, #tpu.memory_space<vmem>> -> memref<128xi32, #tpu.memory_space<vmem>>
      %dma_start3A_653 = arith.constant 0 : i32
      %dma_start3A_654 = arith.constant 0 : i32
      %dma_start3A_655 = tpu.memref_slice %arg10[%dma_start3A_653, %dma_start3A_654] : memref<10112x160xbf16, #tpu.memory_space<vmem_shared>> -> memref<10112x160xbf16, #tpu.memory_space<vmem_shared>>
      tpu.enqueue_indirect_dma source(%arg9 : memref<128x160xbf16, #tpu.memory_space<vmem>>) target(%dma_start3A_655 : memref<10112x160xbf16, #tpu.memory_space<vmem_shared>>) offsets(%dma_start3A_652 : memref<128xi32, #tpu.memory_space<vmem>>) semaphore(%run_scoped3A_649 : memref<!tpu.dma_semaphore, #tpu.memory_space<semaphore_mem>>) {add = true}
      %dma_wait3A_656 = arith.constant 0 : i32
      %dma_wait3A_657 = tpu.memref_slice %arg7[%run_scoped3A_339, %run_scoped3A_340, %dma_wait3A_656] : memref<2x8x128xi32, #tpu.memory_space<vmem>> -> memref<1x1x128xi32, #tpu.memory_space<vmem>>
      %dma_wait3A_658 = tpu.memref_squeeze %dma_wait3A_657 : memref<1x1x128xi32, #tpu.memory_space<vmem>> -> memref<128xi32, #tpu.memory_space<vmem>>
      %dma_wait3A_659 = arith.constant 0 : i32
      %dma_wait3A_660 = arith.constant 0 : i32
      %dma_wait3A_661 = tpu.memref_slice %arg10[%dma_wait3A_659, %dma_wait3A_660] : memref<10112x160xbf16, #tpu.memory_space<vmem_shared>> -> memref<10112x160xbf16, #tpu.memory_space<vmem_shared>>
      tpu.wait_indirect_dma semaphore(%run_scoped3A_649 : memref<!tpu.dma_semaphore, #tpu.memory_space<semaphore_mem>>) src(%arg9 : memref<128x160xbf16, #tpu.memory_space<vmem>>) dst(%dma_wait3A_661 : memref<10112x160xbf16, #tpu.memory_space<vmem_shared>>)
      tpu.yield
    }) : () -> ()
    %scan3A = arith.constant 0 : i32
    %scan3A_341 = arith.constant 1 : i32
    %scan3A_342 = arith.constant 3 : i32
    %scan3A_343 = arith.addi %scan3A_341, %scan3A_342 : i32
    %scan3A_344 = arith.constant 1 : i32
    scf.for %scan3A_649 = %scan3A_341 to %scan3A_343 step %scan3A_344  : i32 {
      %mul3A_650 = arith.constant 2 : i32
      %mul3A_651 = arith.muli %scan3A_649, %mul3A_650 : i32
      %dma_wait3A_652 = arith.constant 0 : i32
      %dma_wait3A_653 = arith.constant 0 : i32
      %dma_wait3A_654 = arith.constant 0 : i32
      %dma_wait3A_655 = tpu.memref_slice %arg6[%dma_wait3A_652, %dma_wait3A_653, %dma_wait3A_654] : memref<2x8x128xi32, #tpu.memory_space<vmem>> -> memref<1x1x128xi32, #tpu.memory_space<vmem>>
      %dma_wait3A_656 = tpu.memref_squeeze %dma_wait3A_655 : memref<1x1x128xi32, #tpu.memory_space<vmem>> -> memref<128xi32, #tpu.memory_space<vmem>>
      %dma_wait3A_657 = arith.constant 0 : i32
      %dma_wait3A_658 = arith.constant 0 : i32
      %dma_wait3A_659 = tpu.memref_slice %arg11[%dma_wait3A_657, %dma_wait3A_658] : memref<10112x160xbf16, #tpu.memory_space<vmem_shared>> -> memref<10112x160xbf16, #tpu.memory_space<vmem_shared>>
      tpu.wait_indirect_dma semaphore(%arg12 : memref<!tpu.dma_semaphore, #tpu.memory_space<semaphore_mem>>) src(%dma_wait3A_659 : memref<10112x160xbf16, #tpu.memory_space<vmem_shared>>) dst(%arg8 : memref<128x160xbf16, #tpu.memory_space<vmem>>)
      %dma_start3A_660 = arith.constant 0 : i32
      %dma_start3A_661 = arith.constant 1 : i32
      %dma_start3A_662 = arith.constant 0 : i32
      %dma_start3A_663 = tpu.memref_slice %arg6[%dma_start3A_660, %dma_start3A_661, %dma_start3A_662] : memref<2x8x128xi32, #tpu.memory_space<vmem>> -> memref<1x1x128xi32, #tpu.memory_space<vmem>>
      %dma_start3A_664 = tpu.memref_squeeze %dma_start3A_663 : memref<1x1x128xi32, #tpu.memory_space<vmem>> -> memref<128xi32, #tpu.memory_space<vmem>>
      %dma_start3A_665 = arith.constant 0 : i32
      %dma_start3A_666 = arith.constant 0 : i32
      %dma_start3A_667 = tpu.memref_slice %arg11[%dma_start3A_665, %dma_start3A_666] : memref<10112x160xbf16, #tpu.memory_space<vmem_shared>> -> memref<10112x160xbf16, #tpu.memory_space<vmem_shared>>
      tpu.enqueue_indirect_dma source(%dma_start3A_667 : memref<10112x160xbf16, #tpu.memory_space<vmem_shared>>) target(%arg9 : memref<128x160xbf16, #tpu.memory_space<vmem>>) offsets(%dma_start3A_664 : memref<128xi32, #tpu.memory_space<vmem>>) semaphore(%arg13 : memref<!tpu.dma_semaphore, #tpu.memory_space<semaphore_mem>>)
      %run_scoped3A_668 = arith.constant 1 : i32
      %run_scoped3A_669 = arith.constant 0 : i32
      "tpu.region"() ({
        %run_scoped3A_1004 = tpu.sem_alloc : memref<!tpu.dma_semaphore, #tpu.memory_space<semaphore_mem>>
        %dma_start3A_1005 = arith.constant 0 : i32
        %dma_start3A_1006 = tpu.memref_slice %arg6[%run_scoped3A_668, %run_scoped3A_669, %dma_start3A_1005] : memref<2x8x128xi32, #tpu.memory_space<vmem>> -> memref<1x1x128xi32, #tpu.memory_space<vmem>>
        %dma_start3A_1007 = tpu.memref_squeeze %dma_start3A_1006 : memref<1x1x128xi32, #tpu.memory_space<vmem>> -> memref<128xi32, #tpu.memory_space<vmem>>
        %dma_start3A_1008 = arith.constant 0 : i32
        %dma_start3A_1009 = arith.constant 0 : i32
        %dma_start3A_1010 = tpu.memref_slice %arg10[%dma_start3A_1008, %dma_start3A_1009] : memref<10112x160xbf16, #tpu.memory_space<vmem_shared>> -> memref<10112x160xbf16, #tpu.memory_space<vmem_shared>>
        tpu.enqueue_indirect_dma source(%arg8 : memref<128x160xbf16, #tpu.memory_space<vmem>>) target(%dma_start3A_1010 : memref<10112x160xbf16, #tpu.memory_space<vmem_shared>>) offsets(%dma_start3A_1007 : memref<128xi32, #tpu.memory_space<vmem>>) semaphore(%run_scoped3A_1004 : memref<!tpu.dma_semaphore, #tpu.memory_space<semaphore_mem>>) {add = true}
        %dma_wait3A_1011 = arith.constant 0 : i32
        %dma_wait3A_1012 = tpu.memref_slice %arg6[%run_scoped3A_668, %run_scoped3A_669, %dma_wait3A_1011] : memref<2x8x128xi32, #tpu.memory_space<vmem>> -> memref<1x1x128xi32, #tpu.memory_space<vmem>>
        %dma_wait3A_1013 = tpu.memref_squeeze %dma_wait3A_1012 : memref<1x1x128xi32, #tpu.memory_space<vmem>> -> memref<128xi32, #tpu.memory_space<vmem>>
        %dma_wait3A_1014 = arith.constant 0 : i32
        %dma_wait3A_1015 = arith.constant 0 : i32
        %dma_wait3A_1016 = tpu.memref_slice %arg10[%dma_wait3A_1014, %dma_wait3A_1015] : memref<10112x160xbf16, #tpu.memory_space<vmem_shared>> -> memref<10112x160xbf16, #tpu.memory_space<vmem_shared>>
        tpu.wait_indirect_dma semaphore(%run_scoped3A_1004 : memref<!tpu.dma_semaphore, #tpu.memory_space<semaphore_mem>>) src(%arg8 : memref<128x160xbf16, #tpu.memory_space<vmem>>) dst(%dma_wait3A_1016 : memref<10112x160xbf16, #tpu.memory_space<vmem_shared>>)
        tpu.yield
      }) : () -> ()
      %add3A_670 = arith.constant 1 : i32
      %add3A_671 = arith.addi %mul3A_651, %add3A_670 : i32
      %dma_start3A_672 = arith.constant 0 : i32
      %dma_start3A_673 = arith.constant 0 : i32
      %dma_start3A_674 = arith.constant 0 : i32
      %dma_start3A_675 = tpu.memref_slice %arg3[%add3A, %add3A_671, %dma_start3A_672, %dma_start3A_673, %dma_start3A_674] : memref<32x10x2x8x128xi32, #tpu.memory_space<hbm>> -> memref<1x1x2x8x128xi32, #tpu.memory_space<hbm>>
      %dma_start3A_676 = tpu.memref_squeeze %dma_start3A_675 : memref<1x1x2x8x128xi32, #tpu.memory_space<hbm>> -> memref<2x8x128xi32, #tpu.memory_space<hbm>>
      %dma_start3A_677 = arith.constant 0 : i32
      %dma_start3A_678 = arith.constant 0 : i32
      %dma_start3A_679 = arith.constant 0 : i32
      %dma_start3A_680 = tpu.memref_slice %arg3[%add3A, %add3A_671, %dma_start3A_677, %dma_start3A_678, %dma_start3A_679] : memref<32x10x2x8x128xi32, #tpu.memory_space<hbm>> -> memref<1x1x2x8x128xi32, #tpu.memory_space<hbm>>
      %dma_start3A_681 = tpu.memref_squeeze %dma_start3A_680 : memref<1x1x2x8x128xi32, #tpu.memory_space<hbm>> -> memref<2x8x128xi32, #tpu.memory_space<hbm>>
      tpu.enqueue_dma source(%dma_start3A_681 : memref<2x8x128xi32, #tpu.memory_space<hbm>>) target(%arg7 : memref<2x8x128xi32, #tpu.memory_space<vmem>>) target_semaphore(%arg14 : memref<!tpu.dma_semaphore, #tpu.memory_space<semaphore_mem>>)
      %dma_wait3A_682 = arith.constant 0 : i32
      %dma_wait3A_683 = arith.constant 1 : i32
      %dma_wait3A_684 = arith.constant 0 : i32
      %dma_wait3A_685 = tpu.memref_slice %arg6[%dma_wait3A_682, %dma_wait3A_683, %dma_wait3A_684] : memref<2x8x128xi32, #tpu.memory_space<vmem>> -> memref<1x1x128xi32, #tpu.memory_space<vmem>>
      %dma_wait3A_686 = tpu.memref_squeeze %dma_wait3A_685 : memref<1x1x128xi32, #tpu.memory_space<vmem>> -> memref<128xi32, #tpu.memory_space<vmem>>
      %dma_wait3A_687 = arith.constant 0 : i32
      %dma_wait3A_688 = arith.constant 0 : i32
      %dma_wait3A_689 = tpu.memref_slice %arg11[%dma_wait3A_687, %dma_wait3A_688] : memref<10112x160xbf16, #tpu.memory_space<vmem_shared>> -> memref<10112x160xbf16, #tpu.memory_space<vmem_shared>>
      tpu.wait_indirect_dma semaphore(%arg13 : memref<!tpu.dma_semaphore, #tpu.memory_space<semaphore_mem>>) src(%dma_wait3A_689 : memref<10112x160xbf16, #tpu.memory_space<vmem_shared>>) dst(%arg9 : memref<128x160xbf16, #tpu.memory_space<vmem>>)
      %dma_start3A_690 = arith.constant 0 : i32
      %dma_start3A_691 = arith.constant 2 : i32
      %dma_start3A_692 = arith.constant 0 : i32
      %dma_start3A_693 = tpu.memref_slice %arg6[%dma_start3A_690, %dma_start3A_691, %dma_start3A_692] : memref<2x8x128xi32, #tpu.memory_space<vmem>> -> memref<1x1x128xi32, #tpu.memory_space<vmem>>
      %dma_start3A_694 = tpu.memref_squeeze %dma_start3A_693 : memref<1x1x128xi32, #tpu.memory_space<vmem>> -> memref<128xi32, #tpu.memory_space<vmem>>
      %dma_start3A_695 = arith.constant 0 : i32
      %dma_start3A_696 = arith.constant 0 : i32
      %dma_start3A_697 = tpu.memref_slice %arg11[%dma_start3A_695, %dma_start3A_696] : memref<10112x160xbf16, #tpu.memory_space<vmem_shared>> -> memref<10112x160xbf16, #tpu.memory_space<vmem_shared>>
      tpu.enqueue_indirect_dma source(%dma_start3A_697 : memref<10112x160xbf16, #tpu.memory_space<vmem_shared>>) target(%arg8 : memref<128x160xbf16, #tpu.memory_space<vmem>>) offsets(%dma_start3A_694 : memref<128xi32, #tpu.memory_space<vmem>>) semaphore(%arg12 : memref<!tpu.dma_semaphore, #tpu.memory_space<semaphore_mem>>)
      %run_scoped3A_698 = arith.constant 1 : i32
      %run_scoped3A_699 = arith.constant 1 : i32
      "tpu.region"() ({
        %run_scoped3A_1004 = tpu.sem_alloc : memref<!tpu.dma_semaphore, #tpu.memory_space<semaphore_mem>>
        %dma_start3A_1005 = arith.constant 0 : i32
        %dma_start3A_1006 = tpu.memref_slice %arg6[%run_scoped3A_698, %run_scoped3A_699, %dma_start3A_1005] : memref<2x8x128xi32, #tpu.memory_space<vmem>> -> memref<1x1x128xi32, #tpu.memory_space<vmem>>
        %dma_start3A_1007 = tpu.memref_squeeze %dma_start3A_1006 : memref<1x1x128xi32, #tpu.memory_space<vmem>> -> memref<128xi32, #tpu.memory_space<vmem>>
        %dma_start3A_1008 = arith.constant 0 : i32
        %dma_start3A_1009 = arith.constant 0 : i32
        %dma_start3A_1010 = tpu.memref_slice %arg10[%dma_start3A_1008, %dma_start3A_1009] : memref<10112x160xbf16, #tpu.memory_space<vmem_shared>> -> memref<10112x160xbf16, #tpu.memory_space<vmem_shared>>
        tpu.enqueue_indirect_dma source(%arg9 : memref<128x160xbf16, #tpu.memory_space<vmem>>) target(%dma_start3A_1010 : memref<10112x160xbf16, #tpu.memory_space<vmem_shared>>) offsets(%dma_start3A_1007 : memref<128xi32, #tpu.memory_space<vmem>>) semaphore(%run_scoped3A_1004 : memref<!tpu.dma_semaphore, #tpu.memory_space<semaphore_mem>>) {add = true}
        %dma_wait3A_1011 = arith.constant 0 : i32
        %dma_wait3A_1012 = tpu.memref_slice %arg6[%run_scoped3A_698, %run_scoped3A_699, %dma_wait3A_1011] : memref<2x8x128xi32, #tpu.memory_space<vmem>> -> memref<1x1x128xi32, #tpu.memory_space<vmem>>
        %dma_wait3A_1013 = tpu.memref_squeeze %dma_wait3A_1012 : memref<1x1x128xi32, #tpu.memory_space<vmem>> -> memref<128xi32, #tpu.memory_space<vmem>>
        %dma_wait3A_1014 = arith.constant 0 : i32
        %dma_wait3A_1015 = arith.constant 0 : i32
        %dma_wait3A_1016 = tpu.memref_slice %arg10[%dma_wait3A_1014, %dma_wait3A_1015] : memref<10112x160xbf16, #tpu.memory_space<vmem_shared>> -> memref<10112x160xbf16, #tpu.memory_space<vmem_shared>>
        tpu.wait_indirect_dma semaphore(%run_scoped3A_1004 : memref<!tpu.dma_semaphore, #tpu.memory_space<semaphore_mem>>) src(%arg9 : memref<128x160xbf16, #tpu.memory_space<vmem>>) dst(%dma_wait3A_1016 : memref<10112x160xbf16, #tpu.memory_space<vmem_shared>>)
        tpu.yield
      }) : () -> ()
      %dma_wait3A_700 = arith.constant 0 : i32
      %dma_wait3A_701 = arith.constant 2 : i32
      %dma_wait3A_702 = arith.constant 0 : i32
      %dma_wait3A_703 = tpu.memref_slice %arg6[%dma_wait3A_700, %dma_wait3A_701, %dma_wait3A_702] : memref<2x8x128xi32, #tpu.memory_space<vmem>> -> memref<1x1x128xi32, #tpu.memory_space<vmem>>
      %dma_wait3A_704 = tpu.memref_squeeze %dma_wait3A_703 : memref<1x1x128xi32, #tpu.memory_space<vmem>> -> memref<128xi32, #tpu.memory_space<vmem>>
      %dma_wait3A_705 = arith.constant 0 : i32
      %dma_wait3A_706 = arith.constant 0 : i32
      %dma_wait3A_707 = tpu.memref_slice %arg11[%dma_wait3A_705, %dma_wait3A_706] : memref<10112x160xbf16, #tpu.memory_space<vmem_shared>> -> memref<10112x160xbf16, #tpu.memory_space<vmem_shared>>
      tpu.wait_indirect_dma semaphore(%arg12 : memref<!tpu.dma_semaphore, #tpu.memory_space<semaphore_mem>>) src(%dma_wait3A_707 : memref<10112x160xbf16, #tpu.memory_space<vmem_shared>>) dst(%arg8 : memref<128x160xbf16, #tpu.memory_space<vmem>>)
      %dma_start3A_708 = arith.constant 0 : i32
      %dma_start3A_709 = arith.constant 3 : i32
      %dma_start3A_710 = arith.constant 0 : i32
      %dma_start3A_711 = tpu.memref_slice %arg6[%dma_start3A_708, %dma_start3A_709, %dma_start3A_710] : memref<2x8x128xi32, #tpu.memory_space<vmem>> -> memref<1x1x128xi32, #tpu.memory_space<vmem>>
      %dma_start3A_712 = tpu.memref_squeeze %dma_start3A_711 : memref<1x1x128xi32, #tpu.memory_space<vmem>> -> memref<128xi32, #tpu.memory_space<vmem>>
      %dma_start3A_713 = arith.constant 0 : i32
      %dma_start3A_714 = arith.constant 0 : i32
      %dma_start3A_715 = tpu.memref_slice %arg11[%dma_start3A_713, %dma_start3A_714] : memref<10112x160xbf16, #tpu.memory_space<vmem_shared>> -> memref<10112x160xbf16, #tpu.memory_space<vmem_shared>>
      tpu.enqueue_indirect_dma source(%dma_start3A_715 : memref<10112x160xbf16, #tpu.memory_space<vmem_shared>>) target(%arg9 : memref<128x160xbf16, #tpu.memory_space<vmem>>) offsets(%dma_start3A_712 : memref<128xi32, #tpu.memory_space<vmem>>) semaphore(%arg13 : memref<!tpu.dma_semaphore, #tpu.memory_space<semaphore_mem>>)
      %run_scoped3A_716 = arith.constant 1 : i32
      %run_scoped3A_717 = arith.constant 2 : i32
      "tpu.region"() ({
        %run_scoped3A_1004 = tpu.sem_alloc : memref<!tpu.dma_semaphore, #tpu.memory_space<semaphore_mem>>
        %dma_start3A_1005 = arith.constant 0 : i32
        %dma_start3A_1006 = tpu.memref_slice %arg6[%run_scoped3A_716, %run_scoped3A_717, %dma_start3A_1005] : memref<2x8x128xi32, #tpu.memory_space<vmem>> -> memref<1x1x128xi32, #tpu.memory_space<vmem>>
        %dma_start3A_1007 = tpu.memref_squeeze %dma_start3A_1006 : memref<1x1x128xi32, #tpu.memory_space<vmem>> -> memref<128xi32, #tpu.memory_space<vmem>>
        %dma_start3A_1008 = arith.constant 0 : i32
        %dma_start3A_1009 = arith.constant 0 : i32
        %dma_start3A_1010 = tpu.memref_slice %arg10[%dma_start3A_1008, %dma_start3A_1009] : memref<10112x160xbf16, #tpu.memory_space<vmem_shared>> -> memref<10112x160xbf16, #tpu.memory_space<vmem_shared>>
        tpu.enqueue_indirect_dma source(%arg8 : memref<128x160xbf16, #tpu.memory_space<vmem>>) target(%dma_start3A_1010 : memref<10112x160xbf16, #tpu.memory_space<vmem_shared>>) offsets(%dma_start3A_1007 : memref<128xi32, #tpu.memory_space<vmem>>) semaphore(%run_scoped3A_1004 : memref<!tpu.dma_semaphore, #tpu.memory_space<semaphore_mem>>) {add = true}
        %dma_wait3A_1011 = arith.constant 0 : i32
        %dma_wait3A_1012 = tpu.memref_slice %arg6[%run_scoped3A_716, %run_scoped3A_717, %dma_wait3A_1011] : memref<2x8x128xi32, #tpu.memory_space<vmem>> -> memref<1x1x128xi32, #tpu.memory_space<vmem>>
        %dma_wait3A_1013 = tpu.memref_squeeze %dma_wait3A_1012 : memref<1x1x128xi32, #tpu.memory_space<vmem>> -> memref<128xi32, #tpu.memory_space<vmem>>
        %dma_wait3A_1014 = arith.constant 0 : i32
        %dma_wait3A_1015 = arith.constant 0 : i32
        %dma_wait3A_1016 = tpu.memref_slice %arg10[%dma_wait3A_1014, %dma_wait3A_1015] : memref<10112x160xbf16, #tpu.memory_space<vmem_shared>> -> memref<10112x160xbf16, #tpu.memory_space<vmem_shared>>
        tpu.wait_indirect_dma semaphore(%run_scoped3A_1004 : memref<!tpu.dma_semaphore, #tpu.memory_space<semaphore_mem>>) src(%arg8 : memref<128x160xbf16, #tpu.memory_space<vmem>>) dst(%dma_wait3A_1016 : memref<10112x160xbf16, #tpu.memory_space<vmem_shared>>)
        tpu.yield
      }) : () -> ()
      %dma_wait3A_718 = arith.constant 0 : i32
      %dma_wait3A_719 = arith.constant 3 : i32
      %dma_wait3A_720 = arith.constant 0 : i32
      %dma_wait3A_721 = tpu.memref_slice %arg6[%dma_wait3A_718, %dma_wait3A_719, %dma_wait3A_720] : memref<2x8x128xi32, #tpu.memory_space<vmem>> -> memref<1x1x128xi32, #tpu.memory_space<vmem>>
      %dma_wait3A_722 = tpu.memref_squeeze %dma_wait3A_721 : memref<1x1x128xi32, #tpu.memory_space<vmem>> -> memref<128xi32, #tpu.memory_space<vmem>>
      %dma_wait3A_723 = arith.constant 0 : i32
      %dma_wait3A_724 = arith.constant 0 : i32
      %dma_wait3A_725 = tpu.memref_slice %arg11[%dma_wait3A_723, %dma_wait3A_724] : memref<10112x160xbf16, #tpu.memory_space<vmem_shared>> -> memref<10112x160xbf16, #tpu.memory_space<vmem_shared>>
      tpu.wait_indirect_dma semaphore(%arg13 : memref<!tpu.dma_semaphore, #tpu.memory_space<semaphore_mem>>) src(%dma_wait3A_725 : memref<10112x160xbf16, #tpu.memory_space<vmem_shared>>) dst(%arg9 : memref<128x160xbf16, #tpu.memory_space<vmem>>)
      %dma_start3A_726 = arith.constant 0 : i32
      %dma_start3A_727 = arith.constant 4 : i32
      %dma_start3A_728 = arith.constant 0 : i32
      %dma_start3A_729 = tpu.memref_slice %arg6[%dma_start3A_726, %dma_start3A_727, %dma_start3A_728] : memref<2x8x128xi32, #tpu.memory_space<vmem>> -> memref<1x1x128xi32, #tpu.memory_space<vmem>>
      %dma_start3A_730 = tpu.memref_squeeze %dma_start3A_729 : memref<1x1x128xi32, #tpu.memory_space<vmem>> -> memref<128xi32, #tpu.memory_space<vmem>>
      %dma_start3A_731 = arith.constant 0 : i32
      %dma_start3A_732 = arith.constant 0 : i32
      %dma_start3A_733 = tpu.memref_slice %arg11[%dma_start3A_731, %dma_start3A_732] : memref<10112x160xbf16, #tpu.memory_space<vmem_shared>> -> memref<10112x160xbf16, #tpu.memory_space<vmem_shared>>
      tpu.enqueue_indirect_dma source(%dma_start3A_733 : memref<10112x160xbf16, #tpu.memory_space<vmem_shared>>) target(%arg8 : memref<128x160xbf16, #tpu.memory_space<vmem>>) offsets(%dma_start3A_730 : memref<128xi32, #tpu.memory_space<vmem>>) semaphore(%arg12 : memref<!tpu.dma_semaphore, #tpu.memory_space<semaphore_mem>>)
      %run_scoped3A_734 = arith.constant 1 : i32
      %run_scoped3A_735 = arith.constant 3 : i32
      "tpu.region"() ({
        %run_scoped3A_1004 = tpu.sem_alloc : memref<!tpu.dma_semaphore, #tpu.memory_space<semaphore_mem>>
        %dma_start3A_1005 = arith.constant 0 : i32
        %dma_start3A_1006 = tpu.memref_slice %arg6[%run_scoped3A_734, %run_scoped3A_735, %dma_start3A_1005] : memref<2x8x128xi32, #tpu.memory_space<vmem>> -> memref<1x1x128xi32, #tpu.memory_space<vmem>>
        %dma_start3A_1007 = tpu.memref_squeeze %dma_start3A_1006 : memref<1x1x128xi32, #tpu.memory_space<vmem>> -> memref<128xi32, #tpu.memory_space<vmem>>
        %dma_start3A_1008 = arith.constant 0 : i32
        %dma_start3A_1009 = arith.constant 0 : i32
        %dma_start3A_1010 = tpu.memref_slice %arg10[%dma_start3A_1008, %dma_start3A_1009] : memref<10112x160xbf16, #tpu.memory_space<vmem_shared>> -> memref<10112x160xbf16, #tpu.memory_space<vmem_shared>>
        tpu.enqueue_indirect_dma source(%arg9 : memref<128x160xbf16, #tpu.memory_space<vmem>>) target(%dma_start3A_1010 : memref<10112x160xbf16, #tpu.memory_space<vmem_shared>>) offsets(%dma_start3A_1007 : memref<128xi32, #tpu.memory_space<vmem>>) semaphore(%run_scoped3A_1004 : memref<!tpu.dma_semaphore, #tpu.memory_space<semaphore_mem>>) {add = true}
        %dma_wait3A_1011 = arith.constant 0 : i32
        %dma_wait3A_1012 = tpu.memref_slice %arg6[%run_scoped3A_734, %run_scoped3A_735, %dma_wait3A_1011] : memref<2x8x128xi32, #tpu.memory_space<vmem>> -> memref<1x1x128xi32, #tpu.memory_space<vmem>>
        %dma_wait3A_1013 = tpu.memref_squeeze %dma_wait3A_1012 : memref<1x1x128xi32, #tpu.memory_space<vmem>> -> memref<128xi32, #tpu.memory_space<vmem>>
        %dma_wait3A_1014 = arith.constant 0 : i32
        %dma_wait3A_1015 = arith.constant 0 : i32
        %dma_wait3A_1016 = tpu.memref_slice %arg10[%dma_wait3A_1014, %dma_wait3A_1015] : memref<10112x160xbf16, #tpu.memory_space<vmem_shared>> -> memref<10112x160xbf16, #tpu.memory_space<vmem_shared>>
        tpu.wait_indirect_dma semaphore(%run_scoped3A_1004 : memref<!tpu.dma_semaphore, #tpu.memory_space<semaphore_mem>>) src(%arg9 : memref<128x160xbf16, #tpu.memory_space<vmem>>) dst(%dma_wait3A_1016 : memref<10112x160xbf16, #tpu.memory_space<vmem_shared>>)
        tpu.yield
      }) : () -> ()
      %dma_wait3A_736 = arith.constant 0 : i32
      %dma_wait3A_737 = arith.constant 4 : i32
      %dma_wait3A_738 = arith.constant 0 : i32
      %dma_wait3A_739 = tpu.memref_slice %arg6[%dma_wait3A_736, %dma_wait3A_737, %dma_wait3A_738] : memref<2x8x128xi32, #tpu.memory_space<vmem>> -> memref<1x1x128xi32, #tpu.memory_space<vmem>>
      %dma_wait3A_740 = tpu.memref_squeeze %dma_wait3A_739 : memref<1x1x128xi32, #tpu.memory_space<vmem>> -> memref<128xi32, #tpu.memory_space<vmem>>
      %dma_wait3A_741 = arith.constant 0 : i32
      %dma_wait3A_742 = arith.constant 0 : i32
      %dma_wait3A_743 = tpu.memref_slice %arg11[%dma_wait3A_741, %dma_wait3A_742] : memref<10112x160xbf16, #tpu.memory_space<vmem_shared>> -> memref<10112x160xbf16, #tpu.memory_space<vmem_shared>>
      tpu.wait_indirect_dma semaphore(%arg12 : memref<!tpu.dma_semaphore, #tpu.memory_space<semaphore_mem>>) src(%dma_wait3A_743 : memref<10112x160xbf16, #tpu.memory_space<vmem_shared>>) dst(%arg8 : memref<128x160xbf16, #tpu.memory_space<vmem>>)
      %dma_start3A_744 = arith.constant 0 : i32
      %dma_start3A_745 = arith.constant 5 : i32
      %dma_start3A_746 = arith.constant 0 : i32
      %dma_start3A_747 = tpu.memref_slice %arg6[%dma_start3A_744, %dma_start3A_745, %dma_start3A_746] : memref<2x8x128xi32, #tpu.memory_space<vmem>> -> memref<1x1x128xi32, #tpu.memory_space<vmem>>
      %dma_start3A_748 = tpu.memref_squeeze %dma_start3A_747 : memref<1x1x128xi32, #tpu.memory_space<vmem>> -> memref<128xi32, #tpu.memory_space<vmem>>
      %dma_start3A_749 = arith.constant 0 : i32
      %dma_start3A_750 = arith.constant 0 : i32
      %dma_start3A_751 = tpu.memref_slice %arg11[%dma_start3A_749, %dma_start3A_750] : memref<10112x160xbf16, #tpu.memory_space<vmem_shared>> -> memref<10112x160xbf16, #tpu.memory_space<vmem_shared>>
      tpu.enqueue_indirect_dma source(%dma_start3A_751 : memref<10112x160xbf16, #tpu.memory_space<vmem_shared>>) target(%arg9 : memref<128x160xbf16, #tpu.memory_space<vmem>>) offsets(%dma_start3A_748 : memref<128xi32, #tpu.memory_space<vmem>>) semaphore(%arg13 : memref<!tpu.dma_semaphore, #tpu.memory_space<semaphore_mem>>)
      %run_scoped3A_752 = arith.constant 1 : i32
      %run_scoped3A_753 = arith.constant 4 : i32
      "tpu.region"() ({
        %run_scoped3A_1004 = tpu.sem_alloc : memref<!tpu.dma_semaphore, #tpu.memory_space<semaphore_mem>>
        %dma_start3A_1005 = arith.constant 0 : i32
        %dma_start3A_1006 = tpu.memref_slice %arg6[%run_scoped3A_752, %run_scoped3A_753, %dma_start3A_1005] : memref<2x8x128xi32, #tpu.memory_space<vmem>> -> memref<1x1x128xi32, #tpu.memory_space<vmem>>
        %dma_start3A_1007 = tpu.memref_squeeze %dma_start3A_1006 : memref<1x1x128xi32, #tpu.memory_space<vmem>> -> memref<128xi32, #tpu.memory_space<vmem>>
        %dma_start3A_1008 = arith.constant 0 : i32
        %dma_start3A_1009 = arith.constant 0 : i32
        %dma_start3A_1010 = tpu.memref_slice %arg10[%dma_start3A_1008, %dma_start3A_1009] : memref<10112x160xbf16, #tpu.memory_space<vmem_shared>> -> memref<10112x160xbf16, #tpu.memory_space<vmem_shared>>
        tpu.enqueue_indirect_dma source(%arg8 : memref<128x160xbf16, #tpu.memory_space<vmem>>) target(%dma_start3A_1010 : memref<10112x160xbf16, #tpu.memory_space<vmem_shared>>) offsets(%dma_start3A_1007 : memref<128xi32, #tpu.memory_space<vmem>>) semaphore(%run_scoped3A_1004 : memref<!tpu.dma_semaphore, #tpu.memory_space<semaphore_mem>>) {add = true}
        %dma_wait3A_1011 = arith.constant 0 : i32
        %dma_wait3A_1012 = tpu.memref_slice %arg6[%run_scoped3A_752, %run_scoped3A_753, %dma_wait3A_1011] : memref<2x8x128xi32, #tpu.memory_space<vmem>> -> memref<1x1x128xi32, #tpu.memory_space<vmem>>
        %dma_wait3A_1013 = tpu.memref_squeeze %dma_wait3A_1012 : memref<1x1x128xi32, #tpu.memory_space<vmem>> -> memref<128xi32, #tpu.memory_space<vmem>>
        %dma_wait3A_1014 = arith.constant 0 : i32
        %dma_wait3A_1015 = arith.constant 0 : i32
        %dma_wait3A_1016 = tpu.memref_slice %arg10[%dma_wait3A_1014, %dma_wait3A_1015] : memref<10112x160xbf16, #tpu.memory_space<vmem_shared>> -> memref<10112x160xbf16, #tpu.memory_space<vmem_shared>>
        tpu.wait_indirect_dma semaphore(%run_scoped3A_1004 : memref<!tpu.dma_semaphore, #tpu.memory_space<semaphore_mem>>) src(%arg8 : memref<128x160xbf16, #tpu.memory_space<vmem>>) dst(%dma_wait3A_1016 : memref<10112x160xbf16, #tpu.memory_space<vmem_shared>>)
        tpu.yield
      }) : () -> ()
      %dma_wait3A_754 = arith.constant 0 : i32
      %dma_wait3A_755 = arith.constant 5 : i32
      %dma_wait3A_756 = arith.constant 0 : i32
      %dma_wait3A_757 = tpu.memref_slice %arg6[%dma_wait3A_754, %dma_wait3A_755, %dma_wait3A_756] : memref<2x8x128xi32, #tpu.memory_space<vmem>> -> memref<1x1x128xi32, #tpu.memory_space<vmem>>
      %dma_wait3A_758 = tpu.memref_squeeze %dma_wait3A_757 : memref<1x1x128xi32, #tpu.memory_space<vmem>> -> memref<128xi32, #tpu.memory_space<vmem>>
      %dma_wait3A_759 = arith.constant 0 : i32
      %dma_wait3A_760 = arith.constant 0 : i32
      %dma_wait3A_761 = tpu.memref_slice %arg11[%dma_wait3A_759, %dma_wait3A_760] : memref<10112x160xbf16, #tpu.memory_space<vmem_shared>> -> memref<10112x160xbf16, #tpu.memory_space<vmem_shared>>
      tpu.wait_indirect_dma semaphore(%arg13 : memref<!tpu.dma_semaphore, #tpu.memory_space<semaphore_mem>>) src(%dma_wait3A_761 : memref<10112x160xbf16, #tpu.memory_space<vmem_shared>>) dst(%arg9 : memref<128x160xbf16, #tpu.memory_space<vmem>>)
      %dma_start3A_762 = arith.constant 0 : i32
      %dma_start3A_763 = arith.constant 6 : i32
      %dma_start3A_764 = arith.constant 0 : i32
      %dma_start3A_765 = tpu.memref_slice %arg6[%dma_start3A_762, %dma_start3A_763, %dma_start3A_764] : memref<2x8x128xi32, #tpu.memory_space<vmem>> -> memref<1x1x128xi32, #tpu.memory_space<vmem>>
      %dma_start3A_766 = tpu.memref_squeeze %dma_start3A_765 : memref<1x1x128xi32, #tpu.memory_space<vmem>> -> memref<128xi32, #tpu.memory_space<vmem>>
      %dma_start3A_767 = arith.constant 0 : i32
      %dma_start3A_768 = arith.constant 0 : i32
      %dma_start3A_769 = tpu.memref_slice %arg11[%dma_start3A_767, %dma_start3A_768] : memref<10112x160xbf16, #tpu.memory_space<vmem_shared>> -> memref<10112x160xbf16, #tpu.memory_space<vmem_shared>>
      tpu.enqueue_indirect_dma source(%dma_start3A_769 : memref<10112x160xbf16, #tpu.memory_space<vmem_shared>>) target(%arg8 : memref<128x160xbf16, #tpu.memory_space<vmem>>) offsets(%dma_start3A_766 : memref<128xi32, #tpu.memory_space<vmem>>) semaphore(%arg12 : memref<!tpu.dma_semaphore, #tpu.memory_space<semaphore_mem>>)
      %run_scoped3A_770 = arith.constant 1 : i32
      %run_scoped3A_771 = arith.constant 5 : i32
      "tpu.region"() ({
        %run_scoped3A_1004 = tpu.sem_alloc : memref<!tpu.dma_semaphore, #tpu.memory_space<semaphore_mem>>
        %dma_start3A_1005 = arith.constant 0 : i32
        %dma_start3A_1006 = tpu.memref_slice %arg6[%run_scoped3A_770, %run_scoped3A_771, %dma_start3A_1005] : memref<2x8x128xi32, #tpu.memory_space<vmem>> -> memref<1x1x128xi32, #tpu.memory_space<vmem>>
        %dma_start3A_1007 = tpu.memref_squeeze %dma_start3A_1006 : memref<1x1x128xi32, #tpu.memory_space<vmem>> -> memref<128xi32, #tpu.memory_space<vmem>>
        %dma_start3A_1008 = arith.constant 0 : i32
        %dma_start3A_1009 = arith.constant 0 : i32
        %dma_start3A_1010 = tpu.memref_slice %arg10[%dma_start3A_1008, %dma_start3A_1009] : memref<10112x160xbf16, #tpu.memory_space<vmem_shared>> -> memref<10112x160xbf16, #tpu.memory_space<vmem_shared>>
        tpu.enqueue_indirect_dma source(%arg9 : memref<128x160xbf16, #tpu.memory_space<vmem>>) target(%dma_start3A_1010 : memref<10112x160xbf16, #tpu.memory_space<vmem_shared>>) offsets(%dma_start3A_1007 : memref<128xi32, #tpu.memory_space<vmem>>) semaphore(%run_scoped3A_1004 : memref<!tpu.dma_semaphore, #tpu.memory_space<semaphore_mem>>) {add = true}
        %dma_wait3A_1011 = arith.constant 0 : i32
        %dma_wait3A_1012 = tpu.memref_slice %arg6[%run_scoped3A_770, %run_scoped3A_771, %dma_wait3A_1011] : memref<2x8x128xi32, #tpu.memory_space<vmem>> -> memref<1x1x128xi32, #tpu.memory_space<vmem>>
        %dma_wait3A_1013 = tpu.memref_squeeze %dma_wait3A_1012 : memref<1x1x128xi32, #tpu.memory_space<vmem>> -> memref<128xi32, #tpu.memory_space<vmem>>
        %dma_wait3A_1014 = arith.constant 0 : i32
        %dma_wait3A_1015 = arith.constant 0 : i32
        %dma_wait3A_1016 = tpu.memref_slice %arg10[%dma_wait3A_1014, %dma_wait3A_1015] : memref<10112x160xbf16, #tpu.memory_space<vmem_shared>> -> memref<10112x160xbf16, #tpu.memory_space<vmem_shared>>
        tpu.wait_indirect_dma semaphore(%run_scoped3A_1004 : memref<!tpu.dma_semaphore, #tpu.memory_space<semaphore_mem>>) src(%arg9 : memref<128x160xbf16, #tpu.memory_space<vmem>>) dst(%dma_wait3A_1016 : memref<10112x160xbf16, #tpu.memory_space<vmem_shared>>)
        tpu.yield
      }) : () -> ()
      %dma_wait3A_772 = arith.constant 0 : i32
      %dma_wait3A_773 = arith.constant 6 : i32
      %dma_wait3A_774 = arith.constant 0 : i32
      %dma_wait3A_775 = tpu.memref_slice %arg6[%dma_wait3A_772, %dma_wait3A_773, %dma_wait3A_774] : memref<2x8x128xi32, #tpu.memory_space<vmem>> -> memref<1x1x128xi32, #tpu.memory_space<vmem>>
      %dma_wait3A_776 = tpu.memref_squeeze %dma_wait3A_775 : memref<1x1x128xi32, #tpu.memory_space<vmem>> -> memref<128xi32, #tpu.memory_space<vmem>>
      %dma_wait3A_777 = arith.constant 0 : i32
      %dma_wait3A_778 = arith.constant 0 : i32
      %dma_wait3A_779 = tpu.memref_slice %arg11[%dma_wait3A_777, %dma_wait3A_778] : memref<10112x160xbf16, #tpu.memory_space<vmem_shared>> -> memref<10112x160xbf16, #tpu.memory_space<vmem_shared>>
      tpu.wait_indirect_dma semaphore(%arg12 : memref<!tpu.dma_semaphore, #tpu.memory_space<semaphore_mem>>) src(%dma_wait3A_779 : memref<10112x160xbf16, #tpu.memory_space<vmem_shared>>) dst(%arg8 : memref<128x160xbf16, #tpu.memory_space<vmem>>)
      %dma_start3A_780 = arith.constant 0 : i32
      %dma_start3A_781 = arith.constant 7 : i32
      %dma_start3A_782 = arith.constant 0 : i32
      %dma_start3A_783 = tpu.memref_slice %arg6[%dma_start3A_780, %dma_start3A_781, %dma_start3A_782] : memref<2x8x128xi32, #tpu.memory_space<vmem>> -> memref<1x1x128xi32, #tpu.memory_space<vmem>>
      %dma_start3A_784 = tpu.memref_squeeze %dma_start3A_783 : memref<1x1x128xi32, #tpu.memory_space<vmem>> -> memref<128xi32, #tpu.memory_space<vmem>>
      %dma_start3A_785 = arith.constant 0 : i32
      %dma_start3A_786 = arith.constant 0 : i32
      %dma_start3A_787 = tpu.memref_slice %arg11[%dma_start3A_785, %dma_start3A_786] : memref<10112x160xbf16, #tpu.memory_space<vmem_shared>> -> memref<10112x160xbf16, #tpu.memory_space<vmem_shared>>
      tpu.enqueue_indirect_dma source(%dma_start3A_787 : memref<10112x160xbf16, #tpu.memory_space<vmem_shared>>) target(%arg9 : memref<128x160xbf16, #tpu.memory_space<vmem>>) offsets(%dma_start3A_784 : memref<128xi32, #tpu.memory_space<vmem>>) semaphore(%arg13 : memref<!tpu.dma_semaphore, #tpu.memory_space<semaphore_mem>>)
      %run_scoped3A_788 = arith.constant 1 : i32
      %run_scoped3A_789 = arith.constant 6 : i32
      "tpu.region"() ({
        %run_scoped3A_1004 = tpu.sem_alloc : memref<!tpu.dma_semaphore, #tpu.memory_space<semaphore_mem>>
        %dma_start3A_1005 = arith.constant 0 : i32
        %dma_start3A_1006 = tpu.memref_slice %arg6[%run_scoped3A_788, %run_scoped3A_789, %dma_start3A_1005] : memref<2x8x128xi32, #tpu.memory_space<vmem>> -> memref<1x1x128xi32, #tpu.memory_space<vmem>>
        %dma_start3A_1007 = tpu.memref_squeeze %dma_start3A_1006 : memref<1x1x128xi32, #tpu.memory_space<vmem>> -> memref<128xi32, #tpu.memory_space<vmem>>
        %dma_start3A_1008 = arith.constant 0 : i32
        %dma_start3A_1009 = arith.constant 0 : i32
        %dma_start3A_1010 = tpu.memref_slice %arg10[%dma_start3A_1008, %dma_start3A_1009] : memref<10112x160xbf16, #tpu.memory_space<vmem_shared>> -> memref<10112x160xbf16, #tpu.memory_space<vmem_shared>>
        tpu.enqueue_indirect_dma source(%arg8 : memref<128x160xbf16, #tpu.memory_space<vmem>>) target(%dma_start3A_1010 : memref<10112x160xbf16, #tpu.memory_space<vmem_shared>>) offsets(%dma_start3A_1007 : memref<128xi32, #tpu.memory_space<vmem>>) semaphore(%run_scoped3A_1004 : memref<!tpu.dma_semaphore, #tpu.memory_space<semaphore_mem>>) {add = true}
        %dma_wait3A_1011 = arith.constant 0 : i32
        %dma_wait3A_1012 = tpu.memref_slice %arg6[%run_scoped3A_788, %run_scoped3A_789, %dma_wait3A_1011] : memref<2x8x128xi32, #tpu.memory_space<vmem>> -> memref<1x1x128xi32, #tpu.memory_space<vmem>>
        %dma_wait3A_1013 = tpu.memref_squeeze %dma_wait3A_1012 : memref<1x1x128xi32, #tpu.memory_space<vmem>> -> memref<128xi32, #tpu.memory_space<vmem>>
        %dma_wait3A_1014 = arith.constant 0 : i32
        %dma_wait3A_1015 = arith.constant 0 : i32
        %dma_wait3A_1016 = tpu.memref_slice %arg10[%dma_wait3A_1014, %dma_wait3A_1015] : memref<10112x160xbf16, #tpu.memory_space<vmem_shared>> -> memref<10112x160xbf16, #tpu.memory_space<vmem_shared>>
        tpu.wait_indirect_dma semaphore(%run_scoped3A_1004 : memref<!tpu.dma_semaphore, #tpu.memory_space<semaphore_mem>>) src(%arg8 : memref<128x160xbf16, #tpu.memory_space<vmem>>) dst(%dma_wait3A_1016 : memref<10112x160xbf16, #tpu.memory_space<vmem_shared>>)
        tpu.yield
      }) : () -> ()
      %dma_wait3A_790 = arith.constant 0 : i32
      %dma_wait3A_791 = arith.constant 7 : i32
      %dma_wait3A_792 = arith.constant 0 : i32
      %dma_wait3A_793 = tpu.memref_slice %arg6[%dma_wait3A_790, %dma_wait3A_791, %dma_wait3A_792] : memref<2x8x128xi32, #tpu.memory_space<vmem>> -> memref<1x1x128xi32, #tpu.memory_space<vmem>>
      %dma_wait3A_794 = tpu.memref_squeeze %dma_wait3A_793 : memref<1x1x128xi32, #tpu.memory_space<vmem>> -> memref<128xi32, #tpu.memory_space<vmem>>
      %dma_wait3A_795 = arith.constant 0 : i32
      %dma_wait3A_796 = arith.constant 0 : i32
      %dma_wait3A_797 = tpu.memref_slice %arg11[%dma_wait3A_795, %dma_wait3A_796] : memref<10112x160xbf16, #tpu.memory_space<vmem_shared>> -> memref<10112x160xbf16, #tpu.memory_space<vmem_shared>>
      tpu.wait_indirect_dma semaphore(%arg13 : memref<!tpu.dma_semaphore, #tpu.memory_space<semaphore_mem>>) src(%dma_wait3A_797 : memref<10112x160xbf16, #tpu.memory_space<vmem_shared>>) dst(%arg9 : memref<128x160xbf16, #tpu.memory_space<vmem>>)
      %add3A_798 = arith.constant 1 : i32
      %add3A_799 = arith.addi %mul3A_651, %add3A_798 : i32
      %dma_wait3A_800 = arith.constant 0 : i32
      %dma_wait3A_801 = arith.constant 0 : i32
      %dma_wait3A_802 = arith.constant 0 : i32
      %dma_wait3A_803 = tpu.memref_slice %arg3[%add3A, %add3A_799, %dma_wait3A_800, %dma_wait3A_801, %dma_wait3A_802] : memref<32x10x2x8x128xi32, #tpu.memory_space<hbm>> -> memref<1x1x2x8x128xi32, #tpu.memory_space<hbm>>
      %dma_wait3A_804 = tpu.memref_squeeze %dma_wait3A_803 : memref<1x1x2x8x128xi32, #tpu.memory_space<hbm>> -> memref<2x8x128xi32, #tpu.memory_space<hbm>>
      %dma_wait3A_805 = arith.constant 0 : i32
      %dma_wait3A_806 = arith.constant 0 : i32
      %dma_wait3A_807 = arith.constant 0 : i32
      %dma_wait3A_808 = tpu.memref_slice %arg3[%add3A, %add3A_799, %dma_wait3A_805, %dma_wait3A_806, %dma_wait3A_807] : memref<32x10x2x8x128xi32, #tpu.memory_space<hbm>> -> memref<1x1x2x8x128xi32, #tpu.memory_space<hbm>>
      %dma_wait3A_809 = tpu.memref_squeeze %dma_wait3A_808 : memref<1x1x2x8x128xi32, #tpu.memory_space<hbm>> -> memref<2x8x128xi32, #tpu.memory_space<hbm>>
      tpu.wait_dma2 semaphore(%arg14 : memref<!tpu.dma_semaphore, #tpu.memory_space<semaphore_mem>>) src(%dma_wait3A_809 : memref<2x8x128xi32, #tpu.memory_space<hbm>>) dst(%arg7 : memref<2x8x128xi32, #tpu.memory_space<vmem>>)
      %dma_start3A_810 = arith.constant 0 : i32
      %dma_start3A_811 = arith.constant 0 : i32
      %dma_start3A_812 = arith.constant 0 : i32
      %dma_start3A_813 = tpu.memref_slice %arg7[%dma_start3A_810, %dma_start3A_811, %dma_start3A_812] : memref<2x8x128xi32, #tpu.memory_space<vmem>> -> memref<1x1x128xi32, #tpu.memory_space<vmem>>
      %dma_start3A_814 = tpu.memref_squeeze %dma_start3A_813 : memref<1x1x128xi32, #tpu.memory_space<vmem>> -> memref<128xi32, #tpu.memory_space<vmem>>
      %dma_start3A_815 = arith.constant 0 : i32
      %dma_start3A_816 = arith.constant 0 : i32
      %dma_start3A_817 = tpu.memref_slice %arg11[%dma_start3A_815, %dma_start3A_816] : memref<10112x160xbf16, #tpu.memory_space<vmem_shared>> -> memref<10112x160xbf16, #tpu.memory_space<vmem_shared>>
      tpu.enqueue_indirect_dma source(%dma_start3A_817 : memref<10112x160xbf16, #tpu.memory_space<vmem_shared>>) target(%arg8 : memref<128x160xbf16, #tpu.memory_space<vmem>>) offsets(%dma_start3A_814 : memref<128xi32, #tpu.memory_space<vmem>>) semaphore(%arg12 : memref<!tpu.dma_semaphore, #tpu.memory_space<semaphore_mem>>)
      %run_scoped3A_818 = arith.constant 1 : i32
      %run_scoped3A_819 = arith.constant 7 : i32
      "tpu.region"() ({
        %run_scoped3A_1004 = tpu.sem_alloc : memref<!tpu.dma_semaphore, #tpu.memory_space<semaphore_mem>>
        %dma_start3A_1005 = arith.constant 0 : i32
        %dma_start3A_1006 = tpu.memref_slice %arg6[%run_scoped3A_818, %run_scoped3A_819, %dma_start3A_1005] : memref<2x8x128xi32, #tpu.memory_space<vmem>> -> memref<1x1x128xi32, #tpu.memory_space<vmem>>
        %dma_start3A_1007 = tpu.memref_squeeze %dma_start3A_1006 : memref<1x1x128xi32, #tpu.memory_space<vmem>> -> memref<128xi32, #tpu.memory_space<vmem>>
        %dma_start3A_1008 = arith.constant 0 : i32
        %dma_start3A_1009 = arith.constant 0 : i32
        %dma_start3A_1010 = tpu.memref_slice %arg10[%dma_start3A_1008, %dma_start3A_1009] : memref<10112x160xbf16, #tpu.memory_space<vmem_shared>> -> memref<10112x160xbf16, #tpu.memory_space<vmem_shared>>
        tpu.enqueue_indirect_dma source(%arg9 : memref<128x160xbf16, #tpu.memory_space<vmem>>) target(%dma_start3A_1010 : memref<10112x160xbf16, #tpu.memory_space<vmem_shared>>) offsets(%dma_start3A_1007 : memref<128xi32, #tpu.memory_space<vmem>>) semaphore(%run_scoped3A_1004 : memref<!tpu.dma_semaphore, #tpu.memory_space<semaphore_mem>>) {add = true}
        %dma_wait3A_1011 = arith.constant 0 : i32
        %dma_wait3A_1012 = tpu.memref_slice %arg6[%run_scoped3A_818, %run_scoped3A_819, %dma_wait3A_1011] : memref<2x8x128xi32, #tpu.memory_space<vmem>> -> memref<1x1x128xi32, #tpu.memory_space<vmem>>
        %dma_wait3A_1013 = tpu.memref_squeeze %dma_wait3A_1012 : memref<1x1x128xi32, #tpu.memory_space<vmem>> -> memref<128xi32, #tpu.memory_space<vmem>>
        %dma_wait3A_1014 = arith.constant 0 : i32
        %dma_wait3A_1015 = arith.constant 0 : i32
        %dma_wait3A_1016 = tpu.memref_slice %arg10[%dma_wait3A_1014, %dma_wait3A_1015] : memref<10112x160xbf16, #tpu.memory_space<vmem_shared>> -> memref<10112x160xbf16, #tpu.memory_space<vmem_shared>>
        tpu.wait_indirect_dma semaphore(%run_scoped3A_1004 : memref<!tpu.dma_semaphore, #tpu.memory_space<semaphore_mem>>) src(%arg9 : memref<128x160xbf16, #tpu.memory_space<vmem>>) dst(%dma_wait3A_1016 : memref<10112x160xbf16, #tpu.memory_space<vmem_shared>>)
        tpu.yield
      }) : () -> ()
      %add3A_820 = arith.constant 1 : i32
      %add3A_821 = arith.addi %mul3A_651, %add3A_820 : i32
      %dma_wait3A_822 = arith.constant 0 : i32
      %dma_wait3A_823 = arith.constant 0 : i32
      %dma_wait3A_824 = arith.constant 0 : i32
      %dma_wait3A_825 = tpu.memref_slice %arg7[%dma_wait3A_822, %dma_wait3A_823, %dma_wait3A_824] : memref<2x8x128xi32, #tpu.memory_space<vmem>> -> memref<1x1x128xi32, #tpu.memory_space<vmem>>
      %dma_wait3A_826 = tpu.memref_squeeze %dma_wait3A_825 : memref<1x1x128xi32, #tpu.memory_space<vmem>> -> memref<128xi32, #tpu.memory_space<vmem>>
      %dma_wait3A_827 = arith.constant 0 : i32
      %dma_wait3A_828 = arith.constant 0 : i32
      %dma_wait3A_829 = tpu.memref_slice %arg11[%dma_wait3A_827, %dma_wait3A_828] : memref<10112x160xbf16, #tpu.memory_space<vmem_shared>> -> memref<10112x160xbf16, #tpu.memory_space<vmem_shared>>
      tpu.wait_indirect_dma semaphore(%arg12 : memref<!tpu.dma_semaphore, #tpu.memory_space<semaphore_mem>>) src(%dma_wait3A_829 : memref<10112x160xbf16, #tpu.memory_space<vmem_shared>>) dst(%arg8 : memref<128x160xbf16, #tpu.memory_space<vmem>>)
      %dma_start3A_830 = arith.constant 0 : i32
      %dma_start3A_831 = arith.constant 1 : i32
      %dma_start3A_832 = arith.constant 0 : i32
      %dma_start3A_833 = tpu.memref_slice %arg7[%dma_start3A_830, %dma_start3A_831, %dma_start3A_832] : memref<2x8x128xi32, #tpu.memory_space<vmem>> -> memref<1x1x128xi32, #tpu.memory_space<vmem>>
      %dma_start3A_834 = tpu.memref_squeeze %dma_start3A_833 : memref<1x1x128xi32, #tpu.memory_space<vmem>> -> memref<128xi32, #tpu.memory_space<vmem>>
      %dma_start3A_835 = arith.constant 0 : i32
      %dma_start3A_836 = arith.constant 0 : i32
      %dma_start3A_837 = tpu.memref_slice %arg11[%dma_start3A_835, %dma_start3A_836] : memref<10112x160xbf16, #tpu.memory_space<vmem_shared>> -> memref<10112x160xbf16, #tpu.memory_space<vmem_shared>>
      tpu.enqueue_indirect_dma source(%dma_start3A_837 : memref<10112x160xbf16, #tpu.memory_space<vmem_shared>>) target(%arg9 : memref<128x160xbf16, #tpu.memory_space<vmem>>) offsets(%dma_start3A_834 : memref<128xi32, #tpu.memory_space<vmem>>) semaphore(%arg13 : memref<!tpu.dma_semaphore, #tpu.memory_space<semaphore_mem>>)
      %run_scoped3A_838 = arith.constant 1 : i32
      %run_scoped3A_839 = arith.constant 0 : i32
      "tpu.region"() ({
        %run_scoped3A_1004 = tpu.sem_alloc : memref<!tpu.dma_semaphore, #tpu.memory_space<semaphore_mem>>
        %dma_start3A_1005 = arith.constant 0 : i32
        %dma_start3A_1006 = tpu.memref_slice %arg7[%run_scoped3A_838, %run_scoped3A_839, %dma_start3A_1005] : memref<2x8x128xi32, #tpu.memory_space<vmem>> -> memref<1x1x128xi32, #tpu.memory_space<vmem>>
        %dma_start3A_1007 = tpu.memref_squeeze %dma_start3A_1006 : memref<1x1x128xi32, #tpu.memory_space<vmem>> -> memref<128xi32, #tpu.memory_space<vmem>>
        %dma_start3A_1008 = arith.constant 0 : i32
        %dma_start3A_1009 = arith.constant 0 : i32
        %dma_start3A_1010 = tpu.memref_slice %arg10[%dma_start3A_1008, %dma_start3A_1009] : memref<10112x160xbf16, #tpu.memory_space<vmem_shared>> -> memref<10112x160xbf16, #tpu.memory_space<vmem_shared>>
        tpu.enqueue_indirect_dma source(%arg8 : memref<128x160xbf16, #tpu.memory_space<vmem>>) target(%dma_start3A_1010 : memref<10112x160xbf16, #tpu.memory_space<vmem_shared>>) offsets(%dma_start3A_1007 : memref<128xi32, #tpu.memory_space<vmem>>) semaphore(%run_scoped3A_1004 : memref<!tpu.dma_semaphore, #tpu.memory_space<semaphore_mem>>) {add = true}
        %dma_wait3A_1011 = arith.constant 0 : i32
        %dma_wait3A_1012 = tpu.memref_slice %arg7[%run_scoped3A_838, %run_scoped3A_839, %dma_wait3A_1011] : memref<2x8x128xi32, #tpu.memory_space<vmem>> -> memref<1x1x128xi32, #tpu.memory_space<vmem>>
        %dma_wait3A_1013 = tpu.memref_squeeze %dma_wait3A_1012 : memref<1x1x128xi32, #tpu.memory_space<vmem>> -> memref<128xi32, #tpu.memory_space<vmem>>
        %dma_wait3A_1014 = arith.constant 0 : i32
        %dma_wait3A_1015 = arith.constant 0 : i32
        %dma_wait3A_1016 = tpu.memref_slice %arg10[%dma_wait3A_1014, %dma_wait3A_1015] : memref<10112x160xbf16, #tpu.memory_space<vmem_shared>> -> memref<10112x160xbf16, #tpu.memory_space<vmem_shared>>
        tpu.wait_indirect_dma semaphore(%run_scoped3A_1004 : memref<!tpu.dma_semaphore, #tpu.memory_space<semaphore_mem>>) src(%arg8 : memref<128x160xbf16, #tpu.memory_space<vmem>>) dst(%dma_wait3A_1016 : memref<10112x160xbf16, #tpu.memory_space<vmem_shared>>)
        tpu.yield
      }) : () -> ()
      %add3A_840 = arith.constant 1 : i32
      %add3A_841 = arith.addi %add3A_821, %add3A_840 : i32
      %dma_start3A_842 = arith.constant 0 : i32
      %dma_start3A_843 = arith.constant 0 : i32
      %dma_start3A_844 = arith.constant 0 : i32
      %dma_start3A_845 = tpu.memref_slice %arg3[%add3A, %add3A_841, %dma_start3A_842, %dma_start3A_843, %dma_start3A_844] : memref<32x10x2x8x128xi32, #tpu.memory_space<hbm>> -> memref<1x1x2x8x128xi32, #tpu.memory_space<hbm>>
      %dma_start3A_846 = tpu.memref_squeeze %dma_start3A_845 : memref<1x1x2x8x128xi32, #tpu.memory_space<hbm>> -> memref<2x8x128xi32, #tpu.memory_space<hbm>>
      %dma_start3A_847 = arith.constant 0 : i32
      %dma_start3A_848 = arith.constant 0 : i32
      %dma_start3A_849 = arith.constant 0 : i32
      %dma_start3A_850 = tpu.memref_slice %arg3[%add3A, %add3A_841, %dma_start3A_847, %dma_start3A_848, %dma_start3A_849] : memref<32x10x2x8x128xi32, #tpu.memory_space<hbm>> -> memref<1x1x2x8x128xi32, #tpu.memory_space<hbm>>
      %dma_start3A_851 = tpu.memref_squeeze %dma_start3A_850 : memref<1x1x2x8x128xi32, #tpu.memory_space<hbm>> -> memref<2x8x128xi32, #tpu.memory_space<hbm>>
      tpu.enqueue_dma source(%dma_start3A_851 : memref<2x8x128xi32, #tpu.memory_space<hbm>>) target(%arg6 : memref<2x8x128xi32, #tpu.memory_space<vmem>>) target_semaphore(%arg14 : memref<!tpu.dma_semaphore, #tpu.memory_space<semaphore_mem>>)
      %add3A_852 = arith.constant 1 : i32
      %add3A_853 = arith.addi %mul3A_651, %add3A_852 : i32
      %dma_wait3A_854 = arith.constant 0 : i32
      %dma_wait3A_855 = arith.constant 1 : i32
      %dma_wait3A_856 = arith.constant 0 : i32
      %dma_wait3A_857 = tpu.memref_slice %arg7[%dma_wait3A_854, %dma_wait3A_855, %dma_wait3A_856] : memref<2x8x128xi32, #tpu.memory_space<vmem>> -> memref<1x1x128xi32, #tpu.memory_space<vmem>>
      %dma_wait3A_858 = tpu.memref_squeeze %dma_wait3A_857 : memref<1x1x128xi32, #tpu.memory_space<vmem>> -> memref<128xi32, #tpu.memory_space<vmem>>
      %dma_wait3A_859 = arith.constant 0 : i32
      %dma_wait3A_860 = arith.constant 0 : i32
      %dma_wait3A_861 = tpu.memref_slice %arg11[%dma_wait3A_859, %dma_wait3A_860] : memref<10112x160xbf16, #tpu.memory_space<vmem_shared>> -> memref<10112x160xbf16, #tpu.memory_space<vmem_shared>>
      tpu.wait_indirect_dma semaphore(%arg13 : memref<!tpu.dma_semaphore, #tpu.memory_space<semaphore_mem>>) src(%dma_wait3A_861 : memref<10112x160xbf16, #tpu.memory_space<vmem_shared>>) dst(%arg9 : memref<128x160xbf16, #tpu.memory_space<vmem>>)
      %dma_start3A_862 = arith.constant 0 : i32
      %dma_start3A_863 = arith.constant 2 : i32
      %dma_start3A_864 = arith.constant 0 : i32
      %dma_start3A_865 = tpu.memref_slice %arg7[%dma_start3A_862, %dma_start3A_863, %dma_start3A_864] : memref<2x8x128xi32, #tpu.memory_space<vmem>> -> memref<1x1x128xi32, #tpu.memory_space<vmem>>
      %dma_start3A_866 = tpu.memref_squeeze %dma_start3A_865 : memref<1x1x128xi32, #tpu.memory_space<vmem>> -> memref<128xi32, #tpu.memory_space<vmem>>
      %dma_start3A_867 = arith.constant 0 : i32
      %dma_start3A_868 = arith.constant 0 : i32
      %dma_start3A_869 = tpu.memref_slice %arg11[%dma_start3A_867, %dma_start3A_868] : memref<10112x160xbf16, #tpu.memory_space<vmem_shared>> -> memref<10112x160xbf16, #tpu.memory_space<vmem_shared>>
      tpu.enqueue_indirect_dma source(%dma_start3A_869 : memref<10112x160xbf16, #tpu.memory_space<vmem_shared>>) target(%arg8 : memref<128x160xbf16, #tpu.memory_space<vmem>>) offsets(%dma_start3A_866 : memref<128xi32, #tpu.memory_space<vmem>>) semaphore(%arg12 : memref<!tpu.dma_semaphore, #tpu.memory_space<semaphore_mem>>)
      %run_scoped3A_870 = arith.constant 1 : i32
      %run_scoped3A_871 = arith.constant 1 : i32
      "tpu.region"() ({
        %run_scoped3A_1004 = tpu.sem_alloc : memref<!tpu.dma_semaphore, #tpu.memory_space<semaphore_mem>>
        %dma_start3A_1005 = arith.constant 0 : i32
        %dma_start3A_1006 = tpu.memref_slice %arg7[%run_scoped3A_870, %run_scoped3A_871, %dma_start3A_1005] : memref<2x8x128xi32, #tpu.memory_space<vmem>> -> memref<1x1x128xi32, #tpu.memory_space<vmem>>
        %dma_start3A_1007 = tpu.memref_squeeze %dma_start3A_1006 : memref<1x1x128xi32, #tpu.memory_space<vmem>> -> memref<128xi32, #tpu.memory_space<vmem>>
        %dma_start3A_1008 = arith.constant 0 : i32
        %dma_start3A_1009 = arith.constant 0 : i32
        %dma_start3A_1010 = tpu.memref_slice %arg10[%dma_start3A_1008, %dma_start3A_1009] : memref<10112x160xbf16, #tpu.memory_space<vmem_shared>> -> memref<10112x160xbf16, #tpu.memory_space<vmem_shared>>
        tpu.enqueue_indirect_dma source(%arg9 : memref<128x160xbf16, #tpu.memory_space<vmem>>) target(%dma_start3A_1010 : memref<10112x160xbf16, #tpu.memory_space<vmem_shared>>) offsets(%dma_start3A_1007 : memref<128xi32, #tpu.memory_space<vmem>>) semaphore(%run_scoped3A_1004 : memref<!tpu.dma_semaphore, #tpu.memory_space<semaphore_mem>>) {add = true}
        %dma_wait3A_1011 = arith.constant 0 : i32
        %dma_wait3A_1012 = tpu.memref_slice %arg7[%run_scoped3A_870, %run_scoped3A_871, %dma_wait3A_1011] : memref<2x8x128xi32, #tpu.memory_space<vmem>> -> memref<1x1x128xi32, #tpu.memory_space<vmem>>
        %dma_wait3A_1013 = tpu.memref_squeeze %dma_wait3A_1012 : memref<1x1x128xi32, #tpu.memory_space<vmem>> -> memref<128xi32, #tpu.memory_space<vmem>>
        %dma_wait3A_1014 = arith.constant 0 : i32
        %dma_wait3A_1015 = arith.constant 0 : i32
        %dma_wait3A_1016 = tpu.memref_slice %arg10[%dma_wait3A_1014, %dma_wait3A_1015] : memref<10112x160xbf16, #tpu.memory_space<vmem_shared>> -> memref<10112x160xbf16, #tpu.memory_space<vmem_shared>>
        tpu.wait_indirect_dma semaphore(%run_scoped3A_1004 : memref<!tpu.dma_semaphore, #tpu.memory_space<semaphore_mem>>) src(%arg9 : memref<128x160xbf16, #tpu.memory_space<vmem>>) dst(%dma_wait3A_1016 : memref<10112x160xbf16, #tpu.memory_space<vmem_shared>>)
        tpu.yield
      }) : () -> ()
      %add3A_872 = arith.constant 1 : i32
      %add3A_873 = arith.addi %mul3A_651, %add3A_872 : i32
      %dma_wait3A_874 = arith.constant 0 : i32
      %dma_wait3A_875 = arith.constant 2 : i32
      %dma_wait3A_876 = arith.constant 0 : i32
      %dma_wait3A_877 = tpu.memref_slice %arg7[%dma_wait3A_874, %dma_wait3A_875, %dma_wait3A_876] : memref<2x8x128xi32, #tpu.memory_space<vmem>> -> memref<1x1x128xi32, #tpu.memory_space<vmem>>
      %dma_wait3A_878 = tpu.memref_squeeze %dma_wait3A_877 : memref<1x1x128xi32, #tpu.memory_space<vmem>> -> memref<128xi32, #tpu.memory_space<vmem>>
      %dma_wait3A_879 = arith.constant 0 : i32
      %dma_wait3A_880 = arith.constant 0 : i32
      %dma_wait3A_881 = tpu.memref_slice %arg11[%dma_wait3A_879, %dma_wait3A_880] : memref<10112x160xbf16, #tpu.memory_space<vmem_shared>> -> memref<10112x160xbf16, #tpu.memory_space<vmem_shared>>
      tpu.wait_indirect_dma semaphore(%arg12 : memref<!tpu.dma_semaphore, #tpu.memory_space<semaphore_mem>>) src(%dma_wait3A_881 : memref<10112x160xbf16, #tpu.memory_space<vmem_shared>>) dst(%arg8 : memref<128x160xbf16, #tpu.memory_space<vmem>>)
      %dma_start3A_882 = arith.constant 0 : i32
      %dma_start3A_883 = arith.constant 3 : i32
      %dma_start3A_884 = arith.constant 0 : i32
      %dma_start3A_885 = tpu.memref_slice %arg7[%dma_start3A_882, %dma_start3A_883, %dma_start3A_884] : memref<2x8x128xi32, #tpu.memory_space<vmem>> -> memref<1x1x128xi32, #tpu.memory_space<vmem>>
      %dma_start3A_886 = tpu.memref_squeeze %dma_start3A_885 : memref<1x1x128xi32, #tpu.memory_space<vmem>> -> memref<128xi32, #tpu.memory_space<vmem>>
      %dma_start3A_887 = arith.constant 0 : i32
      %dma_start3A_888 = arith.constant 0 : i32
      %dma_start3A_889 = tpu.memref_slice %arg11[%dma_start3A_887, %dma_start3A_888] : memref<10112x160xbf16, #tpu.memory_space<vmem_shared>> -> memref<10112x160xbf16, #tpu.memory_space<vmem_shared>>
      tpu.enqueue_indirect_dma source(%dma_start3A_889 : memref<10112x160xbf16, #tpu.memory_space<vmem_shared>>) target(%arg9 : memref<128x160xbf16, #tpu.memory_space<vmem>>) offsets(%dma_start3A_886 : memref<128xi32, #tpu.memory_space<vmem>>) semaphore(%arg13 : memref<!tpu.dma_semaphore, #tpu.memory_space<semaphore_mem>>)
      %run_scoped3A_890 = arith.constant 1 : i32
      %run_scoped3A_891 = arith.constant 2 : i32
      "tpu.region"() ({
        %run_scoped3A_1004 = tpu.sem_alloc : memref<!tpu.dma_semaphore, #tpu.memory_space<semaphore_mem>>
        %dma_start3A_1005 = arith.constant 0 : i32
        %dma_start3A_1006 = tpu.memref_slice %arg7[%run_scoped3A_890, %run_scoped3A_891, %dma_start3A_1005] : memref<2x8x128xi32, #tpu.memory_space<vmem>> -> memref<1x1x128xi32, #tpu.memory_space<vmem>>
        %dma_start3A_1007 = tpu.memref_squeeze %dma_start3A_1006 : memref<1x1x128xi32, #tpu.memory_space<vmem>> -> memref<128xi32, #tpu.memory_space<vmem>>
        %dma_start3A_1008 = arith.constant 0 : i32
        %dma_start3A_1009 = arith.constant 0 : i32
        %dma_start3A_1010 = tpu.memref_slice %arg10[%dma_start3A_1008, %dma_start3A_1009] : memref<10112x160xbf16, #tpu.memory_space<vmem_shared>> -> memref<10112x160xbf16, #tpu.memory_space<vmem_shared>>
        tpu.enqueue_indirect_dma source(%arg8 : memref<128x160xbf16, #tpu.memory_space<vmem>>) target(%dma_start3A_1010 : memref<10112x160xbf16, #tpu.memory_space<vmem_shared>>) offsets(%dma_start3A_1007 : memref<128xi32, #tpu.memory_space<vmem>>) semaphore(%run_scoped3A_1004 : memref<!tpu.dma_semaphore, #tpu.memory_space<semaphore_mem>>) {add = true}
        %dma_wait3A_1011 = arith.constant 0 : i32
        %dma_wait3A_1012 = tpu.memref_slice %arg7[%run_scoped3A_890, %run_scoped3A_891, %dma_wait3A_1011] : memref<2x8x128xi32, #tpu.memory_space<vmem>> -> memref<1x1x128xi32, #tpu.memory_space<vmem>>
        %dma_wait3A_1013 = tpu.memref_squeeze %dma_wait3A_1012 : memref<1x1x128xi32, #tpu.memory_space<vmem>> -> memref<128xi32, #tpu.memory_space<vmem>>
        %dma_wait3A_1014 = arith.constant 0 : i32
        %dma_wait3A_1015 = arith.constant 0 : i32
        %dma_wait3A_1016 = tpu.memref_slice %arg10[%dma_wait3A_1014, %dma_wait3A_1015] : memref<10112x160xbf16, #tpu.memory_space<vmem_shared>> -> memref<10112x160xbf16, #tpu.memory_space<vmem_shared>>
        tpu.wait_indirect_dma semaphore(%run_scoped3A_1004 : memref<!tpu.dma_semaphore, #tpu.memory_space<semaphore_mem>>) src(%arg8 : memref<128x160xbf16, #tpu.memory_space<vmem>>) dst(%dma_wait3A_1016 : memref<10112x160xbf16, #tpu.memory_space<vmem_shared>>)
        tpu.yield
      }) : () -> ()
      %add3A_892 = arith.constant 1 : i32
      %add3A_893 = arith.addi %mul3A_651, %add3A_892 : i32
      %dma_wait3A_894 = arith.constant 0 : i32
      %dma_wait3A_895 = arith.constant 3 : i32
      %dma_wait3A_896 = arith.constant 0 : i32
      %dma_wait3A_897 = tpu.memref_slice %arg7[%dma_wait3A_894, %dma_wait3A_895, %dma_wait3A_896] : memref<2x8x128xi32, #tpu.memory_space<vmem>> -> memref<1x1x128xi32, #tpu.memory_space<vmem>>
      %dma_wait3A_898 = tpu.memref_squeeze %dma_wait3A_897 : memref<1x1x128xi32, #tpu.memory_space<vmem>> -> memref<128xi32, #tpu.memory_space<vmem>>
      %dma_wait3A_899 = arith.constant 0 : i32
      %dma_wait3A_900 = arith.constant 0 : i32
      %dma_wait3A_901 = tpu.memref_slice %arg11[%dma_wait3A_899, %dma_wait3A_900] : memref<10112x160xbf16, #tpu.memory_space<vmem_shared>> -> memref<10112x160xbf16, #tpu.memory_space<vmem_shared>>
      tpu.wait_indirect_dma semaphore(%arg13 : memref<!tpu.dma_semaphore, #tpu.memory_space<semaphore_mem>>) src(%dma_wait3A_901 : memref<10112x160xbf16, #tpu.memory_space<vmem_shared>>) dst(%arg9 : memref<128x160xbf16, #tpu.memory_space<vmem>>)
      %dma_start3A_902 = arith.constant 0 : i32
      %dma_start3A_903 = arith.constant 4 : i32
      %dma_start3A_904 = arith.constant 0 : i32
      %dma_start3A_905 = tpu.memref_slice %arg7[%dma_start3A_902, %dma_start3A_903, %dma_start3A_904] : memref<2x8x128xi32, #tpu.memory_space<vmem>> -> memref<1x1x128xi32, #tpu.memory_space<vmem>>
      %dma_start3A_906 = tpu.memref_squeeze %dma_start3A_905 : memref<1x1x128xi32, #tpu.memory_space<vmem>> -> memref<128xi32, #tpu.memory_space<vmem>>
      %dma_start3A_907 = arith.constant 0 : i32
      %dma_start3A_908 = arith.constant 0 : i32
      %dma_start3A_909 = tpu.memref_slice %arg11[%dma_start3A_907, %dma_start3A_908] : memref<10112x160xbf16, #tpu.memory_space<vmem_shared>> -> memref<10112x160xbf16, #tpu.memory_space<vmem_shared>>
      tpu.enqueue_indirect_dma source(%dma_start3A_909 : memref<10112x160xbf16, #tpu.memory_space<vmem_shared>>) target(%arg8 : memref<128x160xbf16, #tpu.memory_space<vmem>>) offsets(%dma_start3A_906 : memref<128xi32, #tpu.memory_space<vmem>>) semaphore(%arg12 : memref<!tpu.dma_semaphore, #tpu.memory_space<semaphore_mem>>)
      %run_scoped3A_910 = arith.constant 1 : i32
      %run_scoped3A_911 = arith.constant 3 : i32
      "tpu.region"() ({
        %run_scoped3A_1004 = tpu.sem_alloc : memref<!tpu.dma_semaphore, #tpu.memory_space<semaphore_mem>>
        %dma_start3A_1005 = arith.constant 0 : i32
        %dma_start3A_1006 = tpu.memref_slice %arg7[%run_scoped3A_910, %run_scoped3A_911, %dma_start3A_1005] : memref<2x8x128xi32, #tpu.memory_space<vmem>> -> memref<1x1x128xi32, #tpu.memory_space<vmem>>
        %dma_start3A_1007 = tpu.memref_squeeze %dma_start3A_1006 : memref<1x1x128xi32, #tpu.memory_space<vmem>> -> memref<128xi32, #tpu.memory_space<vmem>>
        %dma_start3A_1008 = arith.constant 0 : i32
        %dma_start3A_1009 = arith.constant 0 : i32
        %dma_start3A_1010 = tpu.memref_slice %arg10[%dma_start3A_1008, %dma_start3A_1009] : memref<10112x160xbf16, #tpu.memory_space<vmem_shared>> -> memref<10112x160xbf16, #tpu.memory_space<vmem_shared>>
        tpu.enqueue_indirect_dma source(%arg9 : memref<128x160xbf16, #tpu.memory_space<vmem>>) target(%dma_start3A_1010 : memref<10112x160xbf16, #tpu.memory_space<vmem_shared>>) offsets(%dma_start3A_1007 : memref<128xi32, #tpu.memory_space<vmem>>) semaphore(%run_scoped3A_1004 : memref<!tpu.dma_semaphore, #tpu.memory_space<semaphore_mem>>) {add = true}
        %dma_wait3A_1011 = arith.constant 0 : i32
        %dma_wait3A_1012 = tpu.memref_slice %arg7[%run_scoped3A_910, %run_scoped3A_911, %dma_wait3A_1011] : memref<2x8x128xi32, #tpu.memory_space<vmem>> -> memref<1x1x128xi32, #tpu.memory_space<vmem>>
        %dma_wait3A_1013 = tpu.memref_squeeze %dma_wait3A_1012 : memref<1x1x128xi32, #tpu.memory_space<vmem>> -> memref<128xi32, #tpu.memory_space<vmem>>
        %dma_wait3A_1014 = arith.constant 0 : i32
        %dma_wait3A_1015 = arith.constant 0 : i32
        %dma_wait3A_1016 = tpu.memref_slice %arg10[%dma_wait3A_1014, %dma_wait3A_1015] : memref<10112x160xbf16, #tpu.memory_space<vmem_shared>> -> memref<10112x160xbf16, #tpu.memory_space<vmem_shared>>
        tpu.wait_indirect_dma semaphore(%run_scoped3A_1004 : memref<!tpu.dma_semaphore, #tpu.memory_space<semaphore_mem>>) src(%arg9 : memref<128x160xbf16, #tpu.memory_space<vmem>>) dst(%dma_wait3A_1016 : memref<10112x160xbf16, #tpu.memory_space<vmem_shared>>)
        tpu.yield
      }) : () -> ()
      %add3A_912 = arith.constant 1 : i32
      %add3A_913 = arith.addi %mul3A_651, %add3A_912 : i32
      %dma_wait3A_914 = arith.constant 0 : i32
      %dma_wait3A_915 = arith.constant 4 : i32
      %dma_wait3A_916 = arith.constant 0 : i32
      %dma_wait3A_917 = tpu.memref_slice %arg7[%dma_wait3A_914, %dma_wait3A_915, %dma_wait3A_916] : memref<2x8x128xi32, #tpu.memory_space<vmem>> -> memref<1x1x128xi32, #tpu.memory_space<vmem>>
      %dma_wait3A_918 = tpu.memref_squeeze %dma_wait3A_917 : memref<1x1x128xi32, #tpu.memory_space<vmem>> -> memref<128xi32, #tpu.memory_space<vmem>>
      %dma_wait3A_919 = arith.constant 0 : i32
      %dma_wait3A_920 = arith.constant 0 : i32
      %dma_wait3A_921 = tpu.memref_slice %arg11[%dma_wait3A_919, %dma_wait3A_920] : memref<10112x160xbf16, #tpu.memory_space<vmem_shared>> -> memref<10112x160xbf16, #tpu.memory_space<vmem_shared>>
      tpu.wait_indirect_dma semaphore(%arg12 : memref<!tpu.dma_semaphore, #tpu.memory_space<semaphore_mem>>) src(%dma_wait3A_921 : memref<10112x160xbf16, #tpu.memory_space<vmem_shared>>) dst(%arg8 : memref<128x160xbf16, #tpu.memory_space<vmem>>)
      %dma_start3A_922 = arith.constant 0 : i32
      %dma_start3A_923 = arith.constant 5 : i32
      %dma_start3A_924 = arith.constant 0 : i32
      %dma_start3A_925 = tpu.memref_slice %arg7[%dma_start3A_922, %dma_start3A_923, %dma_start3A_924] : memref<2x8x128xi32, #tpu.memory_space<vmem>> -> memref<1x1x128xi32, #tpu.memory_space<vmem>>
      %dma_start3A_926 = tpu.memref_squeeze %dma_start3A_925 : memref<1x1x128xi32, #tpu.memory_space<vmem>> -> memref<128xi32, #tpu.memory_space<vmem>>
      %dma_start3A_927 = arith.constant 0 : i32
      %dma_start3A_928 = arith.constant 0 : i32
      %dma_start3A_929 = tpu.memref_slice %arg11[%dma_start3A_927, %dma_start3A_928] : memref<10112x160xbf16, #tpu.memory_space<vmem_shared>> -> memref<10112x160xbf16, #tpu.memory_space<vmem_shared>>
      tpu.enqueue_indirect_dma source(%dma_start3A_929 : memref<10112x160xbf16, #tpu.memory_space<vmem_shared>>) target(%arg9 : memref<128x160xbf16, #tpu.memory_space<vmem>>) offsets(%dma_start3A_926 : memref<128xi32, #tpu.memory_space<vmem>>) semaphore(%arg13 : memref<!tpu.dma_semaphore, #tpu.memory_space<semaphore_mem>>)
      %run_scoped3A_930 = arith.constant 1 : i32
      %run_scoped3A_931 = arith.constant 4 : i32
      "tpu.region"() ({
        %run_scoped3A_1004 = tpu.sem_alloc : memref<!tpu.dma_semaphore, #tpu.memory_space<semaphore_mem>>
        %dma_start3A_1005 = arith.constant 0 : i32
        %dma_start3A_1006 = tpu.memref_slice %arg7[%run_scoped3A_930, %run_scoped3A_931, %dma_start3A_1005] : memref<2x8x128xi32, #tpu.memory_space<vmem>> -> memref<1x1x128xi32, #tpu.memory_space<vmem>>
        %dma_start3A_1007 = tpu.memref_squeeze %dma_start3A_1006 : memref<1x1x128xi32, #tpu.memory_space<vmem>> -> memref<128xi32, #tpu.memory_space<vmem>>
        %dma_start3A_1008 = arith.constant 0 : i32
        %dma_start3A_1009 = arith.constant 0 : i32
        %dma_start3A_1010 = tpu.memref_slice %arg10[%dma_start3A_1008, %dma_start3A_1009] : memref<10112x160xbf16, #tpu.memory_space<vmem_shared>> -> memref<10112x160xbf16, #tpu.memory_space<vmem_shared>>
        tpu.enqueue_indirect_dma source(%arg8 : memref<128x160xbf16, #tpu.memory_space<vmem>>) target(%dma_start3A_1010 : memref<10112x160xbf16, #tpu.memory_space<vmem_shared>>) offsets(%dma_start3A_1007 : memref<128xi32, #tpu.memory_space<vmem>>) semaphore(%run_scoped3A_1004 : memref<!tpu.dma_semaphore, #tpu.memory_space<semaphore_mem>>) {add = true}
        %dma_wait3A_1011 = arith.constant 0 : i32
        %dma_wait3A_1012 = tpu.memref_slice %arg7[%run_scoped3A_930, %run_scoped3A_931, %dma_wait3A_1011] : memref<2x8x128xi32, #tpu.memory_space<vmem>> -> memref<1x1x128xi32, #tpu.memory_space<vmem>>
        %dma_wait3A_1013 = tpu.memref_squeeze %dma_wait3A_1012 : memref<1x1x128xi32, #tpu.memory_space<vmem>> -> memref<128xi32, #tpu.memory_space<vmem>>
        %dma_wait3A_1014 = arith.constant 0 : i32
        %dma_wait3A_1015 = arith.constant 0 : i32
        %dma_wait3A_1016 = tpu.memref_slice %arg10[%dma_wait3A_1014, %dma_wait3A_1015] : memref<10112x160xbf16, #tpu.memory_space<vmem_shared>> -> memref<10112x160xbf16, #tpu.memory_space<vmem_shared>>
        tpu.wait_indirect_dma semaphore(%run_scoped3A_1004 : memref<!tpu.dma_semaphore, #tpu.memory_space<semaphore_mem>>) src(%arg8 : memref<128x160xbf16, #tpu.memory_space<vmem>>) dst(%dma_wait3A_1016 : memref<10112x160xbf16, #tpu.memory_space<vmem_shared>>)
        tpu.yield
      }) : () -> ()
      %add3A_932 = arith.constant 1 : i32
      %add3A_933 = arith.addi %mul3A_651, %add3A_932 : i32
      %dma_wait3A_934 = arith.constant 0 : i32
      %dma_wait3A_935 = arith.constant 5 : i32
      %dma_wait3A_936 = arith.constant 0 : i32
      %dma_wait3A_937 = tpu.memref_slice %arg7[%dma_wait3A_934, %dma_wait3A_935, %dma_wait3A_936] : memref<2x8x128xi32, #tpu.memory_space<vmem>> -> memref<1x1x128xi32, #tpu.memory_space<vmem>>
      %dma_wait3A_938 = tpu.memref_squeeze %dma_wait3A_937 : memref<1x1x128xi32, #tpu.memory_space<vmem>> -> memref<128xi32, #tpu.memory_space<vmem>>
      %dma_wait3A_939 = arith.constant 0 : i32
      %dma_wait3A_940 = arith.constant 0 : i32
      %dma_wait3A_941 = tpu.memref_slice %arg11[%dma_wait3A_939, %dma_wait3A_940] : memref<10112x160xbf16, #tpu.memory_space<vmem_shared>> -> memref<10112x160xbf16, #tpu.memory_space<vmem_shared>>
      tpu.wait_indirect_dma semaphore(%arg13 : memref<!tpu.dma_semaphore, #tpu.memory_space<semaphore_mem>>) src(%dma_wait3A_941 : memref<10112x160xbf16, #tpu.memory_space<vmem_shared>>) dst(%arg9 : memref<128x160xbf16, #tpu.memory_space<vmem>>)
      %dma_start3A_942 = arith.constant 0 : i32
      %dma_start3A_943 = arith.constant 6 : i32
      %dma_start3A_944 = arith.constant 0 : i32
      %dma_start3A_945 = tpu.memref_slice %arg7[%dma_start3A_942, %dma_start3A_943, %dma_start3A_944] : memref<2x8x128xi32, #tpu.memory_space<vmem>> -> memref<1x1x128xi32, #tpu.memory_space<vmem>>
      %dma_start3A_946 = tpu.memref_squeeze %dma_start3A_945 : memref<1x1x128xi32, #tpu.memory_space<vmem>> -> memref<128xi32, #tpu.memory_space<vmem>>
      %dma_start3A_947 = arith.constant 0 : i32
      %dma_start3A_948 = arith.constant 0 : i32
      %dma_start3A_949 = tpu.memref_slice %arg11[%dma_start3A_947, %dma_start3A_948] : memref<10112x160xbf16, #tpu.memory_space<vmem_shared>> -> memref<10112x160xbf16, #tpu.memory_space<vmem_shared>>
      tpu.enqueue_indirect_dma source(%dma_start3A_949 : memref<10112x160xbf16, #tpu.memory_space<vmem_shared>>) target(%arg8 : memref<128x160xbf16, #tpu.memory_space<vmem>>) offsets(%dma_start3A_946 : memref<128xi32, #tpu.memory_space<vmem>>) semaphore(%arg12 : memref<!tpu.dma_semaphore, #tpu.memory_space<semaphore_mem>>)
      %run_scoped3A_950 = arith.constant 1 : i32
      %run_scoped3A_951 = arith.constant 5 : i32
      "tpu.region"() ({
        %run_scoped3A_1004 = tpu.sem_alloc : memref<!tpu.dma_semaphore, #tpu.memory_space<semaphore_mem>>
        %dma_start3A_1005 = arith.constant 0 : i32
        %dma_start3A_1006 = tpu.memref_slice %arg7[%run_scoped3A_950, %run_scoped3A_951, %dma_start3A_1005] : memref<2x8x128xi32, #tpu.memory_space<vmem>> -> memref<1x1x128xi32, #tpu.memory_space<vmem>>
        %dma_start3A_1007 = tpu.memref_squeeze %dma_start3A_1006 : memref<1x1x128xi32, #tpu.memory_space<vmem>> -> memref<128xi32, #tpu.memory_space<vmem>>
        %dma_start3A_1008 = arith.constant 0 : i32
        %dma_start3A_1009 = arith.constant 0 : i32
        %dma_start3A_1010 = tpu.memref_slice %arg10[%dma_start3A_1008, %dma_start3A_1009] : memref<10112x160xbf16, #tpu.memory_space<vmem_shared>> -> memref<10112x160xbf16, #tpu.memory_space<vmem_shared>>
        tpu.enqueue_indirect_dma source(%arg9 : memref<128x160xbf16, #tpu.memory_space<vmem>>) target(%dma_start3A_1010 : memref<10112x160xbf16, #tpu.memory_space<vmem_shared>>) offsets(%dma_start3A_1007 : memref<128xi32, #tpu.memory_space<vmem>>) semaphore(%run_scoped3A_1004 : memref<!tpu.dma_semaphore, #tpu.memory_space<semaphore_mem>>) {add = true}
        %dma_wait3A_1011 = arith.constant 0 : i32
        %dma_wait3A_1012 = tpu.memref_slice %arg7[%run_scoped3A_950, %run_scoped3A_951, %dma_wait3A_1011] : memref<2x8x128xi32, #tpu.memory_space<vmem>> -> memref<1x1x128xi32, #tpu.memory_space<vmem>>
        %dma_wait3A_1013 = tpu.memref_squeeze %dma_wait3A_1012 : memref<1x1x128xi32, #tpu.memory_space<vmem>> -> memref<128xi32, #tpu.memory_space<vmem>>
        %dma_wait3A_1014 = arith.constant 0 : i32
        %dma_wait3A_1015 = arith.constant 0 : i32
        %dma_wait3A_1016 = tpu.memref_slice %arg10[%dma_wait3A_1014, %dma_wait3A_1015] : memref<10112x160xbf16, #tpu.memory_space<vmem_shared>> -> memref<10112x160xbf16, #tpu.memory_space<vmem_shared>>
        tpu.wait_indirect_dma semaphore(%run_scoped3A_1004 : memref<!tpu.dma_semaphore, #tpu.memory_space<semaphore_mem>>) src(%arg9 : memref<128x160xbf16, #tpu.memory_space<vmem>>) dst(%dma_wait3A_1016 : memref<10112x160xbf16, #tpu.memory_space<vmem_shared>>)
        tpu.yield
      }) : () -> ()
      %add3A_952 = arith.constant 1 : i32
      %add3A_953 = arith.addi %mul3A_651, %add3A_952 : i32
      %dma_wait3A_954 = arith.constant 0 : i32
      %dma_wait3A_955 = arith.constant 6 : i32
      %dma_wait3A_956 = arith.constant 0 : i32
      %dma_wait3A_957 = tpu.memref_slice %arg7[%dma_wait3A_954, %dma_wait3A_955, %dma_wait3A_956] : memref<2x8x128xi32, #tpu.memory_space<vmem>> -> memref<1x1x128xi32, #tpu.memory_space<vmem>>
      %dma_wait3A_958 = tpu.memref_squeeze %dma_wait3A_957 : memref<1x1x128xi32, #tpu.memory_space<vmem>> -> memref<128xi32, #tpu.memory_space<vmem>>
      %dma_wait3A_959 = arith.constant 0 : i32
      %dma_wait3A_960 = arith.constant 0 : i32
      %dma_wait3A_961 = tpu.memref_slice %arg11[%dma_wait3A_959, %dma_wait3A_960] : memref<10112x160xbf16, #tpu.memory_space<vmem_shared>> -> memref<10112x160xbf16, #tpu.memory_space<vmem_shared>>
      tpu.wait_indirect_dma semaphore(%arg12 : memref<!tpu.dma_semaphore, #tpu.memory_space<semaphore_mem>>) src(%dma_wait3A_961 : memref<10112x160xbf16, #tpu.memory_space<vmem_shared>>) dst(%arg8 : memref<128x160xbf16, #tpu.memory_space<vmem>>)
      %dma_start3A_962 = arith.constant 0 : i32
      %dma_start3A_963 = arith.constant 7 : i32
      %dma_start3A_964 = arith.constant 0 : i32
      %dma_start3A_965 = tpu.memref_slice %arg7[%dma_start3A_962, %dma_start3A_963, %dma_start3A_964] : memref<2x8x128xi32, #tpu.memory_space<vmem>> -> memref<1x1x128xi32, #tpu.memory_space<vmem>>
      %dma_start3A_966 = tpu.memref_squeeze %dma_start3A_965 : memref<1x1x128xi32, #tpu.memory_space<vmem>> -> memref<128xi32, #tpu.memory_space<vmem>>
      %dma_start3A_967 = arith.constant 0 : i32
      %dma_start3A_968 = arith.constant 0 : i32
      %dma_start3A_969 = tpu.memref_slice %arg11[%dma_start3A_967, %dma_start3A_968] : memref<10112x160xbf16, #tpu.memory_space<vmem_shared>> -> memref<10112x160xbf16, #tpu.memory_space<vmem_shared>>
      tpu.enqueue_indirect_dma source(%dma_start3A_969 : memref<10112x160xbf16, #tpu.memory_space<vmem_shared>>) target(%arg9 : memref<128x160xbf16, #tpu.memory_space<vmem>>) offsets(%dma_start3A_966 : memref<128xi32, #tpu.memory_space<vmem>>) semaphore(%arg13 : memref<!tpu.dma_semaphore, #tpu.memory_space<semaphore_mem>>)
      %run_scoped3A_970 = arith.constant 1 : i32
      %run_scoped3A_971 = arith.constant 6 : i32
      "tpu.region"() ({
        %run_scoped3A_1004 = tpu.sem_alloc : memref<!tpu.dma_semaphore, #tpu.memory_space<semaphore_mem>>
        %dma_start3A_1005 = arith.constant 0 : i32
        %dma_start3A_1006 = tpu.memref_slice %arg7[%run_scoped3A_970, %run_scoped3A_971, %dma_start3A_1005] : memref<2x8x128xi32, #tpu.memory_space<vmem>> -> memref<1x1x128xi32, #tpu.memory_space<vmem>>
        %dma_start3A_1007 = tpu.memref_squeeze %dma_start3A_1006 : memref<1x1x128xi32, #tpu.memory_space<vmem>> -> memref<128xi32, #tpu.memory_space<vmem>>
        %dma_start3A_1008 = arith.constant 0 : i32
        %dma_start3A_1009 = arith.constant 0 : i32
        %dma_start3A_1010 = tpu.memref_slice %arg10[%dma_start3A_1008, %dma_start3A_1009] : memref<10112x160xbf16, #tpu.memory_space<vmem_shared>> -> memref<10112x160xbf16, #tpu.memory_space<vmem_shared>>
        tpu.enqueue_indirect_dma source(%arg8 : memref<128x160xbf16, #tpu.memory_space<vmem>>) target(%dma_start3A_1010 : memref<10112x160xbf16, #tpu.memory_space<vmem_shared>>) offsets(%dma_start3A_1007 : memref<128xi32, #tpu.memory_space<vmem>>) semaphore(%run_scoped3A_1004 : memref<!tpu.dma_semaphore, #tpu.memory_space<semaphore_mem>>) {add = true}
        %dma_wait3A_1011 = arith.constant 0 : i32
        %dma_wait3A_1012 = tpu.memref_slice %arg7[%run_scoped3A_970, %run_scoped3A_971, %dma_wait3A_1011] : memref<2x8x128xi32, #tpu.memory_space<vmem>> -> memref<1x1x128xi32, #tpu.memory_space<vmem>>
        %dma_wait3A_1013 = tpu.memref_squeeze %dma_wait3A_1012 : memref<1x1x128xi32, #tpu.memory_space<vmem>> -> memref<128xi32, #tpu.memory_space<vmem>>
        %dma_wait3A_1014 = arith.constant 0 : i32
        %dma_wait3A_1015 = arith.constant 0 : i32
        %dma_wait3A_1016 = tpu.memref_slice %arg10[%dma_wait3A_1014, %dma_wait3A_1015] : memref<10112x160xbf16, #tpu.memory_space<vmem_shared>> -> memref<10112x160xbf16, #tpu.memory_space<vmem_shared>>
        tpu.wait_indirect_dma semaphore(%run_scoped3A_1004 : memref<!tpu.dma_semaphore, #tpu.memory_space<semaphore_mem>>) src(%arg8 : memref<128x160xbf16, #tpu.memory_space<vmem>>) dst(%dma_wait3A_1016 : memref<10112x160xbf16, #tpu.memory_space<vmem_shared>>)
        tpu.yield
      }) : () -> ()
      %add3A_972 = arith.constant 1 : i32
      %add3A_973 = arith.addi %mul3A_651, %add3A_972 : i32
      %dma_wait3A_974 = arith.constant 0 : i32
      %dma_wait3A_975 = arith.constant 7 : i32
      %dma_wait3A_976 = arith.constant 0 : i32
      %dma_wait3A_977 = tpu.memref_slice %arg7[%dma_wait3A_974, %dma_wait3A_975, %dma_wait3A_976] : memref<2x8x128xi32, #tpu.memory_space<vmem>> -> memref<1x1x128xi32, #tpu.memory_space<vmem>>
      %dma_wait3A_978 = tpu.memref_squeeze %dma_wait3A_977 : memref<1x1x128xi32, #tpu.memory_space<vmem>> -> memref<128xi32, #tpu.memory_space<vmem>>
      %dma_wait3A_979 = arith.constant 0 : i32
      %dma_wait3A_980 = arith.constant 0 : i32
      %dma_wait3A_981 = tpu.memref_slice %arg11[%dma_wait3A_979, %dma_wait3A_980] : memref<10112x160xbf16, #tpu.memory_space<vmem_shared>> -> memref<10112x160xbf16, #tpu.memory_space<vmem_shared>>
      tpu.wait_indirect_dma semaphore(%arg13 : memref<!tpu.dma_semaphore, #tpu.memory_space<semaphore_mem>>) src(%dma_wait3A_981 : memref<10112x160xbf16, #tpu.memory_space<vmem_shared>>) dst(%arg9 : memref<128x160xbf16, #tpu.memory_space<vmem>>)
      %add3A_982 = arith.constant 1 : i32
      %add3A_983 = arith.addi %add3A_973, %add3A_982 : i32
      %dma_wait3A_984 = arith.constant 0 : i32
      %dma_wait3A_985 = arith.constant 0 : i32
      %dma_wait3A_986 = arith.constant 0 : i32
      %dma_wait3A_987 = tpu.memref_slice %arg3[%add3A, %add3A_983, %dma_wait3A_984, %dma_wait3A_985, %dma_wait3A_986] : memref<32x10x2x8x128xi32, #tpu.memory_space<hbm>> -> memref<1x1x2x8x128xi32, #tpu.memory_space<hbm>>
      %dma_wait3A_988 = tpu.memref_squeeze %dma_wait3A_987 : memref<1x1x2x8x128xi32, #tpu.memory_space<hbm>> -> memref<2x8x128xi32, #tpu.memory_space<hbm>>
      %dma_wait3A_989 = arith.constant 0 : i32
      %dma_wait3A_990 = arith.constant 0 : i32
      %dma_wait3A_991 = arith.constant 0 : i32
      %dma_wait3A_992 = tpu.memref_slice %arg3[%add3A, %add3A_983, %dma_wait3A_989, %dma_wait3A_990, %dma_wait3A_991] : memref<32x10x2x8x128xi32, #tpu.memory_space<hbm>> -> memref<1x1x2x8x128xi32, #tpu.memory_space<hbm>>
      %dma_wait3A_993 = tpu.memref_squeeze %dma_wait3A_992 : memref<1x1x2x8x128xi32, #tpu.memory_space<hbm>> -> memref<2x8x128xi32, #tpu.memory_space<hbm>>
      tpu.wait_dma2 semaphore(%arg14 : memref<!tpu.dma_semaphore, #tpu.memory_space<semaphore_mem>>) src(%dma_wait3A_993 : memref<2x8x128xi32, #tpu.memory_space<hbm>>) dst(%arg6 : memref<2x8x128xi32, #tpu.memory_space<vmem>>)
      %dma_start3A_994 = arith.constant 0 : i32
      %dma_start3A_995 = arith.constant 0 : i32
      %dma_start3A_996 = arith.constant 0 : i32
      %dma_start3A_997 = tpu.memref_slice %arg6[%dma_start3A_994, %dma_start3A_995, %dma_start3A_996] : memref<2x8x128xi32, #tpu.memory_space<vmem>> -> memref<1x1x128xi32, #tpu.memory_space<vmem>>
      %dma_start3A_998 = tpu.memref_squeeze %dma_start3A_997 : memref<1x1x128xi32, #tpu.memory_space<vmem>> -> memref<128xi32, #tpu.memory_space<vmem>>
      %dma_start3A_999 = arith.constant 0 : i32
      %dma_start3A_1000 = arith.constant 0 : i32
      %dma_start3A_1001 = tpu.memref_slice %arg11[%dma_start3A_999, %dma_start3A_1000] : memref<10112x160xbf16, #tpu.memory_space<vmem_shared>> -> memref<10112x160xbf16, #tpu.memory_space<vmem_shared>>
      tpu.enqueue_indirect_dma source(%dma_start3A_1001 : memref<10112x160xbf16, #tpu.memory_space<vmem_shared>>) target(%arg8 : memref<128x160xbf16, #tpu.memory_space<vmem>>) offsets(%dma_start3A_998 : memref<128xi32, #tpu.memory_space<vmem>>) semaphore(%arg12 : memref<!tpu.dma_semaphore, #tpu.memory_space<semaphore_mem>>)
      %run_scoped3A_1002 = arith.constant 1 : i32
      %run_scoped3A_1003 = arith.constant 7 : i32
      "tpu.region"() ({
        %run_scoped3A_1004 = tpu.sem_alloc : memref<!tpu.dma_semaphore, #tpu.memory_space<semaphore_mem>>
        %dma_start3A_1005 = arith.constant 0 : i32
        %dma_start3A_1006 = tpu.memref_slice %arg7[%run_scoped3A_1002, %run_scoped3A_1003, %dma_start3A_1005] : memref<2x8x128xi32, #tpu.memory_space<vmem>> -> memref<1x1x128xi32, #tpu.memory_space<vmem>>
        %dma_start3A_1007 = tpu.memref_squeeze %dma_start3A_1006 : memref<1x1x128xi32, #tpu.memory_space<vmem>> -> memref<128xi32, #tpu.memory_space<vmem>>
        %dma_start3A_1008 = arith.constant 0 : i32
        %dma_start3A_1009 = arith.constant 0 : i32
        %dma_start3A_1010 = tpu.memref_slice %arg10[%dma_start3A_1008, %dma_start3A_1009] : memref<10112x160xbf16, #tpu.memory_space<vmem_shared>> -> memref<10112x160xbf16, #tpu.memory_space<vmem_shared>>
        tpu.enqueue_indirect_dma source(%arg9 : memref<128x160xbf16, #tpu.memory_space<vmem>>) target(%dma_start3A_1010 : memref<10112x160xbf16, #tpu.memory_space<vmem_shared>>) offsets(%dma_start3A_1007 : memref<128xi32, #tpu.memory_space<vmem>>) semaphore(%run_scoped3A_1004 : memref<!tpu.dma_semaphore, #tpu.memory_space<semaphore_mem>>) {add = true}
        %dma_wait3A_1011 = arith.constant 0 : i32
        %dma_wait3A_1012 = tpu.memref_slice %arg7[%run_scoped3A_1002, %run_scoped3A_1003, %dma_wait3A_1011] : memref<2x8x128xi32, #tpu.memory_space<vmem>> -> memref<1x1x128xi32, #tpu.memory_space<vmem>>
        %dma_wait3A_1013 = tpu.memref_squeeze %dma_wait3A_1012 : memref<1x1x128xi32, #tpu.memory_space<vmem>> -> memref<128xi32, #tpu.memory_space<vmem>>
        %dma_wait3A_1014 = arith.constant 0 : i32
        %dma_wait3A_1015 = arith.constant 0 : i32
        %dma_wait3A_1016 = tpu.memref_slice %arg10[%dma_wait3A_1014, %dma_wait3A_1015] : memref<10112x160xbf16, #tpu.memory_space<vmem_shared>> -> memref<10112x160xbf16, #tpu.memory_space<vmem_shared>>
        tpu.wait_indirect_dma semaphore(%run_scoped3A_1004 : memref<!tpu.dma_semaphore, #tpu.memory_space<semaphore_mem>>) src(%arg9 : memref<128x160xbf16, #tpu.memory_space<vmem>>) dst(%dma_wait3A_1016 : memref<10112x160xbf16, #tpu.memory_space<vmem_shared>>)
        tpu.yield
      }) : () -> ()
    }
    %scan3A_345 = arith.constant 3 : i32
    %dma_wait3A_346 = arith.constant 0 : i32
    %dma_wait3A_347 = arith.constant 0 : i32
    %dma_wait3A_348 = arith.constant 0 : i32
    %dma_wait3A_349 = tpu.memref_slice %arg6[%dma_wait3A_346, %dma_wait3A_347, %dma_wait3A_348] : memref<2x8x128xi32, #tpu.memory_space<vmem>> -> memref<1x1x128xi32, #tpu.memory_space<vmem>>
    %dma_wait3A_350 = tpu.memref_squeeze %dma_wait3A_349 : memref<1x1x128xi32, #tpu.memory_space<vmem>> -> memref<128xi32, #tpu.memory_space<vmem>>
    %dma_wait3A_351 = arith.constant 0 : i32
    %dma_wait3A_352 = arith.constant 0 : i32
    %dma_wait3A_353 = tpu.memref_slice %arg11[%dma_wait3A_351, %dma_wait3A_352] : memref<10112x160xbf16, #tpu.memory_space<vmem_shared>> -> memref<10112x160xbf16, #tpu.memory_space<vmem_shared>>
    tpu.wait_indirect_dma semaphore(%arg12 : memref<!tpu.dma_semaphore, #tpu.memory_space<semaphore_mem>>) src(%dma_wait3A_353 : memref<10112x160xbf16, #tpu.memory_space<vmem_shared>>) dst(%arg8 : memref<128x160xbf16, #tpu.memory_space<vmem>>)
    %dma_start3A_354 = arith.constant 0 : i32
    %dma_start3A_355 = arith.constant 1 : i32
    %dma_start3A_356 = arith.constant 0 : i32
    %dma_start3A_357 = tpu.memref_slice %arg6[%dma_start3A_354, %dma_start3A_355, %dma_start3A_356] : memref<2x8x128xi32, #tpu.memory_space<vmem>> -> memref<1x1x128xi32, #tpu.memory_space<vmem>>
    %dma_start3A_358 = tpu.memref_squeeze %dma_start3A_357 : memref<1x1x128xi32, #tpu.memory_space<vmem>> -> memref<128xi32, #tpu.memory_space<vmem>>
    %dma_start3A_359 = arith.constant 0 : i32
    %dma_start3A_360 = arith.constant 0 : i32
    %dma_start3A_361 = tpu.memref_slice %arg11[%dma_start3A_359, %dma_start3A_360] : memref<10112x160xbf16, #tpu.memory_space<vmem_shared>> -> memref<10112x160xbf16, #tpu.memory_space<vmem_shared>>
    tpu.enqueue_indirect_dma source(%dma_start3A_361 : memref<10112x160xbf16, #tpu.memory_space<vmem_shared>>) target(%arg9 : memref<128x160xbf16, #tpu.memory_space<vmem>>) offsets(%dma_start3A_358 : memref<128xi32, #tpu.memory_space<vmem>>) semaphore(%arg13 : memref<!tpu.dma_semaphore, #tpu.memory_space<semaphore_mem>>)
    %run_scoped3A_362 = arith.constant 1 : i32
    %run_scoped3A_363 = arith.constant 0 : i32
    "tpu.region"() ({
      %run_scoped3A_649 = tpu.sem_alloc : memref<!tpu.dma_semaphore, #tpu.memory_space<semaphore_mem>>
      %dma_start3A_650 = arith.constant 0 : i32
      %dma_start3A_651 = tpu.memref_slice %arg6[%run_scoped3A_362, %run_scoped3A_363, %dma_start3A_650] : memref<2x8x128xi32, #tpu.memory_space<vmem>> -> memref<1x1x128xi32, #tpu.memory_space<vmem>>
      %dma_start3A_652 = tpu.memref_squeeze %dma_start3A_651 : memref<1x1x128xi32, #tpu.memory_space<vmem>> -> memref<128xi32, #tpu.memory_space<vmem>>
      %dma_start3A_653 = arith.constant 0 : i32
      %dma_start3A_654 = arith.constant 0 : i32
      %dma_start3A_655 = tpu.memref_slice %arg10[%dma_start3A_653, %dma_start3A_654] : memref<10112x160xbf16, #tpu.memory_space<vmem_shared>> -> memref<10112x160xbf16, #tpu.memory_space<vmem_shared>>
      tpu.enqueue_indirect_dma source(%arg8 : memref<128x160xbf16, #tpu.memory_space<vmem>>) target(%dma_start3A_655 : memref<10112x160xbf16, #tpu.memory_space<vmem_shared>>) offsets(%dma_start3A_652 : memref<128xi32, #tpu.memory_space<vmem>>) semaphore(%run_scoped3A_649 : memref<!tpu.dma_semaphore, #tpu.memory_space<semaphore_mem>>) {add = true}
      %dma_wait3A_656 = arith.constant 0 : i32
      %dma_wait3A_657 = tpu.memref_slice %arg6[%run_scoped3A_362, %run_scoped3A_363, %dma_wait3A_656] : memref<2x8x128xi32, #tpu.memory_space<vmem>> -> memref<1x1x128xi32, #tpu.memory_space<vmem>>
      %dma_wait3A_658 = tpu.memref_squeeze %dma_wait3A_657 : memref<1x1x128xi32, #tpu.memory_space<vmem>> -> memref<128xi32, #tpu.memory_space<vmem>>
      %dma_wait3A_659 = arith.constant 0 : i32
      %dma_wait3A_660 = arith.constant 0 : i32
      %dma_wait3A_661 = tpu.memref_slice %arg10[%dma_wait3A_659, %dma_wait3A_660] : memref<10112x160xbf16, #tpu.memory_space<vmem_shared>> -> memref<10112x160xbf16, #tpu.memory_space<vmem_shared>>
      tpu.wait_indirect_dma semaphore(%run_scoped3A_649 : memref<!tpu.dma_semaphore, #tpu.memory_space<semaphore_mem>>) src(%arg8 : memref<128x160xbf16, #tpu.memory_space<vmem>>) dst(%dma_wait3A_661 : memref<10112x160xbf16, #tpu.memory_space<vmem_shared>>)
      tpu.yield
    }) : () -> ()
    %dma_start3A_364 = arith.constant 9 : i32
    %dma_start3A_365 = arith.constant 0 : i32
    %dma_start3A_366 = arith.constant 0 : i32
    %dma_start3A_367 = arith.constant 0 : i32
    %dma_start3A_368 = tpu.memref_slice %arg3[%add3A, %dma_start3A_364, %dma_start3A_365, %dma_start3A_366, %dma_start3A_367] : memref<32x10x2x8x128xi32, #tpu.memory_space<hbm>> -> memref<1x1x2x8x128xi32, #tpu.memory_space<hbm>>
    %dma_start3A_369 = tpu.memref_squeeze %dma_start3A_368 : memref<1x1x2x8x128xi32, #tpu.memory_space<hbm>> -> memref<2x8x128xi32, #tpu.memory_space<hbm>>
    %dma_start3A_370 = arith.constant 0 : i32
    %dma_start3A_371 = arith.constant 0 : i32
    %dma_start3A_372 = arith.constant 0 : i32
    %dma_start3A_373 = tpu.memref_slice %arg3[%add3A, %dma_start3A_364, %dma_start3A_370, %dma_start3A_371, %dma_start3A_372] : memref<32x10x2x8x128xi32, #tpu.memory_space<hbm>> -> memref<1x1x2x8x128xi32, #tpu.memory_space<hbm>>
    %dma_start3A_374 = tpu.memref_squeeze %dma_start3A_373 : memref<1x1x2x8x128xi32, #tpu.memory_space<hbm>> -> memref<2x8x128xi32, #tpu.memory_space<hbm>>
    tpu.enqueue_dma source(%dma_start3A_374 : memref<2x8x128xi32, #tpu.memory_space<hbm>>) target(%arg7 : memref<2x8x128xi32, #tpu.memory_space<vmem>>) target_semaphore(%arg14 : memref<!tpu.dma_semaphore, #tpu.memory_space<semaphore_mem>>)
    %dma_wait3A_375 = arith.constant 0 : i32
    %dma_wait3A_376 = arith.constant 1 : i32
    %dma_wait3A_377 = arith.constant 0 : i32
    %dma_wait3A_378 = tpu.memref_slice %arg6[%dma_wait3A_375, %dma_wait3A_376, %dma_wait3A_377] : memref<2x8x128xi32, #tpu.memory_space<vmem>> -> memref<1x1x128xi32, #tpu.memory_space<vmem>>
    %dma_wait3A_379 = tpu.memref_squeeze %dma_wait3A_378 : memref<1x1x128xi32, #tpu.memory_space<vmem>> -> memref<128xi32, #tpu.memory_space<vmem>>
    %dma_wait3A_380 = arith.constant 0 : i32
    %dma_wait3A_381 = arith.constant 0 : i32
    %dma_wait3A_382 = tpu.memref_slice %arg11[%dma_wait3A_380, %dma_wait3A_381] : memref<10112x160xbf16, #tpu.memory_space<vmem_shared>> -> memref<10112x160xbf16, #tpu.memory_space<vmem_shared>>
    tpu.wait_indirect_dma semaphore(%arg13 : memref<!tpu.dma_semaphore, #tpu.memory_space<semaphore_mem>>) src(%dma_wait3A_382 : memref<10112x160xbf16, #tpu.memory_space<vmem_shared>>) dst(%arg9 : memref<128x160xbf16, #tpu.memory_space<vmem>>)
    %dma_start3A_383 = arith.constant 0 : i32
    %dma_start3A_384 = arith.constant 2 : i32
    %dma_start3A_385 = arith.constant 0 : i32
    %dma_start3A_386 = tpu.memref_slice %arg6[%dma_start3A_383, %dma_start3A_384, %dma_start3A_385] : memref<2x8x128xi32, #tpu.memory_space<vmem>> -> memref<1x1x128xi32, #tpu.memory_space<vmem>>
    %dma_start3A_387 = tpu.memref_squeeze %dma_start3A_386 : memref<1x1x128xi32, #tpu.memory_space<vmem>> -> memref<128xi32, #tpu.memory_space<vmem>>
    %dma_start3A_388 = arith.constant 0 : i32
    %dma_start3A_389 = arith.constant 0 : i32
    %dma_start3A_390 = tpu.memref_slice %arg11[%dma_start3A_388, %dma_start3A_389] : memref<10112x160xbf16, #tpu.memory_space<vmem_shared>> -> memref<10112x160xbf16, #tpu.memory_space<vmem_shared>>
    tpu.enqueue_indirect_dma source(%dma_start3A_390 : memref<10112x160xbf16, #tpu.memory_space<vmem_shared>>) target(%arg8 : memref<128x160xbf16, #tpu.memory_space<vmem>>) offsets(%dma_start3A_387 : memref<128xi32, #tpu.memory_space<vmem>>) semaphore(%arg12 : memref<!tpu.dma_semaphore, #tpu.memory_space<semaphore_mem>>)
    %run_scoped3A_391 = arith.constant 1 : i32
    %run_scoped3A_392 = arith.constant 1 : i32
    "tpu.region"() ({
      %run_scoped3A_649 = tpu.sem_alloc : memref<!tpu.dma_semaphore, #tpu.memory_space<semaphore_mem>>
      %dma_start3A_650 = arith.constant 0 : i32
      %dma_start3A_651 = tpu.memref_slice %arg6[%run_scoped3A_391, %run_scoped3A_392, %dma_start3A_650] : memref<2x8x128xi32, #tpu.memory_space<vmem>> -> memref<1x1x128xi32, #tpu.memory_space<vmem>>
      %dma_start3A_652 = tpu.memref_squeeze %dma_start3A_651 : memref<1x1x128xi32, #tpu.memory_space<vmem>> -> memref<128xi32, #tpu.memory_space<vmem>>
      %dma_start3A_653 = arith.constant 0 : i32
      %dma_start3A_654 = arith.constant 0 : i32
      %dma_start3A_655 = tpu.memref_slice %arg10[%dma_start3A_653, %dma_start3A_654] : memref<10112x160xbf16, #tpu.memory_space<vmem_shared>> -> memref<10112x160xbf16, #tpu.memory_space<vmem_shared>>
      tpu.enqueue_indirect_dma source(%arg9 : memref<128x160xbf16, #tpu.memory_space<vmem>>) target(%dma_start3A_655 : memref<10112x160xbf16, #tpu.memory_space<vmem_shared>>) offsets(%dma_start3A_652 : memref<128xi32, #tpu.memory_space<vmem>>) semaphore(%run_scoped3A_649 : memref<!tpu.dma_semaphore, #tpu.memory_space<semaphore_mem>>) {add = true}
      %dma_wait3A_656 = arith.constant 0 : i32
      %dma_wait3A_657 = tpu.memref_slice %arg6[%run_scoped3A_391, %run_scoped3A_392, %dma_wait3A_656] : memref<2x8x128xi32, #tpu.memory_space<vmem>> -> memref<1x1x128xi32, #tpu.memory_space<vmem>>
      %dma_wait3A_658 = tpu.memref_squeeze %dma_wait3A_657 : memref<1x1x128xi32, #tpu.memory_space<vmem>> -> memref<128xi32, #tpu.memory_space<vmem>>
      %dma_wait3A_659 = arith.constant 0 : i32
      %dma_wait3A_660 = arith.constant 0 : i32
      %dma_wait3A_661 = tpu.memref_slice %arg10[%dma_wait3A_659, %dma_wait3A_660] : memref<10112x160xbf16, #tpu.memory_space<vmem_shared>> -> memref<10112x160xbf16, #tpu.memory_space<vmem_shared>>
      tpu.wait_indirect_dma semaphore(%run_scoped3A_649 : memref<!tpu.dma_semaphore, #tpu.memory_space<semaphore_mem>>) src(%arg9 : memref<128x160xbf16, #tpu.memory_space<vmem>>) dst(%dma_wait3A_661 : memref<10112x160xbf16, #tpu.memory_space<vmem_shared>>)
      tpu.yield
    }) : () -> ()
    %dma_wait3A_393 = arith.constant 0 : i32
    %dma_wait3A_394 = arith.constant 2 : i32
    %dma_wait3A_395 = arith.constant 0 : i32
    %dma_wait3A_396 = tpu.memref_slice %arg6[%dma_wait3A_393, %dma_wait3A_394, %dma_wait3A_395] : memref<2x8x128xi32, #tpu.memory_space<vmem>> -> memref<1x1x128xi32, #tpu.memory_space<vmem>>
    %dma_wait3A_397 = tpu.memref_squeeze %dma_wait3A_396 : memref<1x1x128xi32, #tpu.memory_space<vmem>> -> memref<128xi32, #tpu.memory_space<vmem>>
    %dma_wait3A_398 = arith.constant 0 : i32
    %dma_wait3A_399 = arith.constant 0 : i32
    %dma_wait3A_400 = tpu.memref_slice %arg11[%dma_wait3A_398, %dma_wait3A_399] : memref<10112x160xbf16, #tpu.memory_space<vmem_shared>> -> memref<10112x160xbf16, #tpu.memory_space<vmem_shared>>
    tpu.wait_indirect_dma semaphore(%arg12 : memref<!tpu.dma_semaphore, #tpu.memory_space<semaphore_mem>>) src(%dma_wait3A_400 : memref<10112x160xbf16, #tpu.memory_space<vmem_shared>>) dst(%arg8 : memref<128x160xbf16, #tpu.memory_space<vmem>>)
    %dma_start3A_401 = arith.constant 0 : i32
    %dma_start3A_402 = arith.constant 3 : i32
    %dma_start3A_403 = arith.constant 0 : i32
    %dma_start3A_404 = tpu.memref_slice %arg6[%dma_start3A_401, %dma_start3A_402, %dma_start3A_403] : memref<2x8x128xi32, #tpu.memory_space<vmem>> -> memref<1x1x128xi32, #tpu.memory_space<vmem>>
    %dma_start3A_405 = tpu.memref_squeeze %dma_start3A_404 : memref<1x1x128xi32, #tpu.memory_space<vmem>> -> memref<128xi32, #tpu.memory_space<vmem>>
    %dma_start3A_406 = arith.constant 0 : i32
    %dma_start3A_407 = arith.constant 0 : i32
    %dma_start3A_408 = tpu.memref_slice %arg11[%dma_start3A_406, %dma_start3A_407] : memref<10112x160xbf16, #tpu.memory_space<vmem_shared>> -> memref<10112x160xbf16, #tpu.memory_space<vmem_shared>>
    tpu.enqueue_indirect_dma source(%dma_start3A_408 : memref<10112x160xbf16, #tpu.memory_space<vmem_shared>>) target(%arg9 : memref<128x160xbf16, #tpu.memory_space<vmem>>) offsets(%dma_start3A_405 : memref<128xi32, #tpu.memory_space<vmem>>) semaphore(%arg13 : memref<!tpu.dma_semaphore, #tpu.memory_space<semaphore_mem>>)
    %run_scoped3A_409 = arith.constant 1 : i32
    %run_scoped3A_410 = arith.constant 2 : i32
    "tpu.region"() ({
      %run_scoped3A_649 = tpu.sem_alloc : memref<!tpu.dma_semaphore, #tpu.memory_space<semaphore_mem>>
      %dma_start3A_650 = arith.constant 0 : i32
      %dma_start3A_651 = tpu.memref_slice %arg6[%run_scoped3A_409, %run_scoped3A_410, %dma_start3A_650] : memref<2x8x128xi32, #tpu.memory_space<vmem>> -> memref<1x1x128xi32, #tpu.memory_space<vmem>>
      %dma_start3A_652 = tpu.memref_squeeze %dma_start3A_651 : memref<1x1x128xi32, #tpu.memory_space<vmem>> -> memref<128xi32, #tpu.memory_space<vmem>>
      %dma_start3A_653 = arith.constant 0 : i32
      %dma_start3A_654 = arith.constant 0 : i32
      %dma_start3A_655 = tpu.memref_slice %arg10[%dma_start3A_653, %dma_start3A_654] : memref<10112x160xbf16, #tpu.memory_space<vmem_shared>> -> memref<10112x160xbf16, #tpu.memory_space<vmem_shared>>
      tpu.enqueue_indirect_dma source(%arg8 : memref<128x160xbf16, #tpu.memory_space<vmem>>) target(%dma_start3A_655 : memref<10112x160xbf16, #tpu.memory_space<vmem_shared>>) offsets(%dma_start3A_652 : memref<128xi32, #tpu.memory_space<vmem>>) semaphore(%run_scoped3A_649 : memref<!tpu.dma_semaphore, #tpu.memory_space<semaphore_mem>>) {add = true}
      %dma_wait3A_656 = arith.constant 0 : i32
      %dma_wait3A_657 = tpu.memref_slice %arg6[%run_scoped3A_409, %run_scoped3A_410, %dma_wait3A_656] : memref<2x8x128xi32, #tpu.memory_space<vmem>> -> memref<1x1x128xi32, #tpu.memory_space<vmem>>
      %dma_wait3A_658 = tpu.memref_squeeze %dma_wait3A_657 : memref<1x1x128xi32, #tpu.memory_space<vmem>> -> memref<128xi32, #tpu.memory_space<vmem>>
      %dma_wait3A_659 = arith.constant 0 : i32
      %dma_wait3A_660 = arith.constant 0 : i32
      %dma_wait3A_661 = tpu.memref_slice %arg10[%dma_wait3A_659, %dma_wait3A_660] : memref<10112x160xbf16, #tpu.memory_space<vmem_shared>> -> memref<10112x160xbf16, #tpu.memory_space<vmem_shared>>
      tpu.wait_indirect_dma semaphore(%run_scoped3A_649 : memref<!tpu.dma_semaphore, #tpu.memory_space<semaphore_mem>>) src(%arg8 : memref<128x160xbf16, #tpu.memory_space<vmem>>) dst(%dma_wait3A_661 : memref<10112x160xbf16, #tpu.memory_space<vmem_shared>>)
      tpu.yield
    }) : () -> ()
    %dma_wait3A_411 = arith.constant 0 : i32
    %dma_wait3A_412 = arith.constant 3 : i32
    %dma_wait3A_413 = arith.constant 0 : i32
    %dma_wait3A_414 = tpu.memref_slice %arg6[%dma_wait3A_411, %dma_wait3A_412, %dma_wait3A_413] : memref<2x8x128xi32, #tpu.memory_space<vmem>> -> memref<1x1x128xi32, #tpu.memory_space<vmem>>
    %dma_wait3A_415 = tpu.memref_squeeze %dma_wait3A_414 : memref<1x1x128xi32, #tpu.memory_space<vmem>> -> memref<128xi32, #tpu.memory_space<vmem>>
    %dma_wait3A_416 = arith.constant 0 : i32
    %dma_wait3A_417 = arith.constant 0 : i32
    %dma_wait3A_418 = tpu.memref_slice %arg11[%dma_wait3A_416, %dma_wait3A_417] : memref<10112x160xbf16, #tpu.memory_space<vmem_shared>> -> memref<10112x160xbf16, #tpu.memory_space<vmem_shared>>
    tpu.wait_indirect_dma semaphore(%arg13 : memref<!tpu.dma_semaphore, #tpu.memory_space<semaphore_mem>>) src(%dma_wait3A_418 : memref<10112x160xbf16, #tpu.memory_space<vmem_shared>>) dst(%arg9 : memref<128x160xbf16, #tpu.memory_space<vmem>>)
    %dma_start3A_419 = arith.constant 0 : i32
    %dma_start3A_420 = arith.constant 4 : i32
    %dma_start3A_421 = arith.constant 0 : i32
    %dma_start3A_422 = tpu.memref_slice %arg6[%dma_start3A_419, %dma_start3A_420, %dma_start3A_421] : memref<2x8x128xi32, #tpu.memory_space<vmem>> -> memref<1x1x128xi32, #tpu.memory_space<vmem>>
    %dma_start3A_423 = tpu.memref_squeeze %dma_start3A_422 : memref<1x1x128xi32, #tpu.memory_space<vmem>> -> memref<128xi32, #tpu.memory_space<vmem>>
    %dma_start3A_424 = arith.constant 0 : i32
    %dma_start3A_425 = arith.constant 0 : i32
    %dma_start3A_426 = tpu.memref_slice %arg11[%dma_start3A_424, %dma_start3A_425] : memref<10112x160xbf16, #tpu.memory_space<vmem_shared>> -> memref<10112x160xbf16, #tpu.memory_space<vmem_shared>>
    tpu.enqueue_indirect_dma source(%dma_start3A_426 : memref<10112x160xbf16, #tpu.memory_space<vmem_shared>>) target(%arg8 : memref<128x160xbf16, #tpu.memory_space<vmem>>) offsets(%dma_start3A_423 : memref<128xi32, #tpu.memory_space<vmem>>) semaphore(%arg12 : memref<!tpu.dma_semaphore, #tpu.memory_space<semaphore_mem>>)
    %run_scoped3A_427 = arith.constant 1 : i32
    %run_scoped3A_428 = arith.constant 3 : i32
    "tpu.region"() ({
      %run_scoped3A_649 = tpu.sem_alloc : memref<!tpu.dma_semaphore, #tpu.memory_space<semaphore_mem>>
      %dma_start3A_650 = arith.constant 0 : i32
      %dma_start3A_651 = tpu.memref_slice %arg6[%run_scoped3A_427, %run_scoped3A_428, %dma_start3A_650] : memref<2x8x128xi32, #tpu.memory_space<vmem>> -> memref<1x1x128xi32, #tpu.memory_space<vmem>>
      %dma_start3A_652 = tpu.memref_squeeze %dma_start3A_651 : memref<1x1x128xi32, #tpu.memory_space<vmem>> -> memref<128xi32, #tpu.memory_space<vmem>>
      %dma_start3A_653 = arith.constant 0 : i32
      %dma_start3A_654 = arith.constant 0 : i32
      %dma_start3A_655 = tpu.memref_slice %arg10[%dma_start3A_653, %dma_start3A_654] : memref<10112x160xbf16, #tpu.memory_space<vmem_shared>> -> memref<10112x160xbf16, #tpu.memory_space<vmem_shared>>
      tpu.enqueue_indirect_dma source(%arg9 : memref<128x160xbf16, #tpu.memory_space<vmem>>) target(%dma_start3A_655 : memref<10112x160xbf16, #tpu.memory_space<vmem_shared>>) offsets(%dma_start3A_652 : memref<128xi32, #tpu.memory_space<vmem>>) semaphore(%run_scoped3A_649 : memref<!tpu.dma_semaphore, #tpu.memory_space<semaphore_mem>>) {add = true}
      %dma_wait3A_656 = arith.constant 0 : i32
      %dma_wait3A_657 = tpu.memref_slice %arg6[%run_scoped3A_427, %run_scoped3A_428, %dma_wait3A_656] : memref<2x8x128xi32, #tpu.memory_space<vmem>> -> memref<1x1x128xi32, #tpu.memory_space<vmem>>
      %dma_wait3A_658 = tpu.memref_squeeze %dma_wait3A_657 : memref<1x1x128xi32, #tpu.memory_space<vmem>> -> memref<128xi32, #tpu.memory_space<vmem>>
      %dma_wait3A_659 = arith.constant 0 : i32
      %dma_wait3A_660 = arith.constant 0 : i32
      %dma_wait3A_661 = tpu.memref_slice %arg10[%dma_wait3A_659, %dma_wait3A_660] : memref<10112x160xbf16, #tpu.memory_space<vmem_shared>> -> memref<10112x160xbf16, #tpu.memory_space<vmem_shared>>
      tpu.wait_indirect_dma semaphore(%run_scoped3A_649 : memref<!tpu.dma_semaphore, #tpu.memory_space<semaphore_mem>>) src(%arg9 : memref<128x160xbf16, #tpu.memory_space<vmem>>) dst(%dma_wait3A_661 : memref<10112x160xbf16, #tpu.memory_space<vmem_shared>>)
      tpu.yield
    }) : () -> ()
    %dma_wait3A_429 = arith.constant 0 : i32
    %dma_wait3A_430 = arith.constant 4 : i32
    %dma_wait3A_431 = arith.constant 0 : i32
    %dma_wait3A_432 = tpu.memref_slice %arg6[%dma_wait3A_429, %dma_wait3A_430, %dma_wait3A_431] : memref<2x8x128xi32, #tpu.memory_space<vmem>> -> memref<1x1x128xi32, #tpu.memory_space<vmem>>
    %dma_wait3A_433 = tpu.memref_squeeze %dma_wait3A_432 : memref<1x1x128xi32, #tpu.memory_space<vmem>> -> memref<128xi32, #tpu.memory_space<vmem>>
    %dma_wait3A_434 = arith.constant 0 : i32
    %dma_wait3A_435 = arith.constant 0 : i32
    %dma_wait3A_436 = tpu.memref_slice %arg11[%dma_wait3A_434, %dma_wait3A_435] : memref<10112x160xbf16, #tpu.memory_space<vmem_shared>> -> memref<10112x160xbf16, #tpu.memory_space<vmem_shared>>
    tpu.wait_indirect_dma semaphore(%arg12 : memref<!tpu.dma_semaphore, #tpu.memory_space<semaphore_mem>>) src(%dma_wait3A_436 : memref<10112x160xbf16, #tpu.memory_space<vmem_shared>>) dst(%arg8 : memref<128x160xbf16, #tpu.memory_space<vmem>>)
    %dma_start3A_437 = arith.constant 0 : i32
    %dma_start3A_438 = arith.constant 5 : i32
    %dma_start3A_439 = arith.constant 0 : i32
    %dma_start3A_440 = tpu.memref_slice %arg6[%dma_start3A_437, %dma_start3A_438, %dma_start3A_439] : memref<2x8x128xi32, #tpu.memory_space<vmem>> -> memref<1x1x128xi32, #tpu.memory_space<vmem>>
    %dma_start3A_441 = tpu.memref_squeeze %dma_start3A_440 : memref<1x1x128xi32, #tpu.memory_space<vmem>> -> memref<128xi32, #tpu.memory_space<vmem>>
    %dma_start3A_442 = arith.constant 0 : i32
    %dma_start3A_443 = arith.constant 0 : i32
    %dma_start3A_444 = tpu.memref_slice %arg11[%dma_start3A_442, %dma_start3A_443] : memref<10112x160xbf16, #tpu.memory_space<vmem_shared>> -> memref<10112x160xbf16, #tpu.memory_space<vmem_shared>>
    tpu.enqueue_indirect_dma source(%dma_start3A_444 : memref<10112x160xbf16, #tpu.memory_space<vmem_shared>>) target(%arg9 : memref<128x160xbf16, #tpu.memory_space<vmem>>) offsets(%dma_start3A_441 : memref<128xi32, #tpu.memory_space<vmem>>) semaphore(%arg13 : memref<!tpu.dma_semaphore, #tpu.memory_space<semaphore_mem>>)
    %run_scoped3A_445 = arith.constant 1 : i32
    %run_scoped3A_446 = arith.constant 4 : i32
    "tpu.region"() ({
      %run_scoped3A_649 = tpu.sem_alloc : memref<!tpu.dma_semaphore, #tpu.memory_space<semaphore_mem>>
      %dma_start3A_650 = arith.constant 0 : i32
      %dma_start3A_651 = tpu.memref_slice %arg6[%run_scoped3A_445, %run_scoped3A_446, %dma_start3A_650] : memref<2x8x128xi32, #tpu.memory_space<vmem>> -> memref<1x1x128xi32, #tpu.memory_space<vmem>>
      %dma_start3A_652 = tpu.memref_squeeze %dma_start3A_651 : memref<1x1x128xi32, #tpu.memory_space<vmem>> -> memref<128xi32, #tpu.memory_space<vmem>>
      %dma_start3A_653 = arith.constant 0 : i32
      %dma_start3A_654 = arith.constant 0 : i32
      %dma_start3A_655 = tpu.memref_slice %arg10[%dma_start3A_653, %dma_start3A_654] : memref<10112x160xbf16, #tpu.memory_space<vmem_shared>> -> memref<10112x160xbf16, #tpu.memory_space<vmem_shared>>
      tpu.enqueue_indirect_dma source(%arg8 : memref<128x160xbf16, #tpu.memory_space<vmem>>) target(%dma_start3A_655 : memref<10112x160xbf16, #tpu.memory_space<vmem_shared>>) offsets(%dma_start3A_652 : memref<128xi32, #tpu.memory_space<vmem>>) semaphore(%run_scoped3A_649 : memref<!tpu.dma_semaphore, #tpu.memory_space<semaphore_mem>>) {add = true}
      %dma_wait3A_656 = arith.constant 0 : i32
      %dma_wait3A_657 = tpu.memref_slice %arg6[%run_scoped3A_445, %run_scoped3A_446, %dma_wait3A_656] : memref<2x8x128xi32, #tpu.memory_space<vmem>> -> memref<1x1x128xi32, #tpu.memory_space<vmem>>
      %dma_wait3A_658 = tpu.memref_squeeze %dma_wait3A_657 : memref<1x1x128xi32, #tpu.memory_space<vmem>> -> memref<128xi32, #tpu.memory_space<vmem>>
      %dma_wait3A_659 = arith.constant 0 : i32
      %dma_wait3A_660 = arith.constant 0 : i32
      %dma_wait3A_661 = tpu.memref_slice %arg10[%dma_wait3A_659, %dma_wait3A_660] : memref<10112x160xbf16, #tpu.memory_space<vmem_shared>> -> memref<10112x160xbf16, #tpu.memory_space<vmem_shared>>
      tpu.wait_indirect_dma semaphore(%run_scoped3A_649 : memref<!tpu.dma_semaphore, #tpu.memory_space<semaphore_mem>>) src(%arg8 : memref<128x160xbf16, #tpu.memory_space<vmem>>) dst(%dma_wait3A_661 : memref<10112x160xbf16, #tpu.memory_space<vmem_shared>>)
      tpu.yield
    }) : () -> ()
    %dma_wait3A_447 = arith.constant 0 : i32
    %dma_wait3A_448 = arith.constant 5 : i32
    %dma_wait3A_449 = arith.constant 0 : i32
    %dma_wait3A_450 = tpu.memref_slice %arg6[%dma_wait3A_447, %dma_wait3A_448, %dma_wait3A_449] : memref<2x8x128xi32, #tpu.memory_space<vmem>> -> memref<1x1x128xi32, #tpu.memory_space<vmem>>
    %dma_wait3A_451 = tpu.memref_squeeze %dma_wait3A_450 : memref<1x1x128xi32, #tpu.memory_space<vmem>> -> memref<128xi32, #tpu.memory_space<vmem>>
    %dma_wait3A_452 = arith.constant 0 : i32
    %dma_wait3A_453 = arith.constant 0 : i32
    %dma_wait3A_454 = tpu.memref_slice %arg11[%dma_wait3A_452, %dma_wait3A_453] : memref<10112x160xbf16, #tpu.memory_space<vmem_shared>> -> memref<10112x160xbf16, #tpu.memory_space<vmem_shared>>
    tpu.wait_indirect_dma semaphore(%arg13 : memref<!tpu.dma_semaphore, #tpu.memory_space<semaphore_mem>>) src(%dma_wait3A_454 : memref<10112x160xbf16, #tpu.memory_space<vmem_shared>>) dst(%arg9 : memref<128x160xbf16, #tpu.memory_space<vmem>>)
    %dma_start3A_455 = arith.constant 0 : i32
    %dma_start3A_456 = arith.constant 6 : i32
    %dma_start3A_457 = arith.constant 0 : i32
    %dma_start3A_458 = tpu.memref_slice %arg6[%dma_start3A_455, %dma_start3A_456, %dma_start3A_457] : memref<2x8x128xi32, #tpu.memory_space<vmem>> -> memref<1x1x128xi32, #tpu.memory_space<vmem>>
    %dma_start3A_459 = tpu.memref_squeeze %dma_start3A_458 : memref<1x1x128xi32, #tpu.memory_space<vmem>> -> memref<128xi32, #tpu.memory_space<vmem>>
    %dma_start3A_460 = arith.constant 0 : i32
    %dma_start3A_461 = arith.constant 0 : i32
    %dma_start3A_462 = tpu.memref_slice %arg11[%dma_start3A_460, %dma_start3A_461] : memref<10112x160xbf16, #tpu.memory_space<vmem_shared>> -> memref<10112x160xbf16, #tpu.memory_space<vmem_shared>>
    tpu.enqueue_indirect_dma source(%dma_start3A_462 : memref<10112x160xbf16, #tpu.memory_space<vmem_shared>>) target(%arg8 : memref<128x160xbf16, #tpu.memory_space<vmem>>) offsets(%dma_start3A_459 : memref<128xi32, #tpu.memory_space<vmem>>) semaphore(%arg12 : memref<!tpu.dma_semaphore, #tpu.memory_space<semaphore_mem>>)
    %run_scoped3A_463 = arith.constant 1 : i32
    %run_scoped3A_464 = arith.constant 5 : i32
    "tpu.region"() ({
      %run_scoped3A_649 = tpu.sem_alloc : memref<!tpu.dma_semaphore, #tpu.memory_space<semaphore_mem>>
      %dma_start3A_650 = arith.constant 0 : i32
      %dma_start3A_651 = tpu.memref_slice %arg6[%run_scoped3A_463, %run_scoped3A_464, %dma_start3A_650] : memref<2x8x128xi32, #tpu.memory_space<vmem>> -> memref<1x1x128xi32, #tpu.memory_space<vmem>>
      %dma_start3A_652 = tpu.memref_squeeze %dma_start3A_651 : memref<1x1x128xi32, #tpu.memory_space<vmem>> -> memref<128xi32, #tpu.memory_space<vmem>>
      %dma_start3A_653 = arith.constant 0 : i32
      %dma_start3A_654 = arith.constant 0 : i32
      %dma_start3A_655 = tpu.memref_slice %arg10[%dma_start3A_653, %dma_start3A_654] : memref<10112x160xbf16, #tpu.memory_space<vmem_shared>> -> memref<10112x160xbf16, #tpu.memory_space<vmem_shared>>
      tpu.enqueue_indirect_dma source(%arg9 : memref<128x160xbf16, #tpu.memory_space<vmem>>) target(%dma_start3A_655 : memref<10112x160xbf16, #tpu.memory_space<vmem_shared>>) offsets(%dma_start3A_652 : memref<128xi32, #tpu.memory_space<vmem>>) semaphore(%run_scoped3A_649 : memref<!tpu.dma_semaphore, #tpu.memory_space<semaphore_mem>>) {add = true}
      %dma_wait3A_656 = arith.constant 0 : i32
      %dma_wait3A_657 = tpu.memref_slice %arg6[%run_scoped3A_463, %run_scoped3A_464, %dma_wait3A_656] : memref<2x8x128xi32, #tpu.memory_space<vmem>> -> memref<1x1x128xi32, #tpu.memory_space<vmem>>
      %dma_wait3A_658 = tpu.memref_squeeze %dma_wait3A_657 : memref<1x1x128xi32, #tpu.memory_space<vmem>> -> memref<128xi32, #tpu.memory_space<vmem>>
      %dma_wait3A_659 = arith.constant 0 : i32
      %dma_wait3A_660 = arith.constant 0 : i32
      %dma_wait3A_661 = tpu.memref_slice %arg10[%dma_wait3A_659, %dma_wait3A_660] : memref<10112x160xbf16, #tpu.memory_space<vmem_shared>> -> memref<10112x160xbf16, #tpu.memory_space<vmem_shared>>
      tpu.wait_indirect_dma semaphore(%run_scoped3A_649 : memref<!tpu.dma_semaphore, #tpu.memory_space<semaphore_mem>>) src(%arg9 : memref<128x160xbf16, #tpu.memory_space<vmem>>) dst(%dma_wait3A_661 : memref<10112x160xbf16, #tpu.memory_space<vmem_shared>>)
      tpu.yield
    }) : () -> ()
    %dma_wait3A_465 = arith.constant 0 : i32
    %dma_wait3A_466 = arith.constant 6 : i32
    %dma_wait3A_467 = arith.constant 0 : i32
    %dma_wait3A_468 = tpu.memref_slice %arg6[%dma_wait3A_465, %dma_wait3A_466, %dma_wait3A_467] : memref<2x8x128xi32, #tpu.memory_space<vmem>> -> memref<1x1x128xi32, #tpu.memory_space<vmem>>
    %dma_wait3A_469 = tpu.memref_squeeze %dma_wait3A_468 : memref<1x1x128xi32, #tpu.memory_space<vmem>> -> memref<128xi32, #tpu.memory_space<vmem>>
    %dma_wait3A_470 = arith.constant 0 : i32
    %dma_wait3A_471 = arith.constant 0 : i32
    %dma_wait3A_472 = tpu.memref_slice %arg11[%dma_wait3A_470, %dma_wait3A_471] : memref<10112x160xbf16, #tpu.memory_space<vmem_shared>> -> memref<10112x160xbf16, #tpu.memory_space<vmem_shared>>
    tpu.wait_indirect_dma semaphore(%arg12 : memref<!tpu.dma_semaphore, #tpu.memory_space<semaphore_mem>>) src(%dma_wait3A_472 : memref<10112x160xbf16, #tpu.memory_space<vmem_shared>>) dst(%arg8 : memref<128x160xbf16, #tpu.memory_space<vmem>>)
    %dma_start3A_473 = arith.constant 0 : i32
    %dma_start3A_474 = arith.constant 7 : i32
    %dma_start3A_475 = arith.constant 0 : i32
    %dma_start3A_476 = tpu.memref_slice %arg6[%dma_start3A_473, %dma_start3A_474, %dma_start3A_475] : memref<2x8x128xi32, #tpu.memory_space<vmem>> -> memref<1x1x128xi32, #tpu.memory_space<vmem>>
    %dma_start3A_477 = tpu.memref_squeeze %dma_start3A_476 : memref<1x1x128xi32, #tpu.memory_space<vmem>> -> memref<128xi32, #tpu.memory_space<vmem>>
    %dma_start3A_478 = arith.constant 0 : i32
    %dma_start3A_479 = arith.constant 0 : i32
    %dma_start3A_480 = tpu.memref_slice %arg11[%dma_start3A_478, %dma_start3A_479] : memref<10112x160xbf16, #tpu.memory_space<vmem_shared>> -> memref<10112x160xbf16, #tpu.memory_space<vmem_shared>>
    tpu.enqueue_indirect_dma source(%dma_start3A_480 : memref<10112x160xbf16, #tpu.memory_space<vmem_shared>>) target(%arg9 : memref<128x160xbf16, #tpu.memory_space<vmem>>) offsets(%dma_start3A_477 : memref<128xi32, #tpu.memory_space<vmem>>) semaphore(%arg13 : memref<!tpu.dma_semaphore, #tpu.memory_space<semaphore_mem>>)
    %run_scoped3A_481 = arith.constant 1 : i32
    %run_scoped3A_482 = arith.constant 6 : i32
    "tpu.region"() ({
      %run_scoped3A_649 = tpu.sem_alloc : memref<!tpu.dma_semaphore, #tpu.memory_space<semaphore_mem>>
      %dma_start3A_650 = arith.constant 0 : i32
      %dma_start3A_651 = tpu.memref_slice %arg6[%run_scoped3A_481, %run_scoped3A_482, %dma_start3A_650] : memref<2x8x128xi32, #tpu.memory_space<vmem>> -> memref<1x1x128xi32, #tpu.memory_space<vmem>>
      %dma_start3A_652 = tpu.memref_squeeze %dma_start3A_651 : memref<1x1x128xi32, #tpu.memory_space<vmem>> -> memref<128xi32, #tpu.memory_space<vmem>>
      %dma_start3A_653 = arith.constant 0 : i32
      %dma_start3A_654 = arith.constant 0 : i32
      %dma_start3A_655 = tpu.memref_slice %arg10[%dma_start3A_653, %dma_start3A_654] : memref<10112x160xbf16, #tpu.memory_space<vmem_shared>> -> memref<10112x160xbf16, #tpu.memory_space<vmem_shared>>
      tpu.enqueue_indirect_dma source(%arg8 : memref<128x160xbf16, #tpu.memory_space<vmem>>) target(%dma_start3A_655 : memref<10112x160xbf16, #tpu.memory_space<vmem_shared>>) offsets(%dma_start3A_652 : memref<128xi32, #tpu.memory_space<vmem>>) semaphore(%run_scoped3A_649 : memref<!tpu.dma_semaphore, #tpu.memory_space<semaphore_mem>>) {add = true}
      %dma_wait3A_656 = arith.constant 0 : i32
      %dma_wait3A_657 = tpu.memref_slice %arg6[%run_scoped3A_481, %run_scoped3A_482, %dma_wait3A_656] : memref<2x8x128xi32, #tpu.memory_space<vmem>> -> memref<1x1x128xi32, #tpu.memory_space<vmem>>
      %dma_wait3A_658 = tpu.memref_squeeze %dma_wait3A_657 : memref<1x1x128xi32, #tpu.memory_space<vmem>> -> memref<128xi32, #tpu.memory_space<vmem>>
      %dma_wait3A_659 = arith.constant 0 : i32
      %dma_wait3A_660 = arith.constant 0 : i32
      %dma_wait3A_661 = tpu.memref_slice %arg10[%dma_wait3A_659, %dma_wait3A_660] : memref<10112x160xbf16, #tpu.memory_space<vmem_shared>> -> memref<10112x160xbf16, #tpu.memory_space<vmem_shared>>
      tpu.wait_indirect_dma semaphore(%run_scoped3A_649 : memref<!tpu.dma_semaphore, #tpu.memory_space<semaphore_mem>>) src(%arg8 : memref<128x160xbf16, #tpu.memory_space<vmem>>) dst(%dma_wait3A_661 : memref<10112x160xbf16, #tpu.memory_space<vmem_shared>>)
      tpu.yield
    }) : () -> ()
    %dma_wait3A_483 = arith.constant 0 : i32
    %dma_wait3A_484 = arith.constant 7 : i32
    %dma_wait3A_485 = arith.constant 0 : i32
    %dma_wait3A_486 = tpu.memref_slice %arg6[%dma_wait3A_483, %dma_wait3A_484, %dma_wait3A_485] : memref<2x8x128xi32, #tpu.memory_space<vmem>> -> memref<1x1x128xi32, #tpu.memory_space<vmem>>
    %dma_wait3A_487 = tpu.memref_squeeze %dma_wait3A_486 : memref<1x1x128xi32, #tpu.memory_space<vmem>> -> memref<128xi32, #tpu.memory_space<vmem>>
    %dma_wait3A_488 = arith.constant 0 : i32
    %dma_wait3A_489 = arith.constant 0 : i32
    %dma_wait3A_490 = tpu.memref_slice %arg11[%dma_wait3A_488, %dma_wait3A_489] : memref<10112x160xbf16, #tpu.memory_space<vmem_shared>> -> memref<10112x160xbf16, #tpu.memory_space<vmem_shared>>
    tpu.wait_indirect_dma semaphore(%arg13 : memref<!tpu.dma_semaphore, #tpu.memory_space<semaphore_mem>>) src(%dma_wait3A_490 : memref<10112x160xbf16, #tpu.memory_space<vmem_shared>>) dst(%arg9 : memref<128x160xbf16, #tpu.memory_space<vmem>>)
    %dma_wait3A_491 = arith.constant 9 : i32
    %dma_wait3A_492 = arith.constant 0 : i32
    %dma_wait3A_493 = arith.constant 0 : i32
    %dma_wait3A_494 = arith.constant 0 : i32
    %dma_wait3A_495 = tpu.memref_slice %arg3[%add3A, %dma_wait3A_491, %dma_wait3A_492, %dma_wait3A_493, %dma_wait3A_494] : memref<32x10x2x8x128xi32, #tpu.memory_space<hbm>> -> memref<1x1x2x8x128xi32, #tpu.memory_space<hbm>>
    %dma_wait3A_496 = tpu.memref_squeeze %dma_wait3A_495 : memref<1x1x2x8x128xi32, #tpu.memory_space<hbm>> -> memref<2x8x128xi32, #tpu.memory_space<hbm>>
    %dma_wait3A_497 = arith.constant 0 : i32
    %dma_wait3A_498 = arith.constant 0 : i32
    %dma_wait3A_499 = arith.constant 0 : i32
    %dma_wait3A_500 = tpu.memref_slice %arg3[%add3A, %dma_wait3A_491, %dma_wait3A_497, %dma_wait3A_498, %dma_wait3A_499] : memref<32x10x2x8x128xi32, #tpu.memory_space<hbm>> -> memref<1x1x2x8x128xi32, #tpu.memory_space<hbm>>
    %dma_wait3A_501 = tpu.memref_squeeze %dma_wait3A_500 : memref<1x1x2x8x128xi32, #tpu.memory_space<hbm>> -> memref<2x8x128xi32, #tpu.memory_space<hbm>>
    tpu.wait_dma2 semaphore(%arg14 : memref<!tpu.dma_semaphore, #tpu.memory_space<semaphore_mem>>) src(%dma_wait3A_501 : memref<2x8x128xi32, #tpu.memory_space<hbm>>) dst(%arg7 : memref<2x8x128xi32, #tpu.memory_space<vmem>>)
    %dma_start3A_502 = arith.constant 0 : i32
    %dma_start3A_503 = arith.constant 0 : i32
    %dma_start3A_504 = arith.constant 0 : i32
    %dma_start3A_505 = tpu.memref_slice %arg7[%dma_start3A_502, %dma_start3A_503, %dma_start3A_504] : memref<2x8x128xi32, #tpu.memory_space<vmem>> -> memref<1x1x128xi32, #tpu.memory_space<vmem>>
    %dma_start3A_506 = tpu.memref_squeeze %dma_start3A_505 : memref<1x1x128xi32, #tpu.memory_space<vmem>> -> memref<128xi32, #tpu.memory_space<vmem>>
    %dma_start3A_507 = arith.constant 0 : i32
    %dma_start3A_508 = arith.constant 0 : i32
    %dma_start3A_509 = tpu.memref_slice %arg11[%dma_start3A_507, %dma_start3A_508] : memref<10112x160xbf16, #tpu.memory_space<vmem_shared>> -> memref<10112x160xbf16, #tpu.memory_space<vmem_shared>>
    tpu.enqueue_indirect_dma source(%dma_start3A_509 : memref<10112x160xbf16, #tpu.memory_space<vmem_shared>>) target(%arg8 : memref<128x160xbf16, #tpu.memory_space<vmem>>) offsets(%dma_start3A_506 : memref<128xi32, #tpu.memory_space<vmem>>) semaphore(%arg12 : memref<!tpu.dma_semaphore, #tpu.memory_space<semaphore_mem>>)
    %run_scoped3A_510 = arith.constant 1 : i32
    %run_scoped3A_511 = arith.constant 7 : i32
    "tpu.region"() ({
      %run_scoped3A_649 = tpu.sem_alloc : memref<!tpu.dma_semaphore, #tpu.memory_space<semaphore_mem>>
      %dma_start3A_650 = arith.constant 0 : i32
      %dma_start3A_651 = tpu.memref_slice %arg6[%run_scoped3A_510, %run_scoped3A_511, %dma_start3A_650] : memref<2x8x128xi32, #tpu.memory_space<vmem>> -> memref<1x1x128xi32, #tpu.memory_space<vmem>>
      %dma_start3A_652 = tpu.memref_squeeze %dma_start3A_651 : memref<1x1x128xi32, #tpu.memory_space<vmem>> -> memref<128xi32, #tpu.memory_space<vmem>>
      %dma_start3A_653 = arith.constant 0 : i32
      %dma_start3A_654 = arith.constant 0 : i32
      %dma_start3A_655 = tpu.memref_slice %arg10[%dma_start3A_653, %dma_start3A_654] : memref<10112x160xbf16, #tpu.memory_space<vmem_shared>> -> memref<10112x160xbf16, #tpu.memory_space<vmem_shared>>
      tpu.enqueue_indirect_dma source(%arg9 : memref<128x160xbf16, #tpu.memory_space<vmem>>) target(%dma_start3A_655 : memref<10112x160xbf16, #tpu.memory_space<vmem_shared>>) offsets(%dma_start3A_652 : memref<128xi32, #tpu.memory_space<vmem>>) semaphore(%run_scoped3A_649 : memref<!tpu.dma_semaphore, #tpu.memory_space<semaphore_mem>>) {add = true}
      %dma_wait3A_656 = arith.constant 0 : i32
      %dma_wait3A_657 = tpu.memref_slice %arg6[%run_scoped3A_510, %run_scoped3A_511, %dma_wait3A_656] : memref<2x8x128xi32, #tpu.memory_space<vmem>> -> memref<1x1x128xi32, #tpu.memory_space<vmem>>
      %dma_wait3A_658 = tpu.memref_squeeze %dma_wait3A_657 : memref<1x1x128xi32, #tpu.memory_space<vmem>> -> memref<128xi32, #tpu.memory_space<vmem>>
      %dma_wait3A_659 = arith.constant 0 : i32
      %dma_wait3A_660 = arith.constant 0 : i32
      %dma_wait3A_661 = tpu.memref_slice %arg10[%dma_wait3A_659, %dma_wait3A_660] : memref<10112x160xbf16, #tpu.memory_space<vmem_shared>> -> memref<10112x160xbf16, #tpu.memory_space<vmem_shared>>
      tpu.wait_indirect_dma semaphore(%run_scoped3A_649 : memref<!tpu.dma_semaphore, #tpu.memory_space<semaphore_mem>>) src(%arg9 : memref<128x160xbf16, #tpu.memory_space<vmem>>) dst(%dma_wait3A_661 : memref<10112x160xbf16, #tpu.memory_space<vmem_shared>>)
      tpu.yield
    }) : () -> ()
    %dma_wait3A_512 = arith.constant 0 : i32
    %dma_wait3A_513 = arith.constant 0 : i32
    %dma_wait3A_514 = arith.constant 0 : i32
    %dma_wait3A_515 = tpu.memref_slice %arg7[%dma_wait3A_512, %dma_wait3A_513, %dma_wait3A_514] : memref<2x8x128xi32, #tpu.memory_space<vmem>> -> memref<1x1x128xi32, #tpu.memory_space<vmem>>
    %dma_wait3A_516 = tpu.memref_squeeze %dma_wait3A_515 : memref<1x1x128xi32, #tpu.memory_space<vmem>> -> memref<128xi32, #tpu.memory_space<vmem>>
    %dma_wait3A_517 = arith.constant 0 : i32
    %dma_wait3A_518 = arith.constant 0 : i32
    %dma_wait3A_519 = tpu.memref_slice %arg11[%dma_wait3A_517, %dma_wait3A_518] : memref<10112x160xbf16, #tpu.memory_space<vmem_shared>> -> memref<10112x160xbf16, #tpu.memory_space<vmem_shared>>
    tpu.wait_indirect_dma semaphore(%arg12 : memref<!tpu.dma_semaphore, #tpu.memory_space<semaphore_mem>>) src(%dma_wait3A_519 : memref<10112x160xbf16, #tpu.memory_space<vmem_shared>>) dst(%arg8 : memref<128x160xbf16, #tpu.memory_space<vmem>>)
    %dma_start3A_520 = arith.constant 0 : i32
    %dma_start3A_521 = arith.constant 1 : i32
    %dma_start3A_522 = arith.constant 0 : i32
    %dma_start3A_523 = tpu.memref_slice %arg7[%dma_start3A_520, %dma_start3A_521, %dma_start3A_522] : memref<2x8x128xi32, #tpu.memory_space<vmem>> -> memref<1x1x128xi32, #tpu.memory_space<vmem>>
    %dma_start3A_524 = tpu.memref_squeeze %dma_start3A_523 : memref<1x1x128xi32, #tpu.memory_space<vmem>> -> memref<128xi32, #tpu.memory_space<vmem>>
    %dma_start3A_525 = arith.constant 0 : i32
    %dma_start3A_526 = arith.constant 0 : i32
    %dma_start3A_527 = tpu.memref_slice %arg11[%dma_start3A_525, %dma_start3A_526] : memref<10112x160xbf16, #tpu.memory_space<vmem_shared>> -> memref<10112x160xbf16, #tpu.memory_space<vmem_shared>>
    tpu.enqueue_indirect_dma source(%dma_start3A_527 : memref<10112x160xbf16, #tpu.memory_space<vmem_shared>>) target(%arg9 : memref<128x160xbf16, #tpu.memory_space<vmem>>) offsets(%dma_start3A_524 : memref<128xi32, #tpu.memory_space<vmem>>) semaphore(%arg13 : memref<!tpu.dma_semaphore, #tpu.memory_space<semaphore_mem>>)
    %run_scoped3A_528 = arith.constant 1 : i32
    %run_scoped3A_529 = arith.constant 0 : i32
    "tpu.region"() ({
      %run_scoped3A_649 = tpu.sem_alloc : memref<!tpu.dma_semaphore, #tpu.memory_space<semaphore_mem>>
      %dma_start3A_650 = arith.constant 0 : i32
      %dma_start3A_651 = tpu.memref_slice %arg7[%run_scoped3A_528, %run_scoped3A_529, %dma_start3A_650] : memref<2x8x128xi32, #tpu.memory_space<vmem>> -> memref<1x1x128xi32, #tpu.memory_space<vmem>>
      %dma_start3A_652 = tpu.memref_squeeze %dma_start3A_651 : memref<1x1x128xi32, #tpu.memory_space<vmem>> -> memref<128xi32, #tpu.memory_space<vmem>>
      %dma_start3A_653 = arith.constant 0 : i32
      %dma_start3A_654 = arith.constant 0 : i32
      %dma_start3A_655 = tpu.memref_slice %arg10[%dma_start3A_653, %dma_start3A_654] : memref<10112x160xbf16, #tpu.memory_space<vmem_shared>> -> memref<10112x160xbf16, #tpu.memory_space<vmem_shared>>
      tpu.enqueue_indirect_dma source(%arg8 : memref<128x160xbf16, #tpu.memory_space<vmem>>) target(%dma_start3A_655 : memref<10112x160xbf16, #tpu.memory_space<vmem_shared>>) offsets(%dma_start3A_652 : memref<128xi32, #tpu.memory_space<vmem>>) semaphore(%run_scoped3A_649 : memref<!tpu.dma_semaphore, #tpu.memory_space<semaphore_mem>>) {add = true}
      %dma_wait3A_656 = arith.constant 0 : i32
      %dma_wait3A_657 = tpu.memref_slice %arg7[%run_scoped3A_528, %run_scoped3A_529, %dma_wait3A_656] : memref<2x8x128xi32, #tpu.memory_space<vmem>> -> memref<1x1x128xi32, #tpu.memory_space<vmem>>
      %dma_wait3A_658 = tpu.memref_squeeze %dma_wait3A_657 : memref<1x1x128xi32, #tpu.memory_space<vmem>> -> memref<128xi32, #tpu.memory_space<vmem>>
      %dma_wait3A_659 = arith.constant 0 : i32
      %dma_wait3A_660 = arith.constant 0 : i32
      %dma_wait3A_661 = tpu.memref_slice %arg10[%dma_wait3A_659, %dma_wait3A_660] : memref<10112x160xbf16, #tpu.memory_space<vmem_shared>> -> memref<10112x160xbf16, #tpu.memory_space<vmem_shared>>
      tpu.wait_indirect_dma semaphore(%run_scoped3A_649 : memref<!tpu.dma_semaphore, #tpu.memory_space<semaphore_mem>>) src(%arg8 : memref<128x160xbf16, #tpu.memory_space<vmem>>) dst(%dma_wait3A_661 : memref<10112x160xbf16, #tpu.memory_space<vmem_shared>>)
      tpu.yield
    }) : () -> ()
    %dma_wait3A_530 = arith.constant 0 : i32
    %dma_wait3A_531 = arith.constant 1 : i32
    %dma_wait3A_532 = arith.constant 0 : i32
    %dma_wait3A_533 = tpu.memref_slice %arg7[%dma_wait3A_530, %dma_wait3A_531, %dma_wait3A_532] : memref<2x8x128xi32, #tpu.memory_space<vmem>> -> memref<1x1x128xi32, #tpu.memory_space<vmem>>
    %dma_wait3A_534 = tpu.memref_squeeze %dma_wait3A_533 : memref<1x1x128xi32, #tpu.memory_space<vmem>> -> memref<128xi32, #tpu.memory_space<vmem>>
    %dma_wait3A_535 = arith.constant 0 : i32
    %dma_wait3A_536 = arith.constant 0 : i32
    %dma_wait3A_537 = tpu.memref_slice %arg11[%dma_wait3A_535, %dma_wait3A_536] : memref<10112x160xbf16, #tpu.memory_space<vmem_shared>> -> memref<10112x160xbf16, #tpu.memory_space<vmem_shared>>
    tpu.wait_indirect_dma semaphore(%arg13 : memref<!tpu.dma_semaphore, #tpu.memory_space<semaphore_mem>>) src(%dma_wait3A_537 : memref<10112x160xbf16, #tpu.memory_space<vmem_shared>>) dst(%arg9 : memref<128x160xbf16, #tpu.memory_space<vmem>>)
    %dma_start3A_538 = arith.constant 0 : i32
    %dma_start3A_539 = arith.constant 2 : i32
    %dma_start3A_540 = arith.constant 0 : i32
    %dma_start3A_541 = tpu.memref_slice %arg7[%dma_start3A_538, %dma_start3A_539, %dma_start3A_540] : memref<2x8x128xi32, #tpu.memory_space<vmem>> -> memref<1x1x128xi32, #tpu.memory_space<vmem>>
    %dma_start3A_542 = tpu.memref_squeeze %dma_start3A_541 : memref<1x1x128xi32, #tpu.memory_space<vmem>> -> memref<128xi32, #tpu.memory_space<vmem>>
    %dma_start3A_543 = arith.constant 0 : i32
    %dma_start3A_544 = arith.constant 0 : i32
    %dma_start3A_545 = tpu.memref_slice %arg11[%dma_start3A_543, %dma_start3A_544] : memref<10112x160xbf16, #tpu.memory_space<vmem_shared>> -> memref<10112x160xbf16, #tpu.memory_space<vmem_shared>>
    tpu.enqueue_indirect_dma source(%dma_start3A_545 : memref<10112x160xbf16, #tpu.memory_space<vmem_shared>>) target(%arg8 : memref<128x160xbf16, #tpu.memory_space<vmem>>) offsets(%dma_start3A_542 : memref<128xi32, #tpu.memory_space<vmem>>) semaphore(%arg12 : memref<!tpu.dma_semaphore, #tpu.memory_space<semaphore_mem>>)
    %run_scoped3A_546 = arith.constant 1 : i32
    %run_scoped3A_547 = arith.constant 1 : i32
    "tpu.region"() ({
      %run_scoped3A_649 = tpu.sem_alloc : memref<!tpu.dma_semaphore, #tpu.memory_space<semaphore_mem>>
      %dma_start3A_650 = arith.constant 0 : i32
      %dma_start3A_651 = tpu.memref_slice %arg7[%run_scoped3A_546, %run_scoped3A_547, %dma_start3A_650] : memref<2x8x128xi32, #tpu.memory_space<vmem>> -> memref<1x1x128xi32, #tpu.memory_space<vmem>>
      %dma_start3A_652 = tpu.memref_squeeze %dma_start3A_651 : memref<1x1x128xi32, #tpu.memory_space<vmem>> -> memref<128xi32, #tpu.memory_space<vmem>>
      %dma_start3A_653 = arith.constant 0 : i32
      %dma_start3A_654 = arith.constant 0 : i32
      %dma_start3A_655 = tpu.memref_slice %arg10[%dma_start3A_653, %dma_start3A_654] : memref<10112x160xbf16, #tpu.memory_space<vmem_shared>> -> memref<10112x160xbf16, #tpu.memory_space<vmem_shared>>
      tpu.enqueue_indirect_dma source(%arg9 : memref<128x160xbf16, #tpu.memory_space<vmem>>) target(%dma_start3A_655 : memref<10112x160xbf16, #tpu.memory_space<vmem_shared>>) offsets(%dma_start3A_652 : memref<128xi32, #tpu.memory_space<vmem>>) semaphore(%run_scoped3A_649 : memref<!tpu.dma_semaphore, #tpu.memory_space<semaphore_mem>>) {add = true}
      %dma_wait3A_656 = arith.constant 0 : i32
      %dma_wait3A_657 = tpu.memref_slice %arg7[%run_scoped3A_546, %run_scoped3A_547, %dma_wait3A_656] : memref<2x8x128xi32, #tpu.memory_space<vmem>> -> memref<1x1x128xi32, #tpu.memory_space<vmem>>
      %dma_wait3A_658 = tpu.memref_squeeze %dma_wait3A_657 : memref<1x1x128xi32, #tpu.memory_space<vmem>> -> memref<128xi32, #tpu.memory_space<vmem>>
      %dma_wait3A_659 = arith.constant 0 : i32
      %dma_wait3A_660 = arith.constant 0 : i32
      %dma_wait3A_661 = tpu.memref_slice %arg10[%dma_wait3A_659, %dma_wait3A_660] : memref<10112x160xbf16, #tpu.memory_space<vmem_shared>> -> memref<10112x160xbf16, #tpu.memory_space<vmem_shared>>
      tpu.wait_indirect_dma semaphore(%run_scoped3A_649 : memref<!tpu.dma_semaphore, #tpu.memory_space<semaphore_mem>>) src(%arg9 : memref<128x160xbf16, #tpu.memory_space<vmem>>) dst(%dma_wait3A_661 : memref<10112x160xbf16, #tpu.memory_space<vmem_shared>>)
      tpu.yield
    }) : () -> ()
    %dma_wait3A_548 = arith.constant 0 : i32
    %dma_wait3A_549 = arith.constant 2 : i32
    %dma_wait3A_550 = arith.constant 0 : i32
    %dma_wait3A_551 = tpu.memref_slice %arg7[%dma_wait3A_548, %dma_wait3A_549, %dma_wait3A_550] : memref<2x8x128xi32, #tpu.memory_space<vmem>> -> memref<1x1x128xi32, #tpu.memory_space<vmem>>
    %dma_wait3A_552 = tpu.memref_squeeze %dma_wait3A_551 : memref<1x1x128xi32, #tpu.memory_space<vmem>> -> memref<128xi32, #tpu.memory_space<vmem>>
    %dma_wait3A_553 = arith.constant 0 : i32
    %dma_wait3A_554 = arith.constant 0 : i32
    %dma_wait3A_555 = tpu.memref_slice %arg11[%dma_wait3A_553, %dma_wait3A_554] : memref<10112x160xbf16, #tpu.memory_space<vmem_shared>> -> memref<10112x160xbf16, #tpu.memory_space<vmem_shared>>
    tpu.wait_indirect_dma semaphore(%arg12 : memref<!tpu.dma_semaphore, #tpu.memory_space<semaphore_mem>>) src(%dma_wait3A_555 : memref<10112x160xbf16, #tpu.memory_space<vmem_shared>>) dst(%arg8 : memref<128x160xbf16, #tpu.memory_space<vmem>>)
    %dma_start3A_556 = arith.constant 0 : i32
    %dma_start3A_557 = arith.constant 3 : i32
    %dma_start3A_558 = arith.constant 0 : i32
    %dma_start3A_559 = tpu.memref_slice %arg7[%dma_start3A_556, %dma_start3A_557, %dma_start3A_558] : memref<2x8x128xi32, #tpu.memory_space<vmem>> -> memref<1x1x128xi32, #tpu.memory_space<vmem>>
    %dma_start3A_560 = tpu.memref_squeeze %dma_start3A_559 : memref<1x1x128xi32, #tpu.memory_space<vmem>> -> memref<128xi32, #tpu.memory_space<vmem>>
    %dma_start3A_561 = arith.constant 0 : i32
    %dma_start3A_562 = arith.constant 0 : i32
    %dma_start3A_563 = tpu.memref_slice %arg11[%dma_start3A_561, %dma_start3A_562] : memref<10112x160xbf16, #tpu.memory_space<vmem_shared>> -> memref<10112x160xbf16, #tpu.memory_space<vmem_shared>>
    tpu.enqueue_indirect_dma source(%dma_start3A_563 : memref<10112x160xbf16, #tpu.memory_space<vmem_shared>>) target(%arg9 : memref<128x160xbf16, #tpu.memory_space<vmem>>) offsets(%dma_start3A_560 : memref<128xi32, #tpu.memory_space<vmem>>) semaphore(%arg13 : memref<!tpu.dma_semaphore, #tpu.memory_space<semaphore_mem>>)
    %run_scoped3A_564 = arith.constant 1 : i32
    %run_scoped3A_565 = arith.constant 2 : i32
    "tpu.region"() ({
      %run_scoped3A_649 = tpu.sem_alloc : memref<!tpu.dma_semaphore, #tpu.memory_space<semaphore_mem>>
      %dma_start3A_650 = arith.constant 0 : i32
      %dma_start3A_651 = tpu.memref_slice %arg7[%run_scoped3A_564, %run_scoped3A_565, %dma_start3A_650] : memref<2x8x128xi32, #tpu.memory_space<vmem>> -> memref<1x1x128xi32, #tpu.memory_space<vmem>>
      %dma_start3A_652 = tpu.memref_squeeze %dma_start3A_651 : memref<1x1x128xi32, #tpu.memory_space<vmem>> -> memref<128xi32, #tpu.memory_space<vmem>>
      %dma_start3A_653 = arith.constant 0 : i32
      %dma_start3A_654 = arith.constant 0 : i32
      %dma_start3A_655 = tpu.memref_slice %arg10[%dma_start3A_653, %dma_start3A_654] : memref<10112x160xbf16, #tpu.memory_space<vmem_shared>> -> memref<10112x160xbf16, #tpu.memory_space<vmem_shared>>
      tpu.enqueue_indirect_dma source(%arg8 : memref<128x160xbf16, #tpu.memory_space<vmem>>) target(%dma_start3A_655 : memref<10112x160xbf16, #tpu.memory_space<vmem_shared>>) offsets(%dma_start3A_652 : memref<128xi32, #tpu.memory_space<vmem>>) semaphore(%run_scoped3A_649 : memref<!tpu.dma_semaphore, #tpu.memory_space<semaphore_mem>>) {add = true}
      %dma_wait3A_656 = arith.constant 0 : i32
      %dma_wait3A_657 = tpu.memref_slice %arg7[%run_scoped3A_564, %run_scoped3A_565, %dma_wait3A_656] : memref<2x8x128xi32, #tpu.memory_space<vmem>> -> memref<1x1x128xi32, #tpu.memory_space<vmem>>
      %dma_wait3A_658 = tpu.memref_squeeze %dma_wait3A_657 : memref<1x1x128xi32, #tpu.memory_space<vmem>> -> memref<128xi32, #tpu.memory_space<vmem>>
      %dma_wait3A_659 = arith.constant 0 : i32
      %dma_wait3A_660 = arith.constant 0 : i32
      %dma_wait3A_661 = tpu.memref_slice %arg10[%dma_wait3A_659, %dma_wait3A_660] : memref<10112x160xbf16, #tpu.memory_space<vmem_shared>> -> memref<10112x160xbf16, #tpu.memory_space<vmem_shared>>
      tpu.wait_indirect_dma semaphore(%run_scoped3A_649 : memref<!tpu.dma_semaphore, #tpu.memory_space<semaphore_mem>>) src(%arg8 : memref<128x160xbf16, #tpu.memory_space<vmem>>) dst(%dma_wait3A_661 : memref<10112x160xbf16, #tpu.memory_space<vmem_shared>>)
      tpu.yield
    }) : () -> ()
    %dma_wait3A_566 = arith.constant 0 : i32
    %dma_wait3A_567 = arith.constant 3 : i32
    %dma_wait3A_568 = arith.constant 0 : i32
    %dma_wait3A_569 = tpu.memref_slice %arg7[%dma_wait3A_566, %dma_wait3A_567, %dma_wait3A_568] : memref<2x8x128xi32, #tpu.memory_space<vmem>> -> memref<1x1x128xi32, #tpu.memory_space<vmem>>
    %dma_wait3A_570 = tpu.memref_squeeze %dma_wait3A_569 : memref<1x1x128xi32, #tpu.memory_space<vmem>> -> memref<128xi32, #tpu.memory_space<vmem>>
    %dma_wait3A_571 = arith.constant 0 : i32
    %dma_wait3A_572 = arith.constant 0 : i32
    %dma_wait3A_573 = tpu.memref_slice %arg11[%dma_wait3A_571, %dma_wait3A_572] : memref<10112x160xbf16, #tpu.memory_space<vmem_shared>> -> memref<10112x160xbf16, #tpu.memory_space<vmem_shared>>
    tpu.wait_indirect_dma semaphore(%arg13 : memref<!tpu.dma_semaphore, #tpu.memory_space<semaphore_mem>>) src(%dma_wait3A_573 : memref<10112x160xbf16, #tpu.memory_space<vmem_shared>>) dst(%arg9 : memref<128x160xbf16, #tpu.memory_space<vmem>>)
    %dma_start3A_574 = arith.constant 0 : i32
    %dma_start3A_575 = arith.constant 4 : i32
    %dma_start3A_576 = arith.constant 0 : i32
    %dma_start3A_577 = tpu.memref_slice %arg7[%dma_start3A_574, %dma_start3A_575, %dma_start3A_576] : memref<2x8x128xi32, #tpu.memory_space<vmem>> -> memref<1x1x128xi32, #tpu.memory_space<vmem>>
    %dma_start3A_578 = tpu.memref_squeeze %dma_start3A_577 : memref<1x1x128xi32, #tpu.memory_space<vmem>> -> memref<128xi32, #tpu.memory_space<vmem>>
    %dma_start3A_579 = arith.constant 0 : i32
    %dma_start3A_580 = arith.constant 0 : i32
    %dma_start3A_581 = tpu.memref_slice %arg11[%dma_start3A_579, %dma_start3A_580] : memref<10112x160xbf16, #tpu.memory_space<vmem_shared>> -> memref<10112x160xbf16, #tpu.memory_space<vmem_shared>>
    tpu.enqueue_indirect_dma source(%dma_start3A_581 : memref<10112x160xbf16, #tpu.memory_space<vmem_shared>>) target(%arg8 : memref<128x160xbf16, #tpu.memory_space<vmem>>) offsets(%dma_start3A_578 : memref<128xi32, #tpu.memory_space<vmem>>) semaphore(%arg12 : memref<!tpu.dma_semaphore, #tpu.memory_space<semaphore_mem>>)
    %run_scoped3A_582 = arith.constant 1 : i32
    %run_scoped3A_583 = arith.constant 3 : i32
    "tpu.region"() ({
      %run_scoped3A_649 = tpu.sem_alloc : memref<!tpu.dma_semaphore, #tpu.memory_space<semaphore_mem>>
      %dma_start3A_650 = arith.constant 0 : i32
      %dma_start3A_651 = tpu.memref_slice %arg7[%run_scoped3A_582, %run_scoped3A_583, %dma_start3A_650] : memref<2x8x128xi32, #tpu.memory_space<vmem>> -> memref<1x1x128xi32, #tpu.memory_space<vmem>>
      %dma_start3A_652 = tpu.memref_squeeze %dma_start3A_651 : memref<1x1x128xi32, #tpu.memory_space<vmem>> -> memref<128xi32, #tpu.memory_space<vmem>>
      %dma_start3A_653 = arith.constant 0 : i32
      %dma_start3A_654 = arith.constant 0 : i32
      %dma_start3A_655 = tpu.memref_slice %arg10[%dma_start3A_653, %dma_start3A_654] : memref<10112x160xbf16, #tpu.memory_space<vmem_shared>> -> memref<10112x160xbf16, #tpu.memory_space<vmem_shared>>
      tpu.enqueue_indirect_dma source(%arg9 : memref<128x160xbf16, #tpu.memory_space<vmem>>) target(%dma_start3A_655 : memref<10112x160xbf16, #tpu.memory_space<vmem_shared>>) offsets(%dma_start3A_652 : memref<128xi32, #tpu.memory_space<vmem>>) semaphore(%run_scoped3A_649 : memref<!tpu.dma_semaphore, #tpu.memory_space<semaphore_mem>>) {add = true}
      %dma_wait3A_656 = arith.constant 0 : i32
      %dma_wait3A_657 = tpu.memref_slice %arg7[%run_scoped3A_582, %run_scoped3A_583, %dma_wait3A_656] : memref<2x8x128xi32, #tpu.memory_space<vmem>> -> memref<1x1x128xi32, #tpu.memory_space<vmem>>
      %dma_wait3A_658 = tpu.memref_squeeze %dma_wait3A_657 : memref<1x1x128xi32, #tpu.memory_space<vmem>> -> memref<128xi32, #tpu.memory_space<vmem>>
      %dma_wait3A_659 = arith.constant 0 : i32
      %dma_wait3A_660 = arith.constant 0 : i32
      %dma_wait3A_661 = tpu.memref_slice %arg10[%dma_wait3A_659, %dma_wait3A_660] : memref<10112x160xbf16, #tpu.memory_space<vmem_shared>> -> memref<10112x160xbf16, #tpu.memory_space<vmem_shared>>
      tpu.wait_indirect_dma semaphore(%run_scoped3A_649 : memref<!tpu.dma_semaphore, #tpu.memory_space<semaphore_mem>>) src(%arg9 : memref<128x160xbf16, #tpu.memory_space<vmem>>) dst(%dma_wait3A_661 : memref<10112x160xbf16, #tpu.memory_space<vmem_shared>>)
      tpu.yield
    }) : () -> ()
    %dma_wait3A_584 = arith.constant 0 : i32
    %dma_wait3A_585 = arith.constant 4 : i32
    %dma_wait3A_586 = arith.constant 0 : i32
    %dma_wait3A_587 = tpu.memref_slice %arg7[%dma_wait3A_584, %dma_wait3A_585, %dma_wait3A_586] : memref<2x8x128xi32, #tpu.memory_space<vmem>> -> memref<1x1x128xi32, #tpu.memory_space<vmem>>
    %dma_wait3A_588 = tpu.memref_squeeze %dma_wait3A_587 : memref<1x1x128xi32, #tpu.memory_space<vmem>> -> memref<128xi32, #tpu.memory_space<vmem>>
    %dma_wait3A_589 = arith.constant 0 : i32
    %dma_wait3A_590 = arith.constant 0 : i32
    %dma_wait3A_591 = tpu.memref_slice %arg11[%dma_wait3A_589, %dma_wait3A_590] : memref<10112x160xbf16, #tpu.memory_space<vmem_shared>> -> memref<10112x160xbf16, #tpu.memory_space<vmem_shared>>
    tpu.wait_indirect_dma semaphore(%arg12 : memref<!tpu.dma_semaphore, #tpu.memory_space<semaphore_mem>>) src(%dma_wait3A_591 : memref<10112x160xbf16, #tpu.memory_space<vmem_shared>>) dst(%arg8 : memref<128x160xbf16, #tpu.memory_space<vmem>>)
    %dma_start3A_592 = arith.constant 0 : i32
    %dma_start3A_593 = arith.constant 5 : i32
    %dma_start3A_594 = arith.constant 0 : i32
    %dma_start3A_595 = tpu.memref_slice %arg7[%dma_start3A_592, %dma_start3A_593, %dma_start3A_594] : memref<2x8x128xi32, #tpu.memory_space<vmem>> -> memref<1x1x128xi32, #tpu.memory_space<vmem>>
    %dma_start3A_596 = tpu.memref_squeeze %dma_start3A_595 : memref<1x1x128xi32, #tpu.memory_space<vmem>> -> memref<128xi32, #tpu.memory_space<vmem>>
    %dma_start3A_597 = arith.constant 0 : i32
    %dma_start3A_598 = arith.constant 0 : i32
    %dma_start3A_599 = tpu.memref_slice %arg11[%dma_start3A_597, %dma_start3A_598] : memref<10112x160xbf16, #tpu.memory_space<vmem_shared>> -> memref<10112x160xbf16, #tpu.memory_space<vmem_shared>>
    tpu.enqueue_indirect_dma source(%dma_start3A_599 : memref<10112x160xbf16, #tpu.memory_space<vmem_shared>>) target(%arg9 : memref<128x160xbf16, #tpu.memory_space<vmem>>) offsets(%dma_start3A_596 : memref<128xi32, #tpu.memory_space<vmem>>) semaphore(%arg13 : memref<!tpu.dma_semaphore, #tpu.memory_space<semaphore_mem>>)
    %run_scoped3A_600 = arith.constant 1 : i32
    %run_scoped3A_601 = arith.constant 4 : i32
    "tpu.region"() ({
      %run_scoped3A_649 = tpu.sem_alloc : memref<!tpu.dma_semaphore, #tpu.memory_space<semaphore_mem>>
      %dma_start3A_650 = arith.constant 0 : i32
      %dma_start3A_651 = tpu.memref_slice %arg7[%run_scoped3A_600, %run_scoped3A_601, %dma_start3A_650] : memref<2x8x128xi32, #tpu.memory_space<vmem>> -> memref<1x1x128xi32, #tpu.memory_space<vmem>>
      %dma_start3A_652 = tpu.memref_squeeze %dma_start3A_651 : memref<1x1x128xi32, #tpu.memory_space<vmem>> -> memref<128xi32, #tpu.memory_space<vmem>>
      %dma_start3A_653 = arith.constant 0 : i32
      %dma_start3A_654 = arith.constant 0 : i32
      %dma_start3A_655 = tpu.memref_slice %arg10[%dma_start3A_653, %dma_start3A_654] : memref<10112x160xbf16, #tpu.memory_space<vmem_shared>> -> memref<10112x160xbf16, #tpu.memory_space<vmem_shared>>
      tpu.enqueue_indirect_dma source(%arg8 : memref<128x160xbf16, #tpu.memory_space<vmem>>) target(%dma_start3A_655 : memref<10112x160xbf16, #tpu.memory_space<vmem_shared>>) offsets(%dma_start3A_652 : memref<128xi32, #tpu.memory_space<vmem>>) semaphore(%run_scoped3A_649 : memref<!tpu.dma_semaphore, #tpu.memory_space<semaphore_mem>>) {add = true}
      %dma_wait3A_656 = arith.constant 0 : i32
      %dma_wait3A_657 = tpu.memref_slice %arg7[%run_scoped3A_600, %run_scoped3A_601, %dma_wait3A_656] : memref<2x8x128xi32, #tpu.memory_space<vmem>> -> memref<1x1x128xi32, #tpu.memory_space<vmem>>
      %dma_wait3A_658 = tpu.memref_squeeze %dma_wait3A_657 : memref<1x1x128xi32, #tpu.memory_space<vmem>> -> memref<128xi32, #tpu.memory_space<vmem>>
      %dma_wait3A_659 = arith.constant 0 : i32
      %dma_wait3A_660 = arith.constant 0 : i32
      %dma_wait3A_661 = tpu.memref_slice %arg10[%dma_wait3A_659, %dma_wait3A_660] : memref<10112x160xbf16, #tpu.memory_space<vmem_shared>> -> memref<10112x160xbf16, #tpu.memory_space<vmem_shared>>
      tpu.wait_indirect_dma semaphore(%run_scoped3A_649 : memref<!tpu.dma_semaphore, #tpu.memory_space<semaphore_mem>>) src(%arg8 : memref<128x160xbf16, #tpu.memory_space<vmem>>) dst(%dma_wait3A_661 : memref<10112x160xbf16, #tpu.memory_space<vmem_shared>>)
      tpu.yield
    }) : () -> ()
    %dma_wait3A_602 = arith.constant 0 : i32
    %dma_wait3A_603 = arith.constant 5 : i32
    %dma_wait3A_604 = arith.constant 0 : i32
    %dma_wait3A_605 = tpu.memref_slice %arg7[%dma_wait3A_602, %dma_wait3A_603, %dma_wait3A_604] : memref<2x8x128xi32, #tpu.memory_space<vmem>> -> memref<1x1x128xi32, #tpu.memory_space<vmem>>
    %dma_wait3A_606 = tpu.memref_squeeze %dma_wait3A_605 : memref<1x1x128xi32, #tpu.memory_space<vmem>> -> memref<128xi32, #tpu.memory_space<vmem>>
    %dma_wait3A_607 = arith.constant 0 : i32
    %dma_wait3A_608 = arith.constant 0 : i32
    %dma_wait3A_609 = tpu.memref_slice %arg11[%dma_wait3A_607, %dma_wait3A_608] : memref<10112x160xbf16, #tpu.memory_space<vmem_shared>> -> memref<10112x160xbf16, #tpu.memory_space<vmem_shared>>
    tpu.wait_indirect_dma semaphore(%arg13 : memref<!tpu.dma_semaphore, #tpu.memory_space<semaphore_mem>>) src(%dma_wait3A_609 : memref<10112x160xbf16, #tpu.memory_space<vmem_shared>>) dst(%arg9 : memref<128x160xbf16, #tpu.memory_space<vmem>>)
    %dma_start3A_610 = arith.constant 0 : i32
    %dma_start3A_611 = arith.constant 6 : i32
    %dma_start3A_612 = arith.constant 0 : i32
    %dma_start3A_613 = tpu.memref_slice %arg7[%dma_start3A_610, %dma_start3A_611, %dma_start3A_612] : memref<2x8x128xi32, #tpu.memory_space<vmem>> -> memref<1x1x128xi32, #tpu.memory_space<vmem>>
    %dma_start3A_614 = tpu.memref_squeeze %dma_start3A_613 : memref<1x1x128xi32, #tpu.memory_space<vmem>> -> memref<128xi32, #tpu.memory_space<vmem>>
    %dma_start3A_615 = arith.constant 0 : i32
    %dma_start3A_616 = arith.constant 0 : i32
    %dma_start3A_617 = tpu.memref_slice %arg11[%dma_start3A_615, %dma_start3A_616] : memref<10112x160xbf16, #tpu.memory_space<vmem_shared>> -> memref<10112x160xbf16, #tpu.memory_space<vmem_shared>>
    tpu.enqueue_indirect_dma source(%dma_start3A_617 : memref<10112x160xbf16, #tpu.memory_space<vmem_shared>>) target(%arg8 : memref<128x160xbf16, #tpu.memory_space<vmem>>) offsets(%dma_start3A_614 : memref<128xi32, #tpu.memory_space<vmem>>) semaphore(%arg12 : memref<!tpu.dma_semaphore, #tpu.memory_space<semaphore_mem>>)
    %run_scoped3A_618 = arith.constant 1 : i32
    %run_scoped3A_619 = arith.constant 5 : i32
    "tpu.region"() ({
      %run_scoped3A_649 = tpu.sem_alloc : memref<!tpu.dma_semaphore, #tpu.memory_space<semaphore_mem>>
      %dma_start3A_650 = arith.constant 0 : i32
      %dma_start3A_651 = tpu.memref_slice %arg7[%run_scoped3A_618, %run_scoped3A_619, %dma_start3A_650] : memref<2x8x128xi32, #tpu.memory_space<vmem>> -> memref<1x1x128xi32, #tpu.memory_space<vmem>>
      %dma_start3A_652 = tpu.memref_squeeze %dma_start3A_651 : memref<1x1x128xi32, #tpu.memory_space<vmem>> -> memref<128xi32, #tpu.memory_space<vmem>>
      %dma_start3A_653 = arith.constant 0 : i32
      %dma_start3A_654 = arith.constant 0 : i32
      %dma_start3A_655 = tpu.memref_slice %arg10[%dma_start3A_653, %dma_start3A_654] : memref<10112x160xbf16, #tpu.memory_space<vmem_shared>> -> memref<10112x160xbf16, #tpu.memory_space<vmem_shared>>
      tpu.enqueue_indirect_dma source(%arg9 : memref<128x160xbf16, #tpu.memory_space<vmem>>) target(%dma_start3A_655 : memref<10112x160xbf16, #tpu.memory_space<vmem_shared>>) offsets(%dma_start3A_652 : memref<128xi32, #tpu.memory_space<vmem>>) semaphore(%run_scoped3A_649 : memref<!tpu.dma_semaphore, #tpu.memory_space<semaphore_mem>>) {add = true}
      %dma_wait3A_656 = arith.constant 0 : i32
      %dma_wait3A_657 = tpu.memref_slice %arg7[%run_scoped3A_618, %run_scoped3A_619, %dma_wait3A_656] : memref<2x8x128xi32, #tpu.memory_space<vmem>> -> memref<1x1x128xi32, #tpu.memory_space<vmem>>
      %dma_wait3A_658 = tpu.memref_squeeze %dma_wait3A_657 : memref<1x1x128xi32, #tpu.memory_space<vmem>> -> memref<128xi32, #tpu.memory_space<vmem>>
      %dma_wait3A_659 = arith.constant 0 : i32
      %dma_wait3A_660 = arith.constant 0 : i32
      %dma_wait3A_661 = tpu.memref_slice %arg10[%dma_wait3A_659, %dma_wait3A_660] : memref<10112x160xbf16, #tpu.memory_space<vmem_shared>> -> memref<10112x160xbf16, #tpu.memory_space<vmem_shared>>
      tpu.wait_indirect_dma semaphore(%run_scoped3A_649 : memref<!tpu.dma_semaphore, #tpu.memory_space<semaphore_mem>>) src(%arg9 : memref<128x160xbf16, #tpu.memory_space<vmem>>) dst(%dma_wait3A_661 : memref<10112x160xbf16, #tpu.memory_space<vmem_shared>>)
      tpu.yield
    }) : () -> ()
    %dma_wait3A_620 = arith.constant 0 : i32
    %dma_wait3A_621 = arith.constant 6 : i32
    %dma_wait3A_622 = arith.constant 0 : i32
    %dma_wait3A_623 = tpu.memref_slice %arg7[%dma_wait3A_620, %dma_wait3A_621, %dma_wait3A_622] : memref<2x8x128xi32, #tpu.memory_space<vmem>> -> memref<1x1x128xi32, #tpu.memory_space<vmem>>
    %dma_wait3A_624 = tpu.memref_squeeze %dma_wait3A_623 : memref<1x1x128xi32, #tpu.memory_space<vmem>> -> memref<128xi32, #tpu.memory_space<vmem>>
    %dma_wait3A_625 = arith.constant 0 : i32
    %dma_wait3A_626 = arith.constant 0 : i32
    %dma_wait3A_627 = tpu.memref_slice %arg11[%dma_wait3A_625, %dma_wait3A_626] : memref<10112x160xbf16, #tpu.memory_space<vmem_shared>> -> memref<10112x160xbf16, #tpu.memory_space<vmem_shared>>
    tpu.wait_indirect_dma semaphore(%arg12 : memref<!tpu.dma_semaphore, #tpu.memory_space<semaphore_mem>>) src(%dma_wait3A_627 : memref<10112x160xbf16, #tpu.memory_space<vmem_shared>>) dst(%arg8 : memref<128x160xbf16, #tpu.memory_space<vmem>>)
    %dma_start3A_628 = arith.constant 0 : i32
    %dma_start3A_629 = arith.constant 7 : i32
    %dma_start3A_630 = arith.constant 0 : i32
    %dma_start3A_631 = tpu.memref_slice %arg7[%dma_start3A_628, %dma_start3A_629, %dma_start3A_630] : memref<2x8x128xi32, #tpu.memory_space<vmem>> -> memref<1x1x128xi32, #tpu.memory_space<vmem>>
    %dma_start3A_632 = tpu.memref_squeeze %dma_start3A_631 : memref<1x1x128xi32, #tpu.memory_space<vmem>> -> memref<128xi32, #tpu.memory_space<vmem>>
    %dma_start3A_633 = arith.constant 0 : i32
    %dma_start3A_634 = arith.constant 0 : i32
    %dma_start3A_635 = tpu.memref_slice %arg11[%dma_start3A_633, %dma_start3A_634] : memref<10112x160xbf16, #tpu.memory_space<vmem_shared>> -> memref<10112x160xbf16, #tpu.memory_space<vmem_shared>>
    tpu.enqueue_indirect_dma source(%dma_start3A_635 : memref<10112x160xbf16, #tpu.memory_space<vmem_shared>>) target(%arg9 : memref<128x160xbf16, #tpu.memory_space<vmem>>) offsets(%dma_start3A_632 : memref<128xi32, #tpu.memory_space<vmem>>) semaphore(%arg13 : memref<!tpu.dma_semaphore, #tpu.memory_space<semaphore_mem>>)
    %run_scoped3A_636 = arith.constant 1 : i32
    %run_scoped3A_637 = arith.constant 6 : i32
    "tpu.region"() ({
      %run_scoped3A_649 = tpu.sem_alloc : memref<!tpu.dma_semaphore, #tpu.memory_space<semaphore_mem>>
      %dma_start3A_650 = arith.constant 0 : i32
      %dma_start3A_651 = tpu.memref_slice %arg7[%run_scoped3A_636, %run_scoped3A_637, %dma_start3A_650] : memref<2x8x128xi32, #tpu.memory_space<vmem>> -> memref<1x1x128xi32, #tpu.memory_space<vmem>>
      %dma_start3A_652 = tpu.memref_squeeze %dma_start3A_651 : memref<1x1x128xi32, #tpu.memory_space<vmem>> -> memref<128xi32, #tpu.memory_space<vmem>>
      %dma_start3A_653 = arith.constant 0 : i32
      %dma_start3A_654 = arith.constant 0 : i32
      %dma_start3A_655 = tpu.memref_slice %arg10[%dma_start3A_653, %dma_start3A_654] : memref<10112x160xbf16, #tpu.memory_space<vmem_shared>> -> memref<10112x160xbf16, #tpu.memory_space<vmem_shared>>
      tpu.enqueue_indirect_dma source(%arg8 : memref<128x160xbf16, #tpu.memory_space<vmem>>) target(%dma_start3A_655 : memref<10112x160xbf16, #tpu.memory_space<vmem_shared>>) offsets(%dma_start3A_652 : memref<128xi32, #tpu.memory_space<vmem>>) semaphore(%run_scoped3A_649 : memref<!tpu.dma_semaphore, #tpu.memory_space<semaphore_mem>>) {add = true}
      %dma_wait3A_656 = arith.constant 0 : i32
      %dma_wait3A_657 = tpu.memref_slice %arg7[%run_scoped3A_636, %run_scoped3A_637, %dma_wait3A_656] : memref<2x8x128xi32, #tpu.memory_space<vmem>> -> memref<1x1x128xi32, #tpu.memory_space<vmem>>
      %dma_wait3A_658 = tpu.memref_squeeze %dma_wait3A_657 : memref<1x1x128xi32, #tpu.memory_space<vmem>> -> memref<128xi32, #tpu.memory_space<vmem>>
      %dma_wait3A_659 = arith.constant 0 : i32
      %dma_wait3A_660 = arith.constant 0 : i32
      %dma_wait3A_661 = tpu.memref_slice %arg10[%dma_wait3A_659, %dma_wait3A_660] : memref<10112x160xbf16, #tpu.memory_space<vmem_shared>> -> memref<10112x160xbf16, #tpu.memory_space<vmem_shared>>
      tpu.wait_indirect_dma semaphore(%run_scoped3A_649 : memref<!tpu.dma_semaphore, #tpu.memory_space<semaphore_mem>>) src(%arg8 : memref<128x160xbf16, #tpu.memory_space<vmem>>) dst(%dma_wait3A_661 : memref<10112x160xbf16, #tpu.memory_space<vmem_shared>>)
      tpu.yield
    }) : () -> ()
    %dma_wait3A_638 = arith.constant 0 : i32
    %dma_wait3A_639 = arith.constant 7 : i32
    %dma_wait3A_640 = arith.constant 0 : i32
    %dma_wait3A_641 = tpu.memref_slice %arg7[%dma_wait3A_638, %dma_wait3A_639, %dma_wait3A_640] : memref<2x8x128xi32, #tpu.memory_space<vmem>> -> memref<1x1x128xi32, #tpu.memory_space<vmem>>
    %dma_wait3A_642 = tpu.memref_squeeze %dma_wait3A_641 : memref<1x1x128xi32, #tpu.memory_space<vmem>> -> memref<128xi32, #tpu.memory_space<vmem>>
    %dma_wait3A_643 = arith.constant 0 : i32
    %dma_wait3A_644 = arith.constant 0 : i32
    %dma_wait3A_645 = tpu.memref_slice %arg11[%dma_wait3A_643, %dma_wait3A_644] : memref<10112x160xbf16, #tpu.memory_space<vmem_shared>> -> memref<10112x160xbf16, #tpu.memory_space<vmem_shared>>
    tpu.wait_indirect_dma semaphore(%arg13 : memref<!tpu.dma_semaphore, #tpu.memory_space<semaphore_mem>>) src(%dma_wait3A_645 : memref<10112x160xbf16, #tpu.memory_space<vmem_shared>>) dst(%arg9 : memref<128x160xbf16, #tpu.memory_space<vmem>>)
    %run_scoped3A_646 = arith.constant 1 : i32
    %run_scoped3A_647 = arith.constant 7 : i32
    "tpu.region"() ({
      %run_scoped3A_649 = tpu.sem_alloc : memref<!tpu.dma_semaphore, #tpu.memory_space<semaphore_mem>>
      %dma_start3A_650 = arith.constant 0 : i32
      %dma_start3A_651 = tpu.memref_slice %arg7[%run_scoped3A_646, %run_scoped3A_647, %dma_start3A_650] : memref<2x8x128xi32, #tpu.memory_space<vmem>> -> memref<1x1x128xi32, #tpu.memory_space<vmem>>
      %dma_start3A_652 = tpu.memref_squeeze %dma_start3A_651 : memref<1x1x128xi32, #tpu.memory_space<vmem>> -> memref<128xi32, #tpu.memory_space<vmem>>
      %dma_start3A_653 = arith.constant 0 : i32
      %dma_start3A_654 = arith.constant 0 : i32
      %dma_start3A_655 = tpu.memref_slice %arg10[%dma_start3A_653, %dma_start3A_654] : memref<10112x160xbf16, #tpu.memory_space<vmem_shared>> -> memref<10112x160xbf16, #tpu.memory_space<vmem_shared>>
      tpu.enqueue_indirect_dma source(%arg9 : memref<128x160xbf16, #tpu.memory_space<vmem>>) target(%dma_start3A_655 : memref<10112x160xbf16, #tpu.memory_space<vmem_shared>>) offsets(%dma_start3A_652 : memref<128xi32, #tpu.memory_space<vmem>>) semaphore(%run_scoped3A_649 : memref<!tpu.dma_semaphore, #tpu.memory_space<semaphore_mem>>) {add = true}
      %dma_wait3A_656 = arith.constant 0 : i32
      %dma_wait3A_657 = tpu.memref_slice %arg7[%run_scoped3A_646, %run_scoped3A_647, %dma_wait3A_656] : memref<2x8x128xi32, #tpu.memory_space<vmem>> -> memref<1x1x128xi32, #tpu.memory_space<vmem>>
      %dma_wait3A_658 = tpu.memref_squeeze %dma_wait3A_657 : memref<1x1x128xi32, #tpu.memory_space<vmem>> -> memref<128xi32, #tpu.memory_space<vmem>>
      %dma_wait3A_659 = arith.constant 0 : i32
      %dma_wait3A_660 = arith.constant 0 : i32
      %dma_wait3A_661 = tpu.memref_slice %arg10[%dma_wait3A_659, %dma_wait3A_660] : memref<10112x160xbf16, #tpu.memory_space<vmem_shared>> -> memref<10112x160xbf16, #tpu.memory_space<vmem_shared>>
      tpu.wait_indirect_dma semaphore(%run_scoped3A_649 : memref<!tpu.dma_semaphore, #tpu.memory_space<semaphore_mem>>) src(%arg9 : memref<128x160xbf16, #tpu.memory_space<vmem>>) dst(%dma_wait3A_661 : memref<10112x160xbf16, #tpu.memory_space<vmem_shared>>)
      tpu.yield
    }) : () -> ()
    %barrier3A_648 = arith.constant 0 : index
    tpu.barrier barrier_id(%barrier3A_648)
    "tpu.region"() ({
      %run_scoped3A_649 = tpu.sem_alloc : memref<!tpu.dma_semaphore, #tpu.memory_space<semaphore_mem>>
      %dma_start3A_650 = arith.constant 0 : i32
      %dma_start3A_651 = tpu.memref_slice %arg5[%arg0, %mul3A_2, %dma_start3A_650] : memref<2x10112x160xbf16, #tpu.memory_space<hbm>> -> memref<1x632x160xbf16, #tpu.memory_space<hbm>>
      %dma_start3A_652 = tpu.memref_squeeze %dma_start3A_651 : memref<1x632x160xbf16, #tpu.memory_space<hbm>> -> memref<632x160xbf16, #tpu.memory_space<hbm>>
      %dma_start3A_653 = arith.constant 0 : i32
      %dma_start3A_654 = tpu.memref_slice %arg10[%mul3A_2, %dma_start3A_653] : memref<10112x160xbf16, #tpu.memory_space<vmem_shared>> -> memref<632x160xbf16, #tpu.memory_space<vmem_shared>>
      tpu.enqueue_dma source(%dma_start3A_654 : memref<632x160xbf16, #tpu.memory_space<vmem_shared>>) target(%dma_start3A_652 : memref<632x160xbf16, #tpu.memory_space<hbm>>) target_semaphore(%run_scoped3A_649 : memref<!tpu.dma_semaphore, #tpu.memory_space<semaphore_mem>>)
      %dma_wait3A_655 = arith.constant 0 : i32
      %dma_wait3A_656 = tpu.memref_slice %arg5[%arg0, %mul3A_2, %dma_wait3A_655] : memref<2x10112x160xbf16, #tpu.memory_space<hbm>> -> memref<1x632x160xbf16, #tpu.memory_space<hbm>>
      %dma_wait3A_657 = tpu.memref_squeeze %dma_wait3A_656 : memref<1x632x160xbf16, #tpu.memory_space<hbm>> -> memref<632x160xbf16, #tpu.memory_space<hbm>>
      %dma_wait3A_658 = arith.constant 0 : i32
      %dma_wait3A_659 = tpu.memref_slice %arg10[%mul3A_2, %dma_wait3A_658] : memref<10112x160xbf16, #tpu.memory_space<vmem_shared>> -> memref<632x160xbf16, #tpu.memory_space<vmem_shared>>
      tpu.wait_dma2 semaphore(%run_scoped3A_649 : memref<!tpu.dma_semaphore, #tpu.memory_space<semaphore_mem>>) src(%dma_wait3A_659 : memref<632x160xbf16, #tpu.memory_space<vmem_shared>>) dst(%dma_wait3A_657 : memref<632x160xbf16, #tpu.memory_space<hbm>>)
      tpu.yield
    }) : () -> ()
    return
  }
}

module attributes {stable_mosaic.version = 14 : i64} {
  func.func @_tc_body(%arg0: i32, %arg1: memref<1000x128xf32, #tpu.memory_space<vmem>>, %arg2: memref<2x1000x160xbf16, #tpu.memory_space<vmem>>, %arg3: memref<128x128xf32, #tpu.memory_space<vmem>>, %arg4: memref<128x128xf32, #tpu.memory_space<vmem>>, %arg5: memref<1x128xf32, #tpu.memory_space<vmem>>, %arg6: memref<1000x128xf32, #tpu.memory_space<vmem>>) attributes {dimension_semantics = [#tpu.dimension_semantics<arbitrary>], iteration_bounds = array<i64: 10>, scalar_prefetch = 0 : i64, scratch_operands = 0 : i64, tpu.core_type = #tpu.core_type<tc>, window_params = [{transform_indices = @transform_0, window_bounds = array<i64: 1000, 128>}, {transform_indices = @transform_1, window_bounds = array<i64: 2, 1000, 160>}, {pipeline_mode = #tpu.pipeline_mode<synchronous>, transform_indices = @transform_2, window_bounds = array<i64: 128, 128>}, {pipeline_mode = #tpu.pipeline_mode<synchronous>, transform_indices = @transform_3, window_bounds = array<i64: 128, 128>}, {pipeline_mode = #tpu.pipeline_mode<synchronous>, transform_indices = @transform_4, window_bounds = array<i64: 1, 128>}, {transform_indices = @transform_5, window_bounds = array<i64: 1000, 128>}]} {
    %get3A = arith.constant 0 : index
    %get3A_0 = arith.constant 0 : index
    %get3A_1 = arith.constant 0 : index
    %get3A_2 = vector.load %arg2[%get3A, %get3A_0, %get3A_1] : memref<2x1000x160xbf16, #tpu.memory_space<vmem>>, vector<1x1000x160xbf16>
    %get3A_3 = vector.shape_cast %get3A_2 : vector<1x1000x160xbf16> to vector<1000x160xbf16>
    %convert_element_type3A = arith.extf %get3A_3 : vector<1000x160xbf16> to vector<1000x160xf32>
    %add3A = arith.constant 0.000000e+00 : f32
    %add3A_4 = vector.broadcast %add3A : f32 to vector<1000x160xf32>
    %add3A_5 = arith.addf %add3A_4, %convert_element_type3A : vector<1000x160xf32>
    %get3A_6 = arith.constant 1 : index
    %get3A_7 = arith.constant 0 : index
    %get3A_8 = arith.constant 0 : index
    %get3A_9 = vector.load %arg2[%get3A_6, %get3A_7, %get3A_8] : memref<2x1000x160xbf16, #tpu.memory_space<vmem>>, vector<1x1000x160xbf16>
    %get3A_10 = vector.shape_cast %get3A_9 : vector<1x1000x160xbf16> to vector<1000x160xbf16>
    %convert_element_type3A_11 = arith.extf %get3A_10 : vector<1000x160xbf16> to vector<1000x160xf32>
    %add3A_12 = arith.addf %add3A_5, %convert_element_type3A_11 : vector<1000x160xf32>
    %slice3A = vector.extract_strided_slice %add3A_12 {offsets = [0, 128], sizes = [1000, 1], strides = [1, 1]} : vector<1000x160xf32> to vector<1000x1xf32>
    %slice3A_13 = vector.extract_strided_slice %add3A_12 {offsets = [0, 0], sizes = [1000, 128], strides = [1, 1]} : vector<1000x160xf32> to vector<1000x128xf32>
    %max3A = arith.constant 1.000000e+00 : f32
    %max3A_14 = vector.broadcast %max3A : f32 to vector<1000x1xf32>
    %max3A_15 = arith.maximumf %slice3A, %max3A_14 : vector<1000x1xf32>
    %div3A = vector.broadcast %max3A_15 : vector<1000x1xf32> to vector<1000x128xf32>
    %div3A_16 = arith.divf %slice3A_13, %div3A : vector<1000x128xf32>
    %get3A_17 = arith.constant 0 : index
    %get3A_18 = arith.constant 0 : index
    %get3A_19 = vector.load %arg1[%get3A_17, %get3A_18] : memref<1000x128xf32, #tpu.memory_space<vmem>>, vector<1000x128xf32>
    %get3A_20 = arith.constant 0 : index
    %get3A_21 = arith.constant 0 : index
    %get3A_22 = vector.load %arg3[%get3A_20, %get3A_21] : memref<128x128xf32, #tpu.memory_space<vmem>>, vector<128x128xf32>
    %dot_general3A = arith.constant dense<0.000000e+00> : vector<1000x128xf32>
    %dot_general3A_23 = tpu.matmul %get3A_19, %get3A_22, %dot_general3A {dimension_numbers = #tpu.dot_dimension_numbers<[1], [0], [0], [1], [0, 0, 1, 1], [], []>, transpose_lhs_hint = false} : vector<1000x128xf32>, vector<128x128xf32>, vector<1000x128xf32> -> vector<1000x128xf32>
    %get3A_24 = arith.constant 0 : index
    %get3A_25 = arith.constant 0 : index
    %get3A_26 = vector.load %arg4[%get3A_24, %get3A_25] : memref<128x128xf32, #tpu.memory_space<vmem>>, vector<128x128xf32>
    %dot_general3A_27 = arith.constant dense<0.000000e+00> : vector<1000x128xf32>
    %dot_general3A_28 = tpu.matmul %div3A_16, %get3A_26, %dot_general3A_27 {dimension_numbers = #tpu.dot_dimension_numbers<[1], [0], [0], [1], [0, 0, 1, 1], [], []>, transpose_lhs_hint = false} : vector<1000x128xf32>, vector<128x128xf32>, vector<1000x128xf32> -> vector<1000x128xf32>
    %add3A_29 = arith.addf %dot_general3A_23, %dot_general3A_28 : vector<1000x128xf32>
    %get3A_30 = arith.constant 0 : index
    %get3A_31 = arith.constant 0 : index
    %get3A_32 = vector.load %arg5[%get3A_30, %get3A_31] : memref<1x128xf32, #tpu.memory_space<vmem>>, vector<1x128xf32>
    %add3A_33 = vector.broadcast %get3A_32 : vector<1x128xf32> to vector<1000x128xf32>
    %add3A_34 = arith.addf %add3A_29, %add3A_33 : vector<1000x128xf32>
    %swap3A = arith.constant 0 : index
    %swap3A_35 = arith.constant 0 : index
    %swap3A_36 = vector.load %arg6[%swap3A, %swap3A_35] : memref<1000x128xf32, #tpu.memory_space<vmem>>, vector<1000x128xf32>
    tpu.vector_store %arg6[%swap3A, %swap3A_35], %add3A_34 {strides = array<i32>} : memref<1000x128xf32, #tpu.memory_space<vmem>>, vector<1000x128xf32>,
    return
  }
  func.func @transform_0(%arg0: i32) -> (i32, i32) {
    %c0_i32 = arith.constant 0 : i32
    %c0_i32_0 = arith.constant 0 : i32
    return %arg0, %c0_i32 : i32, i32
  }
  func.func @transform_1(%arg0: i32) -> (i32, i32, i32) {
    %c0_i32 = arith.constant 0 : i32
    %c0_i32_0 = arith.constant 0 : i32
    %c0_i32_1 = arith.constant 0 : i32
    return %c0_i32, %arg0, %c0_i32_0 : i32, i32, i32
  }
  func.func @transform_2(%arg0: i32) -> (i32, i32) {
    %c0_i32 = arith.constant 0 : i32
    %c0_i32_0 = arith.constant 0 : i32
    %c0_i32_1 = arith.constant 0 : i32
    return %c0_i32, %c0_i32_0 : i32, i32
  }
  func.func @transform_3(%arg0: i32) -> (i32, i32) {
    %c0_i32 = arith.constant 0 : i32
    %c0_i32_0 = arith.constant 0 : i32
    %c0_i32_1 = arith.constant 0 : i32
    return %c0_i32, %c0_i32_0 : i32, i32
  }
  func.func @transform_4(%arg0: i32) -> (i32, i32) {
    %c0_i32 = arith.constant 0 : i32
    %c0_i32_0 = arith.constant 0 : i32
    %c0_i32_1 = arith.constant 0 : i32
    return %c0_i32, %c0_i32_0 : i32, i32
  }
  func.func @transform_5(%arg0: i32) -> (i32, i32) {
    %c0_i32 = arith.constant 0 : i32
    %c0_i32_0 = arith.constant 0 : i32
    return %arg0, %c0_i32 : i32, i32
  }
}

</mosaic_0001>

<sc_bundles>
// kernel: kernel.4.cloned.1.call-start
scs
__scs_entry_jumppad:
0x0: {  	(pc) =	sbr.rel $0x88, $3  }
0x1: {  	(tag) =	ssettag $0x0;
	lr =	simm.s32 $0x1  }
0x2: {  	[smem:$0x3F9C] =	sst lr;
	_ =	strace $0xD0000000  }
0x3: {  	_ = 	snop  }
0x4: {  	_ = 	snop  }
0x5: {  	_ = 	snop  }
0x6: {  	_ = 	snop  }
0x7: {  	_ = 	snop  }
__scs_overlays_trampoline_lowered:
0x8: {  	[smem:$0x3FAB] =	sst s0  }
0x9: {  	[smem:$0x3FAC] =	sst s1  }
0xa: {  	[smem:$0x3FAD] =	sst s2  }
0xb: {  	[smem:$0x3FAE] =	sst s3  }
0xc: {  	[smem:$0x3FAF] =	sst s4  }
0xd: {  	[smem:$0x3FB0] =	sst s5  }
0xe: {  	[smem:$0x3FB1] =	sst s6  }
0xf: {  	[smem:$0x3FB2] =	sst s7  }
0x10: {  	[smem:$0x3FB3] =	sst s8  }
0x11: {  	[smem:$0x3FB4] =	sst s9;
	s0 =	simm.s32 @!p0 $0x0  }
0x12: {  	s1 =	sld [smem:$0x3F9A];
	s0 =	simm.s32 @p0 $0x1  }
0x13: {  	[smem:$0x3FB5] =	sst s0;
	s0 =	simm.s32 @!p1 $0x0  }
0x14: {  	s2 =	sld [smem:$0x3F99];
	s0 =	simm.s32 @p1 $0x1  }
0x15: {  	[smem:$0x3FB6] =	sst s0;
	s0 =	simm.s32 @!p2 $0x0  }
0x16: {  	s3 =	sld [smem:$0x3FDB];
	s0 =	simm.s32 @p2 $0x1  }
0x17: {  	s4 =	simm.s32 $0x1BF5;
	[smem:$0x3FB8] =	sst s0  }
0x18: {  	s0 =	sld [smem:$0x3F9B];
	_ =	swait.ge [sflag:s4], $0x0  }
0x19: {  	s7 =	sld [smem:$0x3F9C]  }
0x1a: {  	s8 =	sadd.s32 $0xFFFFE003, lr  }
0x1b: {  	s9 =	sadd.s32 $0xFFFFFEF7, lr;
	s5 =	simm.s32 $0xFFFFFFFF;
	p2 =	slt.u32 s8, $0xFFFFF086  }
0x1c: {  	p1 =	slt.u32 s9, $0xF7A;
	s5 =	simm.s32 @!p2 $0x0  }
0x1d: {  	s5 =	simm.s32 @p1 $0x1;
	p0 =	seq.s32 s7, s2  }
0x1e: {  	s7 =	smul.u32 @!p0 $0xF7A, s2;
	p2 =	seq.s32 @!p0 s5, $0x0  }
0x1f: {  	s9 =	smul.u32 $0xF7A, s1;
	s8 =	simm.s32 @!p0 $0x1BF5;
	p2 =	por !p2, p0  }
0x20: {  	[sflag:s8] =	ssyncset.s32 @!p0 $0xFFFFF086;
	s6 =	sadd.s32 @!p0 s3, s7;
	s7 =	simm.s32 @!p0 $0x108  }
0x21: {  	s3 =	sadd.s32 s3, s9;
	s6 =	sadd.s32 @!p0 $0x88, s6;
	s7 =	simm.s32 @p2 $0x1082  }
0x22: {  	[simem:s7], [sflag:s8] =	dma.local @!p0 [hbm:s6], $0xF7A  }
0x23: {  	s9 =	sor.u32 $0xD0000000, s2;
	s6 =	simm.s32 $0x108;
	_ =	swait.ge @!p0 [sflag:s8], $0x0  }
0x24: {  	s3 =	sadd.s32 $0x88, s3;
	s6 =	simm.s32 @!p1 $0x1082;
	[sflag:s4] =	ssyncset.s32 $0xFFFFF086  }
0x25: {  	[simem:s6], [sflag:s4] =	dma.local [hbm:s3], $0xF7A  }
0x26: {  	[smem:$0x3F9C] =	sst s1;
	(tag) =	ssettag s2;
	_ =	strace s9  }
0x27: {  	s1 =	sld [smem:$0x3FAC]  }
0x28: {  	s2 =	sld [smem:$0x3FAD]  }
0x29: {  	s4 =	sld [smem:$0x3FAF]  }
0x2a: {  	p0 =	seq.s32 s5, $0x0;
	s5 =	sld [smem:$0x3FB0]  }
0x2b: {  	s6 =	sld [smem:$0x3FB1]  }
0x2c: {  	s7 =	sld [smem:$0x3FB2]  }
0x2d: {  	s3 =	simm.s32 $0x108;
	s8 =	sld [smem:$0x3FB3]  }
0x2e: {  	s3 =	simm.s32 @!p0 $0x1082;
	s9 =	sld [smem:$0x3FB4]  }
0x2f: {  	lr =	sadd.s32 s0, s3;
	s0 =	sld [smem:$0x3FAB]  }
0x30: {  	s3 =	sld [smem:$0x3FAE]  }
0x31: {  	[smem:$0x3FB7] =	sst s10  }
0x32: {  	s10 =	sld [smem:$0x3FB5];
	_ =	sdelay $0x3  }
0x33: {  	p0 =	seq.s32 s10, $0x1;
	s10 =	sld [smem:$0x3FB7];
	_ =	sdelay $0x3  }
0x34: {  	[smem:$0x3FB7] =	sst s10  }
0x35: {  	s10 =	sld [smem:$0x3FB6];
	_ =	sdelay $0x3  }
0x36: {  	p1 =	seq.s32 s10, $0x1;
	s10 =	sld [smem:$0x3FB7];
	_ =	sdelay $0x3  }
0x37: {  	[smem:$0x3FB7] =	sst s10  }
0x38: {  	s10 =	sld [smem:$0x3FB8]  }
0x39: {  	_ = 	snop;
	(pc) =	sbr.ind lr, $3  }
0x3a: {  	_ = 	snop  }
0x3b: {  	_ = 	snop  }
0x3c: {  	p2 =	seq.s32 s10, $0x1;
	s10 =	sld [smem:$0x3FB7]  }
0x3d: {  	_ =	shalt  }
0x3e: {  	_ =	shalt  }
0x3f: {  	_ =	shalt  }
0x40: {  	_ =	shalt  }
0x41: {  	_ =	shalt  }
0x42: {  	_ =	shalt  }
0x43: {  	_ =	shalt  }
0x44: {  	_ =	shalt  }
0x45: {  	_ =	shalt  }
0x46: {  	_ =	shalt  }
0x47: {  	_ =	shalt  }
0x48: {  	_ =	shalt  }
0x49: {  	_ =	shalt  }
0x4a: {  	_ =	shalt  }
0x4b: {  	_ =	shalt  }
0x4c: {  	_ =	shalt  }
0x4d: {  	_ =	shalt  }
0x4e: {  	_ =	shalt  }
0x4f: {  	_ =	shalt  }
0x50: {  	_ =	shalt  }
0x51: {  	_ =	shalt  }
0x52: {  	_ =	shalt  }
0x53: {  	_ =	shalt  }
0x54: {  	_ =	shalt  }
0x55: {  	_ =	shalt  }
0x56: {  	_ =	shalt  }
0x57: {  	_ =	shalt  }
0x58: {  	_ =	shalt  }
0x59: {  	_ =	shalt  }
0x5a: {  	_ =	shalt  }
0x5b: {  	_ =	shalt  }
0x5c: {  	_ =	shalt  }
0x5d: {  	_ =	shalt  }
0x5e: {  	_ =	shalt  }
0x5f: {  	_ =	shalt  }
0x60: {  	_ =	shalt  }
0x61: {  	_ =	shalt  }
0x62: {  	_ =	shalt  }
0x63: {  	_ =	shalt  }
0x64: {  	_ =	shalt  }
0x65: {  	_ =	shalt  }
0x66: {  	_ =	shalt  }
0x67: {  	_ =	shalt  }
0x68: {  	_ =	shalt  }
0x69: {  	_ =	shalt  }
0x6a: {  	_ =	shalt  }
0x6b: {  	_ =	shalt  }
0x6c: {  	_ =	shalt  }
0x6d: {  	_ =	shalt  }
0x6e: {  	_ =	shalt  }
0x6f: {  	_ =	shalt  }
0x70: {  	_ =	shalt  }
0x71: {  	_ =	shalt  }
0x72: {  	_ =	shalt  }
0x73: {  	_ =	shalt  }
0x74: {  	_ =	shalt  }
0x75: {  	_ =	shalt  }
0x76: {  	_ =	shalt  }
0x77: {  	_ =	shalt  }
0x78: {  	_ =	shalt  }
0x79: {  	_ =	shalt  }
0x7a: {  	_ =	shalt  }
0x7b: {  	_ =	shalt  }
0x7c: {  	_ =	shalt  }
0x7d: {  	_ =	shalt  }
0x7e: {  	_ =	shalt  }
0x7f: {  	_ =	shalt  }
0x80: {  	_ =	shalt  }
0x81: {  	_ =	shalt  }
0x82: {  	_ =	shalt  }
0x83: {  	_ =	shalt  }
0x84: {  	_ =	shalt  }
0x85: {  	_ =	shalt  }
0x86: {  	_ =	shalt  }
0x87: {  	_ =	shalt  }
.Lfunc_end0:
.L_simem_size_0:
called_computation_lowered:
.L_overlay_start_0:
0x88: {  	s2 =	sld [smem:$0x3FD9]  }
0x89: {  	s3 =	sld [smem:$0x3FFE];
	_ =	sdelay $0x1  }
0x8a: {  	s1 =	srdreg.scid  }
0x8b: {  	s0 =	sand.u32 $0x1, s1  }
0x8c: {  	s17 =	sshll.u32 s0, $0xA;
	s2 =	sadd.s32 s3, s2  }
0x8d: {  	s2 =	sadd.s32 s2, s17  }
0x8e: {  	[smem:$0x3FC3] =	sst s2  }
0x8f: {  	_ = 	snop  }
0x90: {  	s2 =	sld [smem:$0x3FD0];
	(tm) =	ssettm $0x1  }
0x91: {  	s18 =	sld [smem:$0x3FFB];
	_ =	sdelay $0x3  }
0x92: {  	_ =	strace s18  }
0x93: {  	s3 =	sld [smem:$0x3FFC];
	_ =	sdelay $0x3  }
0x94: {  	_ =	strace s3  }
0x95: {  	s3 =	sld [smem:$0x3FFD];
	_ =	sdelay $0x3  }
0x96: {  	_ =	strace s3  }
0x97: {  	_ =	strace $0x8FFFFFFF  }
0x98: {  	s19 =	sld [smem:$0x3FDB];
	_ =	sdelay $0x1  }
0x99: {  	s4 =	simm.s32 $_scs_section_size  }
0x9a: {  	s5 =	simm.s32 $_size__tile_overlayer_lowered;
	s6 =	simm.s32 $_tile_overlayer_lowered  }
0x9b: {  	s22 =	simm.s32 $0x1BFF;
	s21 =	sshll.u32 s6, $0x1;
	s3 =	sadd.s32 s4, s19  }
0x9c: {  	s7 =	simm.s32 $0x0;
	s20 =	sshll.u32 s5, $0x1;
	s5 =	sadd.s32 s21, s3  }
0x9d: {  	[timem:s7], [sflag:s22] =	dma.local [hbm:s5], s20  }
0x9e: {  	_ =	swait.ge [sflag:s22], s20  }
0x9f: {  	s4 =	ssub.s32 $0x0, s20;
	[sflag:s22] =	ssyncset.done $0x0  }
0xa0: {  	[sflag:s22] =	ssyncadd.s32 s4;
	_ =	sdelay $0x1  }
0xa1: {  	s23 =	simm.s32 $0x1B8B  }
0xa2: {  	_ =	swait.ge [sflag:s23], $0x1  }
0xa3: {  	[sflag:s23] =	ssyncset.done $0x0  }
0xa4: {  	s25 =	simm.s32 $0x1B8E;
	s24 =	sld [smem:$0x3FFE];
	[sflag:s23] =	ssyncadd.s32 $0xFFFFFFFF  }
0xa5: {  	s26 =	simm.s32 $execute0_lowered;
	[smem:$0x3FD2] =	sst s25  }
0xa6: {  	s5 =	sshll.u32 s26, $0x1;
	_ =	strace $0x80000046;
	[dreg:$0x1] =	wrdreg $0xFFFFFFFF  }
0xa7: {  	s28 =	simm.s32 $_size_execute0_lowered;
	s3 =	sadd.s32 s3, s5;
	[dreg:$0x0] =	wrdreg $0x0  }
0xa8: {  	s5 =	sshll.u32 s28, $0x1;
	[dreg:$0x2] =	wrdreg s3  }
0xa9: {  	[dreg:$0x3] =	wrdreg s5  }
0xaa: {  	[dreg:$0x4] =	wrdreg $0xC0  }
0xab: {  	_ =	task [dreg:s7], $0x5FFFF  }
0xac: {  	[dreg:$0x1] =	wrdreg $0xFFFFFFFF  }
0xad: {  	[dreg:$0x0] =	wrdreg $0x60  }
0xae: {  	[dreg:$0x2] =	wrdreg s2  }
0xaf: {  	[dreg:$0x3] =	wrdreg s24  }
0xb0: {  	[dreg:$0x4] =	wrdreg $0x125800  }
0xb1: {  	[dreg:$0x5] =	wrdreg $0x60000  }
0xb2: {  	[dreg:$0x6] =	wrdreg $0x9  }
0xb3: {  	_ =	task.clear_ibuf [dreg:s7], $0x7FFFF;
	_ =	strace $0x90000046  }
0xb4: {  	s29 =	simm.s32 $0x9;
	_ =	strace $0x80000048  }
0xb5: {  	_ =	swait.ge [sflag:s29], $0x1  }
0xb6: {  	[sflag:s29] =	ssyncadd.s32 $0xFFFFFFFF  }
0xb7: {  	_ =	strace $0x90000048  }
0xb8: {  	_ =	sfence  }
0xb9: {  	s30 =	sld [smem:$0x0];
	_ =	sdelay $0x2  }
0xba: {  	s31 =	sshll.u32 s1, $0xD;
	s1 =	sshrl.u32 s1, $0x2  }
0xbb: {  	s3 =	sand.u32 $0x4000, s31;
	s1 =	sadd.s32 s1, s30  }
0xbc: {  	s0 =	sor.u32 s3, s0;
	s1 =	sshll.u32 s1, $0x11  }
0xbd: {  	s0 =	sor.u32 s1, s0  }
0xbe: {  	s0 =	sadd.s32 $0x8F2B, s0  }
0xbf: {  	[sflag:s0] =	ssyncadd.remote.s32 $0x1  }
0xc0: {  	_ =	sfence.sel $0xFFFF  }
0xc1: {  	[dreg:$0x0] =	wrdreg $0xFFFFFFFF;
	(pc) =	sbr.abs _section_cstart, $3  }
0xc2: {  	[dreg:$0x1] =	wrdreg $0xFFFFFFFF  }
0xc3: {  	_ =	task.clear_ibuf [dreg:s7], $0x2FFFF;
	_ =	strace $0x9FFFFFFF  }
0xc4: {  	(tm) =	ssettm $0x7FFFFFFF  }
0xc5: {  	_ =	shalt  }
tec
execute0_lowered:
.L_overlay_start_1:
0x0: {  	(tag) =	ssettag $0x1  }
0x1: {  	s0 =	rddreg [dreg:$0x0]  }
0x2: {  	s1 =	rddreg [dreg:$0x1]  }
0x3: {  	s2 =	rddreg [dreg:$0x2]  }
0x4: {  	s3 =	rddreg [dreg:$0x3];
	s13 =	stileid.u32  }
0x5: {  	s5 =	srdreg.scid;
	s4 =	simm.s32 $0x0;
	s6 =	smul.u32 $0x18B00, s13  }
0x6: {  	s5 =	sand.u32 $0x1, s5;
	[smem:$0x7FF] =	sst s4;
	s18 =	smul.u32 $0x5000, s13  }
0x7: {  	s8 =	sadd.s32 $0x19800, s1;
	s30 =	sshll.u32 s13, $0x6;
	s7 =	smul.u32 $0x18B000, s5  }
0x8: {  	_ =	strace $0x80000047;
	s9 =	sshll.u32 s5, $0x4;
	s11 =	ssub.s32 $0x2, s5  }
0x9: {  	s5 =	smul.u32 $0x50000, s5;
	s10 =	sshrl.u32 s6, $0x4;
	s9 =	sor.u32 s13, s9  }
0xa: {  	s17 =	sshrl.u32 s11, $0x1;
	s13 =	simm.s32 $0x4;
	s7 =	sadd.s32 s6, s7  }
0xb: {  	s9 =	smul.u32 $0x5000, s9;
	s12 =	sadd.s32 s10, s1;
	s6 =	sshrl.u32 s6, $0x1  }
0xc: {  	s0 =	sadd.s32 s0, s10;
	s5 =	sadd.s32 s18, s5;
	s18 =	simm.s32 $0x1000  }
0xd: {  	s7 =	sshrl.u32 s7, $0x4;
	s19 =	sadd.s32 s6, s2;
	[dreg:$0x8] =	wrdreg s0  }
0xe: {  	s20 =	sadd.s32 s6, s3;
	s21 =	sadd.s32 $0xC00, s12;
	s25 =	sadd.s32 $0x2000, s5  }
0xf: {  	s5 =	sadd.s32 $0x1800, s5;
	[dreg:$0x9] =	wrdreg s21;
	s31 =	sshrl.u32 s19, $0x3  }
0x10: {  	s9 =	sshrl.u32 s9, $0x3;
	s6 =	sshrl.u32 s20, $0x3;
	[dreg:$0x10] =	wrdreg s31  }
0x11: {  	s1 =	sadd.s32 s7, s1;
	s14 =	sadd.s32 s8, s9;
	[dreg:$0x11] =	wrdreg s6  }
0x12: {  	s7 =	ssub.s32 s11, s17;
	s1 =	sadd.s32 $0x2D800, s1;
	[dreg:$0x7] =	wrdreg s14  }
0x13: {  	s5 =	sshrl.u32 s5, $0x3;
	s28 =	smax.u32 s7, $0x1;
	[dreg:$0xd] =	wrdreg s1  }
0x14: {  	s0 =	simm.s32 $0x0;
	s29 =	sadd.s32 s5, s8;
	[dreg:$0xe] =	wrdreg s28  }
0x15: {  	s26 =	sshrl.u32 s25, $0x3;
	s5 =	sor.u32 $0x1C04, s30;
	[dreg:$0x6] =	wrdreg s29  }
0x16: {  	s17 =	simm.s32 $0x80;
	s22 =	sadd.s32 $0x100, s14;
	[dreg:$0xf] =	wrdreg s5  }
0x17: {  	s19 =	simm.s32 $0x1;
	s23 =	sadd.s32 $0x200, s14;
	[dreg:$0xa] =	wrdreg s22  }
0x18: {  	s20 =	simm.s32 $0x3800;
	s24 =	sadd.s32 $0x900, s14;
	[dreg:$0xb] =	wrdreg s23  }
0x19: {  	s9 =	simm.s32 $0x3;
	s1 =	sadd.s32 s26, s8;
	[dreg:$0xc] =	wrdreg s24  }
0x1a: {  	[dreg:$0x5] =	wrdreg s1;
	s22 =	simm.s32 $0x800;
	s23 =	simm.s32 $0x2  }
.LBB2_1:
0x1b: {  	[dreg:$0x12] =	wrdreg s0  }
0x1c: {  	s1 =	rddreg [dreg:$0x7]  }
0x1d: {  	[tilespmem:s4], [sflag:$0x4] =	stream.linear.gather [hbm4b:s1+s4], $0x800, $0x38;
	[tilespmem:$0x1EB00] =	vst v63  }
0x1e: {  	_ =	swait.ge [sflag:s13], $0x800  }
0x1f: {  	[sflag:s13] =	ssyncset.done $0x0;
	s0 =	rddreg [dreg:$0x8]  }
0x20: {  	s7 =	rddreg [dreg:$0x10];
	[sflag:s13] =	ssyncadd.s32 $0xFFFFF800  }
0x21: {  	[spmem:s7], [sflag:s5] =	dma.local [hbm:s0], $0x18B0  }
0x22: {  	_ =	swait.ge [sflag:s13], $0x18B0  }
0x23: {  	[sflag:s13] =	ssyncset.done $0x0  }
0x24: {  	s8 =	rddreg [dreg:$0x9];
	[sflag:s13] =	ssyncadd.s32 $0xFFFFE750  }
0x25: {  	[spmem:s6], [sflag:s5] =	dma.local [hbm:s8], $0x18B0  }
0x26: {  	_ =	swait.ge [sflag:s13], $0x18B0  }
0x27: {  	[sflag:s13] =	ssyncset.done $0x0  }
0x28: {  	[sflag:s13] =	ssyncadd.s32 $0xFFFFE750  }
0x29: {  	[bflag:$0x0] =	sbarrier.arrive $0xFFFF  }
0x2a: {  	[tilespmem:s18], [sflag:$0x1] =	stream.indirect.gather [spmem:s2], $0x50, s4, s17, $0xb8;
	[tilespmem:$0x1EB00] =	vst v63  }
0x2b: {  	_ =	swait.ge [sflag:s19], $0x2800  }
0x2c: {  	[sflag:s19] =	ssyncset.done $0x0  }
0x2d: {  	[sflag:s19] =	ssyncadd.s32 $0xFFFFD800  }
0x2e: {  	[tilespmem:s20], [sflag:$0x2] =	stream.indirect.gather [spmem:s2], $0x50, s17, s17, $0xb8;
	[tilespmem:$0x1EB00] =	vst v63  }
0x2f: {  	s6 =	simm.s32 $0x400  }
0x30: {  	[spmem:s3] =	stream.indirect.scatter.add.bf16 [tilespmem:s18], [sflag:$0x4], $0x50, s6, s17, $0xb8;
	[tilespmem:$0x1EB00] =	vst v63  }
0x31: {  	_ =	swait.ge [sflag:s13], $0x2800  }
0x32: {  	[sflag:s13] =	ssyncset.done $0x0  }
0x33: {  	s10 =	rddreg [dreg:$0xa];
	[sflag:s13] =	ssyncadd.s32 $0xFFFFD800  }
0x34: {  	[tilespmem:s22], [sflag:$0x3] =	stream.linear.gather [hbm4b:s10+s4], $0x800, $0x38;
	[tilespmem:$0x1EB00] =	vst v63  }
0x35: {  	_ =	swait.ge [sflag:s23], $0x2800  }
0x36: {  	[sflag:s23] =	ssyncset.done $0x0  }
0x37: {  	s7 =	simm.s32 $0x100;
	[sflag:s23] =	ssyncadd.s32 $0xFFFFD800  }
0x38: {  	[tilespmem:s18], [sflag:$0x1] =	stream.indirect.gather [spmem:s2], $0x50, s7, s17, $0xb8;
	[tilespmem:$0x1EB00] =	vst v63  }
0x39: {  	s8 =	simm.s32 $0x480  }
0x3a: {  	[spmem:s3] =	stream.indirect.scatter.add.bf16 [tilespmem:s20], [sflag:$0x4], $0x50, s8, s17, $0xb8;
	[tilespmem:$0x1EB00] =	vst v63  }
0x3b: {  	_ =	swait.ge [sflag:s13], $0x2800  }
0x3c: {  	[sflag:s13] =	ssyncset.done $0x0  }
0x3d: {  	[sflag:s13] =	ssyncadd.s32 $0xFFFFD800  }
0x3e: {  	_ =	swait.ge [sflag:s19], $0x2800  }
0x3f: {  	[sflag:s19] =	ssyncset.done $0x0  }
0x40: {  	s28 =	simm.s32 $0x180;
	[sflag:s19] =	ssyncadd.s32 $0xFFFFD800  }
0x41: {  	[tilespmem:s20], [sflag:$0x2] =	stream.indirect.gather [spmem:s2], $0x50, s28, s17, $0xb8;
	[tilespmem:$0x1EB00] =	vst v63  }
0x42: {  	s29 =	simm.s32 $0x500  }
0x43: {  	[spmem:s3] =	stream.indirect.scatter.add.bf16 [tilespmem:s18], [sflag:$0x4], $0x50, s29, s17, $0xb8;
	[tilespmem:$0x1EB00] =	vst v63  }
0x44: {  	_ =	swait.ge [sflag:s13], $0x2800  }
0x45: {  	[sflag:s13] =	ssyncset.done $0x0  }
0x46: {  	[sflag:s13] =	ssyncadd.s32 $0xFFFFD800  }
0x47: {  	_ =	swait.ge [sflag:s23], $0x2800  }
0x48: {  	[sflag:s23] =	ssyncset.done $0x0  }
0x49: {  	s30 =	simm.s32 $0x200;
	[sflag:s23] =	ssyncadd.s32 $0xFFFFD800  }
0x4a: {  	[tilespmem:s18], [sflag:$0x1] =	stream.indirect.gather [spmem:s2], $0x50, s30, s17, $0xb8;
	[tilespmem:$0x1EB00] =	vst v63  }
0x4b: {  	s31 =	simm.s32 $0x580  }
0x4c: {  	[spmem:s3] =	stream.indirect.scatter.add.bf16 [tilespmem:s20], [sflag:$0x4], $0x50, s31, s17, $0xb8;
	[tilespmem:$0x1EB00] =	vst v63  }
0x4d: {  	_ =	swait.ge [sflag:s13], $0x2800  }
0x4e: {  	[sflag:s13] =	ssyncset.done $0x0  }
0x4f: {  	[sflag:s13] =	ssyncadd.s32 $0xFFFFD800  }
0x50: {  	_ =	swait.ge [sflag:s19], $0x2800  }
0x51: {  	[sflag:s19] =	ssyncset.done $0x0  }
0x52: {  	s11 =	simm.s32 $0x280;
	[sflag:s19] =	ssyncadd.s32 $0xFFFFD800  }
0x53: {  	[tilespmem:s20], [sflag:$0x2] =	stream.indirect.gather [spmem:s2], $0x50, s11, s17, $0xb8;
	[tilespmem:$0x1EB00] =	vst v63  }
0x54: {  	s12 =	simm.s32 $0x600  }
0x55: {  	[spmem:s3] =	stream.indirect.scatter.add.bf16 [tilespmem:s18], [sflag:$0x4], $0x50, s12, s17, $0xb8;
	[tilespmem:$0x1EB00] =	vst v63  }
0x56: {  	_ =	swait.ge [sflag:s13], $0x2800  }
0x57: {  	[sflag:s13] =	ssyncset.done $0x0  }
0x58: {  	[sflag:s13] =	ssyncadd.s32 $0xFFFFD800  }
0x59: {  	_ =	swait.ge [sflag:s23], $0x2800  }
0x5a: {  	[sflag:s23] =	ssyncset.done $0x0  }
0x5b: {  	s14 =	simm.s32 $0x300;
	[sflag:s23] =	ssyncadd.s32 $0xFFFFD800  }
0x5c: {  	[tilespmem:s18], [sflag:$0x1] =	stream.indirect.gather [spmem:s2], $0x50, s14, s17, $0xb8;
	[tilespmem:$0x1EB00] =	vst v63  }
0x5d: {  	s15 =	simm.s32 $0x680  }
0x5e: {  	[spmem:s3] =	stream.indirect.scatter.add.bf16 [tilespmem:s20], [sflag:$0x4], $0x50, s15, s17, $0xb8;
	[tilespmem:$0x1EB00] =	vst v63  }
0x5f: {  	_ =	swait.ge [sflag:s13], $0x2800  }
0x60: {  	[sflag:s13] =	ssyncset.done $0x0  }
0x61: {  	[sflag:s13] =	ssyncadd.s32 $0xFFFFD800  }
0x62: {  	_ =	swait.ge [sflag:s19], $0x2800  }
0x63: {  	[sflag:s19] =	ssyncset.done $0x0  }
0x64: {  	s16 =	simm.s32 $0x380;
	[sflag:s19] =	ssyncadd.s32 $0xFFFFD800  }
0x65: {  	[tilespmem:s20], [sflag:$0x2] =	stream.indirect.gather [spmem:s2], $0x50, s16, s17, $0xb8;
	[tilespmem:$0x1EB00] =	vst v63  }
0x66: {  	s21 =	simm.s32 $0x700  }
0x67: {  	[spmem:s3] =	stream.indirect.scatter.add.bf16 [tilespmem:s18], [sflag:$0x4], $0x50, s21, s17, $0xb8;
	[tilespmem:$0x1EB00] =	vst v63  }
0x68: {  	_ =	swait.ge [sflag:s13], $0x2800  }
0x69: {  	[sflag:s13] =	ssyncset.done $0x0  }
0x6a: {  	[sflag:s13] =	ssyncadd.s32 $0xFFFFD800  }
0x6b: {  	_ =	swait.ge [sflag:s23], $0x2800  }
0x6c: {  	[sflag:s23] =	ssyncset.done $0x0  }
0x6d: {  	[sflag:s23] =	ssyncadd.s32 $0xFFFFD800  }
0x6e: {  	_ =	swait.ge [sflag:s9], $0x800  }
0x6f: {  	[sflag:s9] =	ssyncset.done $0x0  }
0x70: {  	[sflag:s9] =	ssyncadd.s32 $0xFFFFF800  }
0x71: {  	[tilespmem:s18], [sflag:$0x1] =	stream.indirect.gather [spmem:s2], $0x50, s22, s17, $0xb8;
	[tilespmem:$0x1EB00] =	vst v63  }
0x72: {  	s24 =	simm.s32 $0x780  }
0x73: {  	[spmem:s3] =	stream.indirect.scatter.add.bf16 [tilespmem:s20], [sflag:$0x4], $0x50, s24, s17, $0xb8;
	[tilespmem:$0x1EB00] =	vst v63  }
0x74: {  	_ =	swait.ge [sflag:s13], $0x2800  }
0x75: {  	[sflag:s13] =	ssyncset.done $0x0  }
0x76: {  	[sflag:s13] =	ssyncadd.s32 $0xFFFFD800  }
0x77: {  	_ =	swait.ge [sflag:s19], $0x2800  }
0x78: {  	[sflag:s19] =	ssyncset.done $0x0  }
0x79: {  	s25 =	simm.s32 $0x880;
	[sflag:s19] =	ssyncadd.s32 $0xFFFFD800  }
0x7a: {  	[tilespmem:s20], [sflag:$0x2] =	stream.indirect.gather [spmem:s2], $0x50, s25, s17, $0xb8;
	[tilespmem:$0x1EB00] =	vst v63  }
0x7b: {  	s26 =	simm.s32 $0xC00  }
0x7c: {  	[spmem:s3] =	stream.indirect.scatter.add.bf16 [tilespmem:s18], [sflag:$0x4], $0x50, s26, s17, $0xb8;
	[tilespmem:$0x1EB00] =	vst v63  }
0x7d: {  	_ =	swait.ge [sflag:s13], $0x2800  }
0x7e: {  	[sflag:s13] =	ssyncset.done $0x0  }
0x7f: {  	s0 =	rddreg [dreg:$0xb];
	[sflag:s13] =	ssyncadd.s32 $0xFFFFD800  }
0x80: {  	[tilespmem:s4], [sflag:$0x3] =	stream.linear.gather [hbm4b:s0+s4], $0x800, $0x38;
	[tilespmem:$0x1EB00] =	vst v63  }
0x81: {  	_ =	swait.ge [sflag:s23], $0x2800  }
0x82: {  	[sflag:s23] =	ssyncset.done $0x0  }
0x83: {  	s5 =	simm.s32 $0x900;
	[sflag:s23] =	ssyncadd.s32 $0xFFFFD800  }
0x84: {  	[tilespmem:s18], [sflag:$0x1] =	stream.indirect.gather [spmem:s2], $0x50, s5, s17, $0xb8;
	[tilespmem:$0x1EB00] =	vst v63  }
0x85: {  	s10 =	simm.s32 $0xC80  }
0x86: {  	[spmem:s3] =	stream.indirect.scatter.add.bf16 [tilespmem:s20], [sflag:$0x4], $0x50, s10, s17, $0xb8;
	[tilespmem:$0x1EB00] =	vst v63  }
0x87: {  	_ =	swait.ge [sflag:s13], $0x2800  }
0x88: {  	[sflag:s13] =	ssyncset.done $0x0  }
0x89: {  	[sflag:s13] =	ssyncadd.s32 $0xFFFFD800  }
0x8a: {  	_ =	swait.ge [sflag:s19], $0x2800  }
0x8b: {  	[sflag:s19] =	ssyncset.done $0x0  }
0x8c: {  	s11 =	simm.s32 $0x980;
	[sflag:s19] =	ssyncadd.s32 $0xFFFFD800  }
0x8d: {  	[tilespmem:s20], [sflag:$0x2] =	stream.indirect.gather [spmem:s2], $0x50, s11, s17, $0xb8;
	[tilespmem:$0x1EB00] =	vst v63  }
0x8e: {  	s12 =	simm.s32 $0xD00  }
0x8f: {  	[spmem:s3] =	stream.indirect.scatter.add.bf16 [tilespmem:s18], [sflag:$0x4], $0x50, s12, s17, $0xb8;
	[tilespmem:$0x1EB00] =	vst v63  }
0x90: {  	_ =	swait.ge [sflag:s13], $0x2800  }
0x91: {  	[sflag:s13] =	ssyncset.done $0x0  }
0x92: {  	[sflag:s13] =	ssyncadd.s32 $0xFFFFD800  }
0x93: {  	_ =	swait.ge [sflag:s23], $0x2800  }
0x94: {  	[sflag:s23] =	ssyncset.done $0x0  }
0x95: {  	s14 =	simm.s32 $0xA00;
	[sflag:s23] =	ssyncadd.s32 $0xFFFFD800  }
0x96: {  	[tilespmem:s18], [sflag:$0x1] =	stream.indirect.gather [spmem:s2], $0x50, s14, s17, $0xb8;
	[tilespmem:$0x1EB00] =	vst v63  }
0x97: {  	s15 =	simm.s32 $0xD80  }
0x98: {  	[spmem:s3] =	stream.indirect.scatter.add.bf16 [tilespmem:s20], [sflag:$0x4], $0x50, s15, s17, $0xb8;
	[tilespmem:$0x1EB00] =	vst v63  }
0x99: {  	_ =	swait.ge [sflag:s13], $0x2800  }
0x9a: {  	[sflag:s13] =	ssyncset.done $0x0  }
0x9b: {  	[sflag:s13] =	ssyncadd.s32 $0xFFFFD800  }
0x9c: {  	_ =	swait.ge [sflag:s19], $0x2800  }
0x9d: {  	[sflag:s19] =	ssyncset.done $0x0  }
0x9e: {  	s16 =	simm.s32 $0xA80;
	[sflag:s19] =	ssyncadd.s32 $0xFFFFD800  }
0x9f: {  	[tilespmem:s20], [sflag:$0x2] =	stream.indirect.gather [spmem:s2], $0x50, s16, s17, $0xb8;
	[tilespmem:$0x1EB00] =	vst v63  }
0xa0: {  	s21 =	simm.s32 $0xE00  }
0xa1: {  	[spmem:s3] =	stream.indirect.scatter.add.bf16 [tilespmem:s18], [sflag:$0x4], $0x50, s21, s17, $0xb8;
	[tilespmem:$0x1EB00] =	vst v63  }
0xa2: {  	_ =	swait.ge [sflag:s13], $0x2800  }
0xa3: {  	[sflag:s13] =	ssyncset.done $0x0  }
0xa4: {  	[sflag:s13] =	ssyncadd.s32 $0xFFFFD800  }
0xa5: {  	_ =	swait.ge [sflag:s23], $0x2800  }
0xa6: {  	[sflag:s23] =	ssyncset.done $0x0  }
0xa7: {  	s24 =	simm.s32 $0xB00;
	[sflag:s23] =	ssyncadd.s32 $0xFFFFD800  }
0xa8: {  	[tilespmem:s18], [sflag:$0x1] =	stream.indirect.gather [spmem:s2], $0x50, s24, s17, $0xb8;
	[tilespmem:$0x1EB00] =	vst v63  }
0xa9: {  	s25 =	simm.s32 $0xE80  }
0xaa: {  	[spmem:s3] =	stream.indirect.scatter.add.bf16 [tilespmem:s20], [sflag:$0x4], $0x50, s25, s17, $0xb8;
	[tilespmem:$0x1EB00] =	vst v63  }
0xab: {  	_ =	swait.ge [sflag:s13], $0x2800  }
0xac: {  	[sflag:s13] =	ssyncset.done $0x0  }
0xad: {  	[sflag:s13] =	ssyncadd.s32 $0xFFFFD800  }
0xae: {  	_ =	swait.ge [sflag:s19], $0x2800  }
0xaf: {  	[sflag:s19] =	ssyncset.done $0x0  }
0xb0: {  	s26 =	simm.s32 $0xB80;
	[sflag:s19] =	ssyncadd.s32 $0xFFFFD800  }
0xb1: {  	[tilespmem:s20], [sflag:$0x2] =	stream.indirect.gather [spmem:s2], $0x50, s26, s17, $0xb8;
	[tilespmem:$0x1EB00] =	vst v63  }
0xb2: {  	s1 =	simm.s32 $0xF00  }
0xb3: {  	[spmem:s3] =	stream.indirect.scatter.add.bf16 [tilespmem:s18], [sflag:$0x4], $0x50, s1, s17, $0xb8;
	[tilespmem:$0x1EB00] =	vst v63  }
0xb4: {  	_ =	swait.ge [sflag:s13], $0x2800  }
0xb5: {  	[sflag:s13] =	ssyncset.done $0x0  }
0xb6: {  	[sflag:s13] =	ssyncadd.s32 $0xFFFFD800  }
0xb7: {  	_ =	swait.ge [sflag:s23], $0x2800  }
0xb8: {  	[sflag:s23] =	ssyncset.done $0x0  }
0xb9: {  	[sflag:s23] =	ssyncadd.s32 $0xFFFFD800  }
0xba: {  	_ =	swait.ge [sflag:s9], $0x800  }
0xbb: {  	[sflag:s9] =	ssyncset.done $0x0  }
0xbc: {  	[sflag:s9] =	ssyncadd.s32 $0xFFFFF800  }
0xbd: {  	[tilespmem:s18], [sflag:$0x1] =	stream.indirect.gather [spmem:s2], $0x50, s4, s17, $0xb8;
	[tilespmem:$0x1EB00] =	vst v63  }
0xbe: {  	s1 =	simm.s32 $0xF80  }
0xbf: {  	[spmem:s3] =	stream.indirect.scatter.add.bf16 [tilespmem:s20], [sflag:$0x4], $0x50, s1, s17, $0xb8;
	[tilespmem:$0x1EB00] =	vst v63  }
0xc0: {  	_ =	swait.ge [sflag:s13], $0x2800  }
0xc1: {  	[sflag:s13] =	ssyncset.done $0x0  }
0xc2: {  	[sflag:s13] =	ssyncadd.s32 $0xFFFFD800  }
0xc3: {  	_ =	swait.ge [sflag:s19], $0x2800  }
0xc4: {  	[sflag:s19] =	ssyncset.done $0x0  }
0xc5: {  	[sflag:s19] =	ssyncadd.s32 $0xFFFFD800  }
0xc6: {  	[tilespmem:s20], [sflag:$0x2] =	stream.indirect.gather [spmem:s2], $0x50, s17, s17, $0xb8;
	[tilespmem:$0x1EB00] =	vst v63  }
0xc7: {  	_ = 	snop  }
0xc8: {  	[spmem:s3] =	stream.indirect.scatter.add.bf16 [tilespmem:s18], [sflag:$0x4], $0x50, s6, s17, $0xb8;
	[tilespmem:$0x1EB00] =	vst v63  }
0xc9: {  	_ =	swait.ge [sflag:s13], $0x2800  }
0xca: {  	s6 =	rddreg [dreg:$0x6];
	[sflag:s13] =	ssyncset.done $0x0  }
0xcb: {  	[sflag:s13] =	ssyncadd.s32 $0xFFFFD800;
	s1 =	sadd.s32 $0x0, s6  }
0xcc: {  	[tilespmem:s22], [sflag:$0x3] =	stream.linear.gather [hbm4b:s1+s4], $0x800, $0x38;
	[tilespmem:$0x1EB00] =	vst v63  }
0xcd: {  	_ =	swait.ge [sflag:s23], $0x2800  }
0xce: {  	[sflag:s23] =	ssyncset.done $0x0  }
0xcf: {  	[sflag:s23] =	ssyncadd.s32 $0xFFFFD800  }
0xd0: {  	[tilespmem:s18], [sflag:$0x1] =	stream.indirect.gather [spmem:s2], $0x50, s7, s17, $0xb8;
	[tilespmem:$0x1EB00] =	vst v63  }
0xd1: {  	_ = 	snop  }
0xd2: {  	[spmem:s3] =	stream.indirect.scatter.add.bf16 [tilespmem:s20], [sflag:$0x4], $0x50, s8, s17, $0xb8;
	[tilespmem:$0x1EB00] =	vst v63  }
0xd3: {  	_ =	swait.ge [sflag:s13], $0x2800  }
0xd4: {  	[sflag:s13] =	ssyncset.done $0x0  }
0xd5: {  	[sflag:s13] =	ssyncadd.s32 $0xFFFFD800  }
0xd6: {  	_ =	swait.ge [sflag:s19], $0x2800  }
0xd7: {  	[sflag:s19] =	ssyncset.done $0x0  }
0xd8: {  	[sflag:s19] =	ssyncadd.s32 $0xFFFFD800  }
0xd9: {  	[tilespmem:s20], [sflag:$0x2] =	stream.indirect.gather [spmem:s2], $0x50, s28, s17, $0xb8;
	[tilespmem:$0x1EB00] =	vst v63  }
0xda: {  	_ = 	snop  }
0xdb: {  	[spmem:s3] =	stream.indirect.scatter.add.bf16 [tilespmem:s18], [sflag:$0x4], $0x50, s29, s17, $0xb8;
	[tilespmem:$0x1EB00] =	vst v63  }
0xdc: {  	_ =	swait.ge [sflag:s13], $0x2800  }
0xdd: {  	[sflag:s13] =	ssyncset.done $0x0  }
0xde: {  	[sflag:s13] =	ssyncadd.s32 $0xFFFFD800  }
0xdf: {  	_ =	swait.ge [sflag:s23], $0x2800  }
0xe0: {  	[sflag:s23] =	ssyncset.done $0x0  }
0xe1: {  	[sflag:s23] =	ssyncadd.s32 $0xFFFFD800  }
0xe2: {  	[tilespmem:s18], [sflag:$0x1] =	stream.indirect.gather [spmem:s2], $0x50, s30, s17, $0xb8;
	[tilespmem:$0x1EB00] =	vst v63  }
0xe3: {  	_ = 	snop  }
0xe4: {  	[spmem:s3] =	stream.indirect.scatter.add.bf16 [tilespmem:s20], [sflag:$0x4], $0x50, s31, s17, $0xb8;
	[tilespmem:$0x1EB00] =	vst v63  }
0xe5: {  	_ =	swait.ge [sflag:s13], $0x2800  }
0xe6: {  	[sflag:s13] =	ssyncset.done $0x0  }
0xe7: {  	[sflag:s13] =	ssyncadd.s32 $0xFFFFD800  }
0xe8: {  	_ =	swait.ge [sflag:s19], $0x2800  }
0xe9: {  	[sflag:s19] =	ssyncset.done $0x0  }
0xea: {  	s8 =	simm.s32 $0x280;
	[sflag:s19] =	ssyncadd.s32 $0xFFFFD800  }
0xeb: {  	[tilespmem:s20], [sflag:$0x2] =	stream.indirect.gather [spmem:s2], $0x50, s8, s17, $0xb8;
	[tilespmem:$0x1EB00] =	vst v63  }
0xec: {  	s1 =	simm.s32 $0x600  }
0xed: {  	[spmem:s3] =	stream.indirect.scatter.add.bf16 [tilespmem:s18], [sflag:$0x4], $0x50, s1, s17, $0xb8;
	[tilespmem:$0x1EB00] =	vst v63  }
0xee: {  	_ =	swait.ge [sflag:s13], $0x2800  }
0xef: {  	[sflag:s13] =	ssyncset.done $0x0  }
0xf0: {  	[sflag:s13] =	ssyncadd.s32 $0xFFFFD800  }
0xf1: {  	_ =	swait.ge [sflag:s23], $0x2800  }
0xf2: {  	[sflag:s23] =	ssyncset.done $0x0  }
0xf3: {  	s6 =	simm.s32 $0x300;
	[sflag:s23] =	ssyncadd.s32 $0xFFFFD800  }
0xf4: {  	[tilespmem:s18], [sflag:$0x1] =	stream.indirect.gather [spmem:s2], $0x50, s6, s17, $0xb8;
	[tilespmem:$0x1EB00] =	vst v63  }
0xf5: {  	s7 =	simm.s32 $0x680  }
0xf6: {  	[spmem:s3] =	stream.indirect.scatter.add.bf16 [tilespmem:s20], [sflag:$0x4], $0x50, s7, s17, $0xb8;
	[tilespmem:$0x1EB00] =	vst v63  }
0xf7: {  	_ =	swait.ge [sflag:s13], $0x2800  }
0xf8: {  	[sflag:s13] =	ssyncset.done $0x0  }
0xf9: {  	[sflag:s13] =	ssyncadd.s32 $0xFFFFD800  }
0xfa: {  	_ =	swait.ge [sflag:s19], $0x2800  }
0xfb: {  	[sflag:s19] =	ssyncset.done $0x0  }
0xfc: {  	s8 =	simm.s32 $0x380;
	[sflag:s19] =	ssyncadd.s32 $0xFFFFD800  }
0xfd: {  	[tilespmem:s20], [sflag:$0x2] =	stream.indirect.gather [spmem:s2], $0x50, s8, s17, $0xb8;
	[tilespmem:$0x1EB00] =	vst v63  }
0xfe: {  	s1 =	simm.s32 $0x700  }
0xff: {  	[spmem:s3] =	stream.indirect.scatter.add.bf16 [tilespmem:s18], [sflag:$0x4], $0x50, s1, s17, $0xb8;
	[tilespmem:$0x1EB00] =	vst v63  }
0x100: {  	_ =	swait.ge [sflag:s13], $0x2800  }
0x101: {  	[sflag:s13] =	ssyncset.done $0x0  }
0x102: {  	[sflag:s13] =	ssyncadd.s32 $0xFFFFD800  }
0x103: {  	_ =	swait.ge [sflag:s23], $0x2800  }
0x104: {  	[sflag:s23] =	ssyncset.done $0x0  }
0x105: {  	[sflag:s23] =	ssyncadd.s32 $0xFFFFD800  }
0x106: {  	_ =	swait.ge [sflag:s9], $0x800  }
0x107: {  	[sflag:s9] =	ssyncset.done $0x0  }
0x108: {  	[sflag:s9] =	ssyncadd.s32 $0xFFFFF800  }
0x109: {  	[tilespmem:s18], [sflag:$0x1] =	stream.indirect.gather [spmem:s2], $0x50, s22, s17, $0xb8;
	[tilespmem:$0x1EB00] =	vst v63  }
0x10a: {  	s6 =	simm.s32 $0x780  }
0x10b: {  	[spmem:s3] =	stream.indirect.scatter.add.bf16 [tilespmem:s20], [sflag:$0x4], $0x50, s6, s17, $0xb8;
	[tilespmem:$0x1EB00] =	vst v63  }
0x10c: {  	_ =	swait.ge [sflag:s13], $0x2800  }
0x10d: {  	[sflag:s13] =	ssyncset.done $0x0  }
0x10e: {  	[sflag:s13] =	ssyncadd.s32 $0xFFFFD800  }
0x10f: {  	_ =	swait.ge [sflag:s19], $0x2800  }
0x110: {  	[sflag:s19] =	ssyncset.done $0x0  }
0x111: {  	s7 =	simm.s32 $0x880;
	[sflag:s19] =	ssyncadd.s32 $0xFFFFD800  }
0x112: {  	[tilespmem:s20], [sflag:$0x2] =	stream.indirect.gather [spmem:s2], $0x50, s7, s17, $0xb8;
	[tilespmem:$0x1EB00] =	vst v63  }
0x113: {  	s8 =	simm.s32 $0xC00  }
0x114: {  	[spmem:s3] =	stream.indirect.scatter.add.bf16 [tilespmem:s18], [sflag:$0x4], $0x50, s8, s17, $0xb8;
	[tilespmem:$0x1EB00] =	vst v63  }
0x115: {  	_ =	swait.ge [sflag:s13], $0x2800  }
0x116: {  	s0 =	rddreg [dreg:$0x5];
	[sflag:s13] =	ssyncset.done $0x0  }
0x117: {  	[sflag:s13] =	ssyncadd.s32 $0xFFFFD800;
	s1 =	sadd.s32 $0x0, s0  }
0x118: {  	[tilespmem:s4], [sflag:$0x3] =	stream.linear.gather [hbm4b:s1+s4], $0x800, $0x38;
	[tilespmem:$0x1EB00] =	vst v63  }
0x119: {  	_ =	swait.ge [sflag:s23], $0x2800  }
0x11a: {  	[sflag:s23] =	ssyncset.done $0x0  }
0x11b: {  	[sflag:s23] =	ssyncadd.s32 $0xFFFFD800  }
0x11c: {  	[tilespmem:s18], [sflag:$0x1] =	stream.indirect.gather [spmem:s2], $0x50, s5, s17, $0xb8;
	[tilespmem:$0x1EB00] =	vst v63  }
0x11d: {  	_ = 	snop  }
0x11e: {  	[spmem:s3] =	stream.indirect.scatter.add.bf16 [tilespmem:s20], [sflag:$0x4], $0x50, s10, s17, $0xb8;
	[tilespmem:$0x1EB00] =	vst v63  }
0x11f: {  	_ =	swait.ge [sflag:s13], $0x2800  }
0x120: {  	[sflag:s13] =	ssyncset.done $0x0  }
0x121: {  	[sflag:s13] =	ssyncadd.s32 $0xFFFFD800  }
0x122: {  	_ =	swait.ge [sflag:s19], $0x2800  }
0x123: {  	[sflag:s19] =	ssyncset.done $0x0  }
0x124: {  	[sflag:s19] =	ssyncadd.s32 $0xFFFFD800  }
0x125: {  	[tilespmem:s20], [sflag:$0x2] =	stream.indirect.gather [spmem:s2], $0x50, s11, s17, $0xb8;
	[tilespmem:$0x1EB00] =	vst v63  }
0x126: {  	_ = 	snop  }
0x127: {  	[spmem:s3] =	stream.indirect.scatter.add.bf16 [tilespmem:s18], [sflag:$0x4], $0x50, s12, s17, $0xb8;
	[tilespmem:$0x1EB00] =	vst v63  }
0x128: {  	_ =	swait.ge [sflag:s13], $0x2800  }
0x129: {  	[sflag:s13] =	ssyncset.done $0x0  }
0x12a: {  	[sflag:s13] =	ssyncadd.s32 $0xFFFFD800  }
0x12b: {  	_ =	swait.ge [sflag:s23], $0x2800  }
0x12c: {  	[sflag:s23] =	ssyncset.done $0x0  }
0x12d: {  	[sflag:s23] =	ssyncadd.s32 $0xFFFFD800  }
0x12e: {  	[tilespmem:s18], [sflag:$0x1] =	stream.indirect.gather [spmem:s2], $0x50, s14, s17, $0xb8;
	[tilespmem:$0x1EB00] =	vst v63  }
0x12f: {  	_ = 	snop  }
0x130: {  	[spmem:s3] =	stream.indirect.scatter.add.bf16 [tilespmem:s20], [sflag:$0x4], $0x50, s15, s17, $0xb8;
	[tilespmem:$0x1EB00] =	vst v63  }
0x131: {  	_ =	swait.ge [sflag:s13], $0x2800  }
0x132: {  	[sflag:s13] =	ssyncset.done $0x0  }
0x133: {  	[sflag:s13] =	ssyncadd.s32 $0xFFFFD800  }
0x134: {  	_ =	swait.ge [sflag:s19], $0x2800  }
0x135: {  	[sflag:s19] =	ssyncset.done $0x0  }
0x136: {  	[sflag:s19] =	ssyncadd.s32 $0xFFFFD800  }
0x137: {  	[tilespmem:s20], [sflag:$0x2] =	stream.indirect.gather [spmem:s2], $0x50, s16, s17, $0xb8;
	[tilespmem:$0x1EB00] =	vst v63  }
0x138: {  	_ = 	snop  }
0x139: {  	[spmem:s3] =	stream.indirect.scatter.add.bf16 [tilespmem:s18], [sflag:$0x4], $0x50, s21, s17, $0xb8;
	[tilespmem:$0x1EB00] =	vst v63  }
0x13a: {  	_ =	swait.ge [sflag:s13], $0x2800  }
0x13b: {  	[sflag:s13] =	ssyncset.done $0x0  }
0x13c: {  	[sflag:s13] =	ssyncadd.s32 $0xFFFFD800  }
0x13d: {  	_ =	swait.ge [sflag:s23], $0x2800  }
0x13e: {  	[sflag:s23] =	ssyncset.done $0x0  }
0x13f: {  	[sflag:s23] =	ssyncadd.s32 $0xFFFFD800  }
0x140: {  	[tilespmem:s18], [sflag:$0x1] =	stream.indirect.gather [spmem:s2], $0x50, s24, s17, $0xb8;
	[tilespmem:$0x1EB00] =	vst v63  }
0x141: {  	_ = 	snop  }
0x142: {  	[spmem:s3] =	stream.indirect.scatter.add.bf16 [tilespmem:s20], [sflag:$0x4], $0x50, s25, s17, $0xb8;
	[tilespmem:$0x1EB00] =	vst v63  }
0x143: {  	_ =	swait.ge [sflag:s13], $0x2800  }
0x144: {  	[sflag:s13] =	ssyncset.done $0x0  }
0x145: {  	[sflag:s13] =	ssyncadd.s32 $0xFFFFD800  }
0x146: {  	_ =	swait.ge [sflag:s19], $0x2800  }
0x147: {  	[sflag:s19] =	ssyncset.done $0x0  }
0x148: {  	[sflag:s19] =	ssyncadd.s32 $0xFFFFD800  }
0x149: {  	[tilespmem:s20], [sflag:$0x2] =	stream.indirect.gather [spmem:s2], $0x50, s26, s17, $0xb8;
	[tilespmem:$0x1EB00] =	vst v63  }
0x14a: {  	s6 =	simm.s32 $0xF00  }
0x14b: {  	[spmem:s3] =	stream.indirect.scatter.add.bf16 [tilespmem:s18], [sflag:$0x4], $0x50, s6, s17, $0xb8;
	[tilespmem:$0x1EB00] =	vst v63  }
0x14c: {  	_ =	swait.ge [sflag:s13], $0x2800  }
0x14d: {  	[sflag:s13] =	ssyncset.done $0x0  }
0x14e: {  	[sflag:s13] =	ssyncadd.s32 $0xFFFFD800  }
0x14f: {  	s28 =	simm.s32 $0x700;
	s29 =	simm.s32 $0x780;
	_ =	swait.ge [sflag:s23], $0x2800  }
0x150: {  	s30 =	simm.s32 $0x880;
	s31 =	simm.s32 $0xC00;
	[sflag:s23] =	ssyncset.done $0x0  }
0x151: {  	s7 =	simm.s32 $0xF80;
	s8 =	simm.s32 $0xC80;
	[sflag:s23] =	ssyncadd.s32 $0xFFFFD800  }
0x152: {  	s0 =	simm.s32 $0x900;
	s1 =	simm.s32 $0x200;
	_ =	swait.ge [sflag:s9], $0x800  }
0x153: {  	s5 =	simm.s32 $0x980;
	s10 =	simm.s32 $0xD00;
	[sflag:s9] =	ssyncset.done $0x0  }
0x154: {  	s11 =	simm.s32 $0xA00;
	s12 =	simm.s32 $0xD80;
	[sflag:s9] =	ssyncadd.s32 $0xFFFFF800  }
0x155: {  	[tilespmem:s18], [sflag:$0x1] =	stream.indirect.gather [spmem:s2], $0x50, s4, s17, $0xb8;
	[tilespmem:$0x1EB00] =	vst v63  }
0x156: {  	s14 =	simm.s32 $0xA80;
	s15 =	simm.s32 $0xE00;
	s16 =	simm.s32 $0xB00  }
0x157: {  	[spmem:s3] =	stream.indirect.scatter.add.bf16 [tilespmem:s20], [sflag:$0x4], $0x50, s7, s17, $0xb8;
	[tilespmem:$0x1EB00] =	vst v63  }
0x158: {  	s21 =	simm.s32 $0xE80;
	s24 =	simm.s32 $0xB80;
	_ =	swait.ge [sflag:s13], $0x2800  }
0x159: {  	s25 =	simm.s32 $0xF00;
	s26 =	simm.s32 $0xF80;
	[sflag:s13] =	ssyncset.done $0x0  }
.LBB2_2:
0x15a: {  	[sflag:s13] =	ssyncadd.s32 $0xFFFFD800  }
0x15b: {  	_ =	swait.ge [sflag:s19], $0x2800  }
0x15c: {  	[sflag:s19] =	ssyncset.done $0x0  }
0x15d: {  	[sflag:s19] =	ssyncadd.s32 $0xFFFFD800  }
0x15e: {  	[tilespmem:s20], [sflag:$0x2] =	stream.indirect.gather [spmem:s2], $0x50, s17, s17, $0xb8;
	[tilespmem:$0x1EB00] =	vst v63  }
0x15f: {  	s7 =	simm.s32 $0x400  }
0x160: {  	[spmem:s3] =	stream.indirect.scatter.add.bf16 [tilespmem:s18], [sflag:$0x4], $0x50, s7, s17, $0xb8;
	[tilespmem:$0x1EB00] =	vst v63  }
0x161: {  	_ =	swait.ge [sflag:s13], $0x2800  }
0x162: {  	s6 =	smov.u32 s1;
	s7 =	rddreg [dreg:$0x6];
	[sflag:s13] =	ssyncset.done $0x0  }
0x163: {  	[sflag:s13] =	ssyncadd.s32 $0xFFFFD800;
	s7 =	sadd.s32 s6, s7  }
0x164: {  	[tilespmem:s22], [sflag:$0x3] =	stream.linear.gather [hbm4b:s7+s4], $0x800, $0x38;
	[tilespmem:$0x1EB00] =	vst v63  }
0x165: {  	_ =	swait.ge [sflag:s23], $0x2800  }
0x166: {  	[sflag:s23] =	ssyncset.done $0x0  }
0x167: {  	s7 =	simm.s32 $0x100;
	[sflag:s23] =	ssyncadd.s32 $0xFFFFD800  }
0x168: {  	[tilespmem:s18], [sflag:$0x1] =	stream.indirect.gather [spmem:s2], $0x50, s7, s17, $0xb8;
	[tilespmem:$0x1EB00] =	vst v63  }
0x169: {  	s7 =	simm.s32 $0x480  }
0x16a: {  	[spmem:s3] =	stream.indirect.scatter.add.bf16 [tilespmem:s20], [sflag:$0x4], $0x50, s7, s17, $0xb8;
	[tilespmem:$0x1EB00] =	vst v63  }
0x16b: {  	_ =	swait.ge [sflag:s13], $0x2800  }
0x16c: {  	[sflag:s13] =	ssyncset.done $0x0  }
0x16d: {  	[sflag:s13] =	ssyncadd.s32 $0xFFFFD800  }
0x16e: {  	_ =	swait.ge [sflag:s19], $0x2800  }
0x16f: {  	[sflag:s19] =	ssyncset.done $0x0  }
0x170: {  	s7 =	simm.s32 $0x180;
	[sflag:s19] =	ssyncadd.s32 $0xFFFFD800  }
0x171: {  	[tilespmem:s20], [sflag:$0x2] =	stream.indirect.gather [spmem:s2], $0x50, s7, s17, $0xb8;
	[tilespmem:$0x1EB00] =	vst v63  }
0x172: {  	s7 =	simm.s32 $0x500  }
0x173: {  	[spmem:s3] =	stream.indirect.scatter.add.bf16 [tilespmem:s18], [sflag:$0x4], $0x50, s7, s17, $0xb8;
	[tilespmem:$0x1EB00] =	vst v63  }
0x174: {  	_ =	swait.ge [sflag:s13], $0x2800  }
0x175: {  	[sflag:s13] =	ssyncset.done $0x0  }
0x176: {  	[sflag:s13] =	ssyncadd.s32 $0xFFFFD800  }
0x177: {  	_ =	swait.ge [sflag:s23], $0x2800  }
0x178: {  	[sflag:s23] =	ssyncset.done $0x0  }
0x179: {  	s7 =	simm.s32 $0x200;
	[sflag:s23] =	ssyncadd.s32 $0xFFFFD800  }
0x17a: {  	[tilespmem:s18], [sflag:$0x1] =	stream.indirect.gather [spmem:s2], $0x50, s7, s17, $0xb8;
	[tilespmem:$0x1EB00] =	vst v63  }
0x17b: {  	s7 =	simm.s32 $0x580  }
0x17c: {  	[spmem:s3] =	stream.indirect.scatter.add.bf16 [tilespmem:s20], [sflag:$0x4], $0x50, s7, s17, $0xb8;
	[tilespmem:$0x1EB00] =	vst v63  }
0x17d: {  	_ =	swait.ge [sflag:s13], $0x2800  }
0x17e: {  	[sflag:s13] =	ssyncset.done $0x0  }
0x17f: {  	[sflag:s13] =	ssyncadd.s32 $0xFFFFD800  }
0x180: {  	_ =	swait.ge [sflag:s19], $0x2800  }
0x181: {  	[sflag:s19] =	ssyncset.done $0x0  }
0x182: {  	s7 =	simm.s32 $0x280;
	[sflag:s19] =	ssyncadd.s32 $0xFFFFD800  }
0x183: {  	[tilespmem:s20], [sflag:$0x2] =	stream.indirect.gather [spmem:s2], $0x50, s7, s17, $0xb8;
	[tilespmem:$0x1EB00] =	vst v63  }
0x184: {  	s7 =	simm.s32 $0x600  }
0x185: {  	[spmem:s3] =	stream.indirect.scatter.add.bf16 [tilespmem:s18], [sflag:$0x4], $0x50, s7, s17, $0xb8;
	[tilespmem:$0x1EB00] =	vst v63  }
0x186: {  	_ =	swait.ge [sflag:s13], $0x2800  }
0x187: {  	[sflag:s13] =	ssyncset.done $0x0  }
0x188: {  	[sflag:s13] =	ssyncadd.s32 $0xFFFFD800  }
0x189: {  	_ =	swait.ge [sflag:s23], $0x2800  }
0x18a: {  	[sflag:s23] =	ssyncset.done $0x0  }
0x18b: {  	s7 =	simm.s32 $0x300;
	[sflag:s23] =	ssyncadd.s32 $0xFFFFD800  }
0x18c: {  	[tilespmem:s18], [sflag:$0x1] =	stream.indirect.gather [spmem:s2], $0x50, s7, s17, $0xb8;
	[tilespmem:$0x1EB00] =	vst v63  }
0x18d: {  	s7 =	simm.s32 $0x680  }
0x18e: {  	[spmem:s3] =	stream.indirect.scatter.add.bf16 [tilespmem:s20], [sflag:$0x4], $0x50, s7, s17, $0xb8;
	[tilespmem:$0x1EB00] =	vst v63  }
0x18f: {  	_ =	swait.ge [sflag:s13], $0x2800  }
0x190: {  	[sflag:s13] =	ssyncset.done $0x0  }
0x191: {  	[sflag:s13] =	ssyncadd.s32 $0xFFFFD800  }
0x192: {  	_ =	swait.ge [sflag:s19], $0x2800  }
0x193: {  	[sflag:s19] =	ssyncset.done $0x0  }
0x194: {  	s7 =	simm.s32 $0x380;
	[sflag:s19] =	ssyncadd.s32 $0xFFFFD800  }
0x195: {  	[tilespmem:s20], [sflag:$0x2] =	stream.indirect.gather [spmem:s2], $0x50, s7, s17, $0xb8;
	[tilespmem:$0x1EB00] =	vst v63  }
0x196: {  	_ = 	snop  }
0x197: {  	[spmem:s3] =	stream.indirect.scatter.add.bf16 [tilespmem:s18], [sflag:$0x4], $0x50, s28, s17, $0xb8;
	[tilespmem:$0x1EB00] =	vst v63  }
0x198: {  	_ =	swait.ge [sflag:s13], $0x2800  }
0x199: {  	[sflag:s13] =	ssyncset.done $0x0  }
0x19a: {  	[sflag:s13] =	ssyncadd.s32 $0xFFFFD800  }
0x19b: {  	_ =	swait.ge [sflag:s23], $0x2800  }
0x19c: {  	[sflag:s23] =	ssyncset.done $0x0  }
0x19d: {  	[sflag:s23] =	ssyncadd.s32 $0xFFFFD800  }
0x19e: {  	_ =	swait.ge [sflag:s9], $0x800  }
0x19f: {  	[sflag:s9] =	ssyncset.done $0x0  }
0x1a0: {  	[sflag:s9] =	ssyncadd.s32 $0xFFFFF800  }
0x1a1: {  	[tilespmem:s18], [sflag:$0x1] =	stream.indirect.gather [spmem:s2], $0x50, s22, s17, $0xb8;
	[tilespmem:$0x1EB00] =	vst v63  }
0x1a2: {  	_ = 	snop  }
0x1a3: {  	[spmem:s3] =	stream.indirect.scatter.add.bf16 [tilespmem:s20], [sflag:$0x4], $0x50, s29, s17, $0xb8;
	[tilespmem:$0x1EB00] =	vst v63  }
0x1a4: {  	_ =	swait.ge [sflag:s13], $0x2800  }
0x1a5: {  	[sflag:s13] =	ssyncset.done $0x0  }
0x1a6: {  	[sflag:s13] =	ssyncadd.s32 $0xFFFFD800  }
0x1a7: {  	_ =	swait.ge [sflag:s19], $0x2800  }
0x1a8: {  	[sflag:s19] =	ssyncset.done $0x0  }
0x1a9: {  	[sflag:s19] =	ssyncadd.s32 $0xFFFFD800  }
0x1aa: {  	[tilespmem:s20], [sflag:$0x2] =	stream.indirect.gather [spmem:s2], $0x50, s30, s17, $0xb8;
	[tilespmem:$0x1EB00] =	vst v63  }
0x1ab: {  	_ = 	snop  }
0x1ac: {  	[spmem:s3] =	stream.indirect.scatter.add.bf16 [tilespmem:s18], [sflag:$0x4], $0x50, s31, s17, $0xb8;
	[tilespmem:$0x1EB00] =	vst v63  }
0x1ad: {  	_ =	swait.ge [sflag:s13], $0x2800  }
0x1ae: {  	s7 =	rddreg [dreg:$0x5];
	[sflag:s13] =	ssyncset.done $0x0  }
0x1af: {  	[sflag:s13] =	ssyncadd.s32 $0xFFFFD800;
	s6 =	sadd.s32 s6, s7  }
0x1b0: {  	[tilespmem:s4], [sflag:$0x3] =	stream.linear.gather [hbm4b:s6+s4], $0x800, $0x38;
	[tilespmem:$0x1EB00] =	vst v63  }
0x1b1: {  	_ =	swait.ge [sflag:s23], $0x2800  }
0x1b2: {  	[sflag:s23] =	ssyncset.done $0x0  }
0x1b3: {  	[sflag:s23] =	ssyncadd.s32 $0xFFFFD800  }
0x1b4: {  	[tilespmem:s18], [sflag:$0x1] =	stream.indirect.gather [spmem:s2], $0x50, s0, s17, $0xb8;
	[tilespmem:$0x1EB00] =	vst v63  }
0x1b5: {  	_ = 	snop  }
0x1b6: {  	[spmem:s3] =	stream.indirect.scatter.add.bf16 [tilespmem:s20], [sflag:$0x4], $0x50, s8, s17, $0xb8;
	[tilespmem:$0x1EB00] =	vst v63  }
0x1b7: {  	_ =	swait.ge [sflag:s13], $0x2800  }
0x1b8: {  	[sflag:s13] =	ssyncset.done $0x0  }
0x1b9: {  	[sflag:s13] =	ssyncadd.s32 $0xFFFFD800  }
0x1ba: {  	_ =	swait.ge [sflag:s19], $0x2800  }
0x1bb: {  	[sflag:s19] =	ssyncset.done $0x0  }
0x1bc: {  	[sflag:s19] =	ssyncadd.s32 $0xFFFFD800  }
0x1bd: {  	[tilespmem:s20], [sflag:$0x2] =	stream.indirect.gather [spmem:s2], $0x50, s5, s17, $0xb8;
	[tilespmem:$0x1EB00] =	vst v63  }
0x1be: {  	_ = 	snop  }
0x1bf: {  	[spmem:s3] =	stream.indirect.scatter.add.bf16 [tilespmem:s18], [sflag:$0x4], $0x50, s10, s17, $0xb8;
	[tilespmem:$0x1EB00] =	vst v63  }
0x1c0: {  	_ =	swait.ge [sflag:s13], $0x2800  }
0x1c1: {  	[sflag:s13] =	ssyncset.done $0x0  }
0x1c2: {  	[sflag:s13] =	ssyncadd.s32 $0xFFFFD800  }
0x1c3: {  	_ =	swait.ge [sflag:s23], $0x2800  }
0x1c4: {  	[sflag:s23] =	ssyncset.done $0x0  }
0x1c5: {  	[sflag:s23] =	ssyncadd.s32 $0xFFFFD800  }
0x1c6: {  	[tilespmem:s18], [sflag:$0x1] =	stream.indirect.gather [spmem:s2], $0x50, s11, s17, $0xb8;
	[tilespmem:$0x1EB00] =	vst v63  }
0x1c7: {  	_ = 	snop  }
0x1c8: {  	[spmem:s3] =	stream.indirect.scatter.add.bf16 [tilespmem:s20], [sflag:$0x4], $0x50, s12, s17, $0xb8;
	[tilespmem:$0x1EB00] =	vst v63  }
0x1c9: {  	_ =	swait.ge [sflag:s13], $0x2800  }
0x1ca: {  	[sflag:s13] =	ssyncset.done $0x0  }
0x1cb: {  	[sflag:s13] =	ssyncadd.s32 $0xFFFFD800  }
0x1cc: {  	_ =	swait.ge [sflag:s19], $0x2800  }
0x1cd: {  	[sflag:s19] =	ssyncset.done $0x0  }
0x1ce: {  	[sflag:s19] =	ssyncadd.s32 $0xFFFFD800  }
0x1cf: {  	[tilespmem:s20], [sflag:$0x2] =	stream.indirect.gather [spmem:s2], $0x50, s14, s17, $0xb8;
	[tilespmem:$0x1EB00] =	vst v63  }
0x1d0: {  	_ = 	snop  }
0x1d1: {  	[spmem:s3] =	stream.indirect.scatter.add.bf16 [tilespmem:s18], [sflag:$0x4], $0x50, s15, s17, $0xb8;
	[tilespmem:$0x1EB00] =	vst v63  }
0x1d2: {  	_ =	swait.ge [sflag:s13], $0x2800  }
0x1d3: {  	[sflag:s13] =	ssyncset.done $0x0  }
0x1d4: {  	[sflag:s13] =	ssyncadd.s32 $0xFFFFD800  }
0x1d5: {  	_ =	swait.ge [sflag:s23], $0x2800  }
0x1d6: {  	[sflag:s23] =	ssyncset.done $0x0  }
0x1d7: {  	[sflag:s23] =	ssyncadd.s32 $0xFFFFD800  }
0x1d8: {  	[tilespmem:s18], [sflag:$0x1] =	stream.indirect.gather [spmem:s2], $0x50, s16, s17, $0xb8;
	[tilespmem:$0x1EB00] =	vst v63  }
0x1d9: {  	_ = 	snop  }
0x1da: {  	[spmem:s3] =	stream.indirect.scatter.add.bf16 [tilespmem:s20], [sflag:$0x4], $0x50, s21, s17, $0xb8;
	[tilespmem:$0x1EB00] =	vst v63  }
0x1db: {  	_ =	swait.ge [sflag:s13], $0x2800  }
0x1dc: {  	[sflag:s13] =	ssyncset.done $0x0  }
0x1dd: {  	[sflag:s13] =	ssyncadd.s32 $0xFFFFD800  }
0x1de: {  	_ =	swait.ge [sflag:s19], $0x2800  }
0x1df: {  	[sflag:s19] =	ssyncset.done $0x0  }
0x1e0: {  	[sflag:s19] =	ssyncadd.s32 $0xFFFFD800  }
0x1e1: {  	[tilespmem:s20], [sflag:$0x2] =	stream.indirect.gather [spmem:s2], $0x50, s24, s17, $0xb8;
	[tilespmem:$0x1EB00] =	vst v63  }
0x1e2: {  	_ = 	snop  }
0x1e3: {  	[spmem:s3] =	stream.indirect.scatter.add.bf16 [tilespmem:s18], [sflag:$0x4], $0x50, s25, s17, $0xb8;
	[tilespmem:$0x1EB00] =	vst v63  }
0x1e4: {  	_ =	swait.ge [sflag:s13], $0x2800  }
0x1e5: {  	[sflag:s13] =	ssyncset.done $0x0  }
0x1e6: {  	[sflag:s13] =	ssyncadd.s32 $0xFFFFD800  }
0x1e7: {  	_ =	swait.ge [sflag:s23], $0x2800  }
0x1e8: {  	[sflag:s23] =	ssyncset.done $0x0  }
0x1e9: {  	[sflag:s23] =	ssyncadd.s32 $0xFFFFD800  }
0x1ea: {  	_ =	swait.ge [sflag:s9], $0x800  }
0x1eb: {  	[sflag:s9] =	ssyncset.done $0x0  }
0x1ec: {  	p0 =	sne.s32 s1, $0x400;
	[sflag:s9] =	ssyncadd.s32 $0xFFFFF800  }
0x1ed: {  	[tilespmem:s18], [sflag:$0x1] =	stream.indirect.gather [spmem:s2], $0x50, s4, s17, $0xb8;
	[tilespmem:$0x1EB00] =	vst v63  }
.Ltmp0:
0x1ee: {  	_ = 	snop;
	(pc) =	sbr.rel @p0 .LBB2_2-.Ltmp0, $4  }
0x1ef: {  	_ = 	snop  }
0x1f0: {  	[spmem:s3] =	stream.indirect.scatter.add.bf16 [tilespmem:s20], [sflag:$0x4], $0x50, s26, s17, $0xb8;
	[tilespmem:$0x1EB00] =	vst v63  }
0x1f1: {  	_ =	swait.ge [sflag:s13], $0x2800  }
0x1f2: {  	s1 =	sadd.s32 $0x200, s1;
	[sflag:s13] =	ssyncset.done $0x0  }
0x1f3: {  	[sflag:s13] =	ssyncadd.s32 $0xFFFFD800  }
0x1f4: {  	_ =	swait.ge [sflag:s19], $0x2800  }
0x1f5: {  	[sflag:s19] =	ssyncset.done $0x0  }
0x1f6: {  	[sflag:s19] =	ssyncadd.s32 $0xFFFFD800  }
0x1f7: {  	[tilespmem:s20], [sflag:$0x2] =	stream.indirect.gather [spmem:s2], $0x50, s17, s17, $0xb8;
	[tilespmem:$0x1EB00] =	vst v63  }
0x1f8: {  	s1 =	simm.s32 $0x400  }
0x1f9: {  	[spmem:s3] =	stream.indirect.scatter.add.bf16 [tilespmem:s18], [sflag:$0x4], $0x50, s1, s17, $0xb8;
	[tilespmem:$0x1EB00] =	vst v63  }
0x1fa: {  	_ =	swait.ge [sflag:s13], $0x2800  }
0x1fb: {  	[sflag:s13] =	ssyncset.done $0x0  }
0x1fc: {  	s6 =	rddreg [dreg:$0xc];
	[sflag:s13] =	ssyncadd.s32 $0xFFFFD800  }
0x1fd: {  	[tilespmem:s22], [sflag:$0x3] =	stream.linear.gather [hbm4b:s6+s4], $0x800, $0x38;
	[tilespmem:$0x1EB00] =	vst v63  }
0x1fe: {  	_ =	swait.ge [sflag:s23], $0x2800  }
0x1ff: {  	[sflag:s23] =	ssyncset.done $0x0  }
0x200: {  	s7 =	simm.s32 $0x100;
	[sflag:s23] =	ssyncadd.s32 $0xFFFFD800  }
0x201: {  	[tilespmem:s18], [sflag:$0x1] =	stream.indirect.gather [spmem:s2], $0x50, s7, s17, $0xb8;
	[tilespmem:$0x1EB00] =	vst v63  }
0x202: {  	s6 =	simm.s32 $0x480  }
0x203: {  	[spmem:s3] =	stream.indirect.scatter.add.bf16 [tilespmem:s20], [sflag:$0x4], $0x50, s6, s17, $0xb8;
	[tilespmem:$0x1EB00] =	vst v63  }
0x204: {  	_ =	swait.ge [sflag:s13], $0x2800  }
0x205: {  	[sflag:s13] =	ssyncset.done $0x0  }
0x206: {  	[sflag:s13] =	ssyncadd.s32 $0xFFFFD800  }
0x207: {  	_ =	swait.ge [sflag:s19], $0x2800  }
0x208: {  	[sflag:s19] =	ssyncset.done $0x0  }
0x209: {  	s7 =	simm.s32 $0x180;
	[sflag:s19] =	ssyncadd.s32 $0xFFFFD800  }
0x20a: {  	[tilespmem:s20], [sflag:$0x2] =	stream.indirect.gather [spmem:s2], $0x50, s7, s17, $0xb8;
	[tilespmem:$0x1EB00] =	vst v63  }
0x20b: {  	s6 =	simm.s32 $0x500  }
0x20c: {  	[spmem:s3] =	stream.indirect.scatter.add.bf16 [tilespmem:s18], [sflag:$0x4], $0x50, s6, s17, $0xb8;
	[tilespmem:$0x1EB00] =	vst v63  }
0x20d: {  	_ =	swait.ge [sflag:s13], $0x2800  }
0x20e: {  	[sflag:s13] =	ssyncset.done $0x0  }
0x20f: {  	[sflag:s13] =	ssyncadd.s32 $0xFFFFD800  }
0x210: {  	_ =	swait.ge [sflag:s23], $0x2800  }
0x211: {  	[sflag:s23] =	ssyncset.done $0x0  }
0x212: {  	s7 =	simm.s32 $0x200;
	[sflag:s23] =	ssyncadd.s32 $0xFFFFD800  }
0x213: {  	[tilespmem:s18], [sflag:$0x1] =	stream.indirect.gather [spmem:s2], $0x50, s7, s17, $0xb8;
	[tilespmem:$0x1EB00] =	vst v63  }
0x214: {  	s6 =	simm.s32 $0x580  }
0x215: {  	[spmem:s3] =	stream.indirect.scatter.add.bf16 [tilespmem:s20], [sflag:$0x4], $0x50, s6, s17, $0xb8;
	[tilespmem:$0x1EB00] =	vst v63  }
0x216: {  	_ =	swait.ge [sflag:s13], $0x2800  }
0x217: {  	[sflag:s13] =	ssyncset.done $0x0  }
0x218: {  	[sflag:s13] =	ssyncadd.s32 $0xFFFFD800  }
0x219: {  	_ =	swait.ge [sflag:s19], $0x2800  }
0x21a: {  	[sflag:s19] =	ssyncset.done $0x0  }
0x21b: {  	s7 =	simm.s32 $0x280;
	[sflag:s19] =	ssyncadd.s32 $0xFFFFD800  }
0x21c: {  	[tilespmem:s20], [sflag:$0x2] =	stream.indirect.gather [spmem:s2], $0x50, s7, s17, $0xb8;
	[tilespmem:$0x1EB00] =	vst v63  }
0x21d: {  	s6 =	simm.s32 $0x600  }
0x21e: {  	[spmem:s3] =	stream.indirect.scatter.add.bf16 [tilespmem:s18], [sflag:$0x4], $0x50, s6, s17, $0xb8;
	[tilespmem:$0x1EB00] =	vst v63  }
0x21f: {  	_ =	swait.ge [sflag:s13], $0x2800  }
0x220: {  	[sflag:s13] =	ssyncset.done $0x0  }
0x221: {  	[sflag:s13] =	ssyncadd.s32 $0xFFFFD800  }
0x222: {  	_ =	swait.ge [sflag:s23], $0x2800  }
0x223: {  	[sflag:s23] =	ssyncset.done $0x0  }
0x224: {  	s7 =	simm.s32 $0x300;
	[sflag:s23] =	ssyncadd.s32 $0xFFFFD800  }
0x225: {  	[tilespmem:s18], [sflag:$0x1] =	stream.indirect.gather [spmem:s2], $0x50, s7, s17, $0xb8;
	[tilespmem:$0x1EB00] =	vst v63  }
0x226: {  	s6 =	simm.s32 $0x680  }
0x227: {  	[spmem:s3] =	stream.indirect.scatter.add.bf16 [tilespmem:s20], [sflag:$0x4], $0x50, s6, s17, $0xb8;
	[tilespmem:$0x1EB00] =	vst v63  }
0x228: {  	_ =	swait.ge [sflag:s13], $0x2800  }
0x229: {  	[sflag:s13] =	ssyncset.done $0x0  }
0x22a: {  	[sflag:s13] =	ssyncadd.s32 $0xFFFFD800  }
0x22b: {  	_ =	swait.ge [sflag:s19], $0x2800  }
0x22c: {  	[sflag:s19] =	ssyncset.done $0x0  }
0x22d: {  	s7 =	simm.s32 $0x380;
	[sflag:s19] =	ssyncadd.s32 $0xFFFFD800  }
0x22e: {  	[tilespmem:s20], [sflag:$0x2] =	stream.indirect.gather [spmem:s2], $0x50, s7, s17, $0xb8;
	[tilespmem:$0x1EB00] =	vst v63  }
0x22f: {  	_ = 	snop  }
0x230: {  	[spmem:s3] =	stream.indirect.scatter.add.bf16 [tilespmem:s18], [sflag:$0x4], $0x50, s28, s17, $0xb8;
	[tilespmem:$0x1EB00] =	vst v63  }
0x231: {  	_ =	swait.ge [sflag:s13], $0x2800  }
0x232: {  	[sflag:s13] =	ssyncset.done $0x0  }
0x233: {  	[sflag:s13] =	ssyncadd.s32 $0xFFFFD800  }
0x234: {  	_ =	swait.ge [sflag:s23], $0x2800  }
0x235: {  	[sflag:s23] =	ssyncset.done $0x0  }
0x236: {  	[sflag:s23] =	ssyncadd.s32 $0xFFFFD800  }
0x237: {  	_ =	swait.ge [sflag:s9], $0x800  }
0x238: {  	[sflag:s9] =	ssyncset.done $0x0  }
0x239: {  	[sflag:s9] =	ssyncadd.s32 $0xFFFFF800  }
0x23a: {  	[tilespmem:s18], [sflag:$0x1] =	stream.indirect.gather [spmem:s2], $0x50, s22, s17, $0xb8;
	[tilespmem:$0x1EB00] =	vst v63  }
0x23b: {  	_ = 	snop  }
0x23c: {  	[spmem:s3] =	stream.indirect.scatter.add.bf16 [tilespmem:s20], [sflag:$0x4], $0x50, s29, s17, $0xb8;
	[tilespmem:$0x1EB00] =	vst v63  }
0x23d: {  	_ =	swait.ge [sflag:s13], $0x2800  }
0x23e: {  	[sflag:s13] =	ssyncset.done $0x0  }
0x23f: {  	[sflag:s13] =	ssyncadd.s32 $0xFFFFD800  }
0x240: {  	_ =	swait.ge [sflag:s19], $0x2800  }
0x241: {  	[sflag:s19] =	ssyncset.done $0x0  }
0x242: {  	[sflag:s19] =	ssyncadd.s32 $0xFFFFD800  }
0x243: {  	[tilespmem:s20], [sflag:$0x2] =	stream.indirect.gather [spmem:s2], $0x50, s30, s17, $0xb8;
	[tilespmem:$0x1EB00] =	vst v63  }
0x244: {  	_ = 	snop  }
0x245: {  	[spmem:s3] =	stream.indirect.scatter.add.bf16 [tilespmem:s18], [sflag:$0x4], $0x50, s31, s17, $0xb8;
	[tilespmem:$0x1EB00] =	vst v63  }
0x246: {  	_ =	swait.ge [sflag:s13], $0x2800  }
0x247: {  	[sflag:s13] =	ssyncset.done $0x0  }
0x248: {  	[sflag:s13] =	ssyncadd.s32 $0xFFFFD800  }
0x249: {  	_ =	swait.ge [sflag:s23], $0x2800  }
0x24a: {  	[sflag:s23] =	ssyncset.done $0x0  }
0x24b: {  	[sflag:s23] =	ssyncadd.s32 $0xFFFFD800  }
0x24c: {  	[tilespmem:s18], [sflag:$0x1] =	stream.indirect.gather [spmem:s2], $0x50, s0, s17, $0xb8;
	[tilespmem:$0x1EB00] =	vst v63  }
0x24d: {  	_ = 	snop  }
0x24e: {  	[spmem:s3] =	stream.indirect.scatter.add.bf16 [tilespmem:s20], [sflag:$0x4], $0x50, s8, s17, $0xb8;
	[tilespmem:$0x1EB00] =	vst v63  }
0x24f: {  	_ =	swait.ge [sflag:s13], $0x2800  }
0x250: {  	[sflag:s13] =	ssyncset.done $0x0  }
0x251: {  	[sflag:s13] =	ssyncadd.s32 $0xFFFFD800  }
0x252: {  	_ =	swait.ge [sflag:s19], $0x2800  }
0x253: {  	[sflag:s19] =	ssyncset.done $0x0  }
0x254: {  	[sflag:s19] =	ssyncadd.s32 $0xFFFFD800  }
0x255: {  	[tilespmem:s20], [sflag:$0x2] =	stream.indirect.gather [spmem:s2], $0x50, s5, s17, $0xb8;
	[tilespmem:$0x1EB00] =	vst v63  }
0x256: {  	_ = 	snop  }
0x257: {  	[spmem:s3] =	stream.indirect.scatter.add.bf16 [tilespmem:s18], [sflag:$0x4], $0x50, s10, s17, $0xb8;
	[tilespmem:$0x1EB00] =	vst v63  }
0x258: {  	_ =	swait.ge [sflag:s13], $0x2800  }
0x259: {  	[sflag:s13] =	ssyncset.done $0x0  }
0x25a: {  	[sflag:s13] =	ssyncadd.s32 $0xFFFFD800  }
0x25b: {  	_ =	swait.ge [sflag:s23], $0x2800  }
0x25c: {  	[sflag:s23] =	ssyncset.done $0x0  }
0x25d: {  	[sflag:s23] =	ssyncadd.s32 $0xFFFFD800  }
0x25e: {  	[tilespmem:s18], [sflag:$0x1] =	stream.indirect.gather [spmem:s2], $0x50, s11, s17, $0xb8;
	[tilespmem:$0x1EB00] =	vst v63  }
0x25f: {  	_ = 	snop  }
0x260: {  	[spmem:s3] =	stream.indirect.scatter.add.bf16 [tilespmem:s20], [sflag:$0x4], $0x50, s12, s17, $0xb8;
	[tilespmem:$0x1EB00] =	vst v63  }
0x261: {  	_ =	swait.ge [sflag:s13], $0x2800  }
0x262: {  	[sflag:s13] =	ssyncset.done $0x0  }
0x263: {  	[sflag:s13] =	ssyncadd.s32 $0xFFFFD800  }
0x264: {  	_ =	swait.ge [sflag:s19], $0x2800  }
0x265: {  	[sflag:s19] =	ssyncset.done $0x0  }
0x266: {  	[sflag:s19] =	ssyncadd.s32 $0xFFFFD800  }
0x267: {  	[tilespmem:s20], [sflag:$0x2] =	stream.indirect.gather [spmem:s2], $0x50, s14, s17, $0xb8;
	[tilespmem:$0x1EB00] =	vst v63  }
0x268: {  	_ = 	snop  }
0x269: {  	[spmem:s3] =	stream.indirect.scatter.add.bf16 [tilespmem:s18], [sflag:$0x4], $0x50, s15, s17, $0xb8;
	[tilespmem:$0x1EB00] =	vst v63  }
0x26a: {  	_ =	swait.ge [sflag:s13], $0x2800  }
0x26b: {  	[sflag:s13] =	ssyncset.done $0x0  }
0x26c: {  	[sflag:s13] =	ssyncadd.s32 $0xFFFFD800  }
0x26d: {  	_ =	swait.ge [sflag:s23], $0x2800  }
0x26e: {  	[sflag:s23] =	ssyncset.done $0x0  }
0x26f: {  	[sflag:s23] =	ssyncadd.s32 $0xFFFFD800  }
0x270: {  	[tilespmem:s18], [sflag:$0x1] =	stream.indirect.gather [spmem:s2], $0x50, s16, s17, $0xb8;
	[tilespmem:$0x1EB00] =	vst v63  }
0x271: {  	_ = 	snop  }
0x272: {  	[spmem:s3] =	stream.indirect.scatter.add.bf16 [tilespmem:s20], [sflag:$0x4], $0x50, s21, s17, $0xb8;
	[tilespmem:$0x1EB00] =	vst v63  }
0x273: {  	_ =	swait.ge [sflag:s13], $0x2800  }
0x274: {  	[sflag:s13] =	ssyncset.done $0x0  }
0x275: {  	[sflag:s13] =	ssyncadd.s32 $0xFFFFD800  }
0x276: {  	_ =	swait.ge [sflag:s19], $0x2800  }
0x277: {  	[sflag:s19] =	ssyncset.done $0x0  }
0x278: {  	[sflag:s19] =	ssyncadd.s32 $0xFFFFD800  }
0x279: {  	[tilespmem:s20], [sflag:$0x2] =	stream.indirect.gather [spmem:s2], $0x50, s24, s17, $0xb8;
	[tilespmem:$0x1EB00] =	vst v63  }
0x27a: {  	_ = 	snop  }
0x27b: {  	[spmem:s3] =	stream.indirect.scatter.add.bf16 [tilespmem:s18], [sflag:$0x4], $0x50, s25, s17, $0xb8;
	[tilespmem:$0x1EB00] =	vst v63  }
0x27c: {  	_ =	swait.ge [sflag:s13], $0x2800  }
0x27d: {  	[sflag:s13] =	ssyncset.done $0x0  }
0x27e: {  	[sflag:s13] =	ssyncadd.s32 $0xFFFFD800  }
0x27f: {  	_ =	swait.ge [sflag:s23], $0x2800  }
0x280: {  	[sflag:s23] =	ssyncset.done $0x0  }
0x281: {  	[sflag:s23] =	ssyncadd.s32 $0xFFFFD800  }
0x282: {  	[spmem:s3] =	stream.indirect.scatter.add.bf16 [tilespmem:s20], [sflag:$0x4], $0x50, s26, s17, $0xb8;
	[tilespmem:$0x1EB00] =	vst v63  }
0x283: {  	_ =	swait.ge [sflag:s13], $0x2800  }
0x284: {  	[sflag:s13] =	ssyncset.done $0x0  }
0x285: {  	[sflag:s13] =	ssyncadd.s32 $0xFFFFD800  }
0x286: {  	[bflag:$0x0] =	sbarrier.arrive $0xFFFF  }
0x287: {  	s29 =	rddreg [dreg:$0xd]  }
0x288: {  	s5 =	rddreg [dreg:$0xf]  }
0x289: {  	s6 =	rddreg [dreg:$0x11]  }
0x28a: {  	[hbm:s29], [sflag:s5] =	dma.local [spmem:s6], $0x18B0  }
0x28b: {  	_ =	swait.ge [sflag:s13], $0x18B0  }
0x28c: {  	s30 =	rddreg [dreg:$0x12]  }
0x28d: {  	s31 =	rddreg [dreg:$0xe];
	s0 =	sadd.s32 $0x1, s30  }
0x28e: {  	p0 =	sne.s32 s0, s31  }
.Ltmp1:
0x28f: {  	_ = 	snop;
	(pc) =	sbr.rel @p0 .LBB2_1-.Ltmp1, $3  }
0x290: {  	_ =	sdelay $0x1  }
0x291: {  	[sflag:s13] =	ssyncset.done $0x0  }
0x292: {  	[sflag:s13] =	ssyncadd.s32 $0xFFFFE750  }
0x293: {  	_ =	sfence.sel $0x180000  }
0x294: {  	[bflag:$0x0] =	sbarrier.arrive $0xFFFF  }
0x295: {  	_ =	strace $0x90000047  }
0x296: {  	s0 =	stileid.u32;
	[bflag:$0x2] =	sbarrier.arrive $0xFFFF  }
0x297: {  	p0 =	sne.s32 s0, $0x0;
	s0 =	rddreg [dreg:$0x4]  }
0x298: {  	s0 =	sadd.s32 @!p0 $0x100000, s0  }
0x299: {  	[sflag:s0] =	ssyncadd.tile.s32 @!p0 $0x1;
	_ =	shalt  }
.Lfunc_end2:
_tile_overlayer_lowered:
.L_overlay_start_2:
0x29a: {  	(tag) =	ssettag $0x2  }
0x29b: {  	s0 =	rddreg [dreg:$0x0];
	s2 =	stileid.u32  }
0x29c: {  	s1 =	rddreg [dreg:$0x1];
	p0 =	sne.s32 s2, $0x0  }
0x29d: {  	s3 =	rddreg [dreg:$0x2];
	[bflag:$0x3] =	sbarrier.arrive $0xFFFF;
	s2 =	simm.s32 @!p0 $0x1C04  }
0x29e: {  	[timem:s3], [sflag:s2] =	dma.local @!p0 [hbm:s0], s1  }
0x29f: {  	s0 =	simm.s32 @!p0 $0x4  }
0x2a0: {  	_ =	swait.ge @!p0 [sflag:s0], s1  }
0x2a1: {  	s1 =	ssub.s32 @!p0 $0x0, s1;
	[sflag:s0] =	ssyncset.done @!p0 $0x0  }
0x2a2: {  	[sflag:s0] =	ssyncadd.s32 @!p0 s1  }
0x2a3: {  	[bflag:$0x3] =	sbarrier.arrive $0xFFFF  }
0x2a4: {  	_ =	shalt  }

</sc_bundles>
